<compile_context>
chip_gen: v7x
topology: tpu7x:2x2x1
jax: 0.10.2.dev20260603
libtpu: 0.0.44.dev20260713+nightly
codegen_flags: <defaults>
</compile_context>

<pallas_src>
import functools

import jax
import jax.numpy as jnp
from jax import lax
from jax.experimental import pallas as pl
from jax.experimental.pallas import tpu as pltpu
from jax.experimental.pallas import tpu_sc as plsc

_N = 10000
_E = 320000
_D = 128
_L = 32
_OUT = 128

_NC = 2
_NS = 16
_NPAD = 10240
_STRIPE = _NPAD // _NS
_EPT = _E // (_NC * _NS)
_CH = 2000
_NCHUNK = _EPT // _CH
_B = 80
_R = _CH // _B

_ABL_GATHER = False
_ABL_SCALE = True
_ABL_SCATTER = True



def _tc_pre_body(x_ref, w1_ref, b1_ref, w2_ref, b2_ref, wg_ref, a2_ref,
                 regre_ref, h_ref, sd_ref):
    x = x_ref[...]
    t = jnp.maximum(jnp.dot(x, w1_ref[...],
                            preferred_element_type=jnp.float32)
                    + b1_ref[...][None, :], 0.0)
    regre_ref[...] = jnp.dot(t, w2_ref[...],
                             preferred_element_type=jnp.float32) \
        + b2_ref[...][None, :]
    h = jnp.dot(x, wg_ref[...], preferred_element_type=jnp.float32)
    h_ref[...] = h
    sd_ref[...] = jnp.dot(h, a2_ref[...], preferred_element_type=jnp.float32)


def _tc_pre(x, W1, b1, W2, b2, Wg, a2):
    return pl.pallas_call(
        _tc_pre_body,
        out_shape=(
            jax.ShapeDtypeStruct((_N, _L), jnp.float32),
            jax.ShapeDtypeStruct((_N, _L), jnp.float32),
            jax.ShapeDtypeStruct((_N, 2), jnp.float32),
        ),
    )(x, W1, b1, W2, b2, Wg, a2)



def _sc_edge_body(src3, dst3, s_hbm, d_hbm, h_hbm,
                  acc_out, den_out,
                  s_loc, d_loc, src_c, dst_c, ex_c, rows, zbuf,
                  acc_sh, den_sh, sem, sem2):
    cid = lax.axis_index("c")
    sid = lax.axis_index("s")
    tid = cid * _NS + sid

    pltpu.sync_copy(s_hbm, s_loc)
    pltpu.sync_copy(d_hbm, d_loc)

    zero16 = jnp.zeros((16,), jnp.float32)

    def _zb(i, c):
        zbuf[pl.ds(i * 16, 16)] = zero16
        return c
    lax.fori_loop(0, _STRIPE // 16, _zb, 0)

    def _zr(i, c):
        rows[i, pl.ds(0, 16)] = zero16
        rows[i, pl.ds(16, 16)] = zero16
        return c
    lax.fori_loop(0, _STRIPE, _zr, 0)

    pltpu.sync_copy(rows.at[pl.ds(0, _STRIPE), :],
                    acc_sh.at[pl.ds(sid * _STRIPE, _STRIPE), :])
    pltpu.sync_copy(zbuf, den_sh.at[pl.ds(sid * _STRIPE, _STRIPE)])
    plsc.subcore_barrier()

    def _chunk(ch, carry):
        blk = tid * _NCHUNK + ch
        di = [pltpu.async_copy(src3.at[blk], src_c, sem),
              pltpu.async_copy(dst3.at[blk], dst_c, sem)]
        for dsc in di:
            dsc.wait()

        descs = [
            pltpu.async_copy(h_hbm.at[src_c.at[r]],
                             rows.at[pl.ds(r * _B, _B), :], sem)
            for r in range(_R)
        ] if _ABL_GATHER else []

        def _ex_row(r, c):
            for k in range(_B // 16):
                sv = src_c[r, pl.ds(k * 16, 16)]
                dv = dst_c[r, pl.ds(k * 16, 16)]
                e = plsc.load_gather(s_loc, [sv]) \
                    + plsc.load_gather(d_loc, [dv])
                e = jnp.where(e >= 0.0, e, 0.2 * e)
                ex_c[r, pl.ds(k * 16, 16)] = jnp.exp(e)
            return c
        lax.fori_loop(0, _R, _ex_row, 0)

        for dsc in descs:
            dsc.wait()

        iota16 = lax.iota(jnp.int32, 16)

        def _scale(g, c):
            ridx = iota16 + g * 16
            ex_v = ex_c[g // 5, pl.ds((g % 5) * 16, 16)]
            for col in range(_L):
                cidx = jnp.full((16,), col, jnp.int32)
                v = plsc.load_gather(rows, [ridx, cidx])
                plsc.store_scatter(rows, [ridx, cidx], v * ex_v)
            return c
        if _ABL_SCALE:
            lax.fori_loop(0, _CH // 16, _scale, 0)

        ds = []
        for r in range(_R if _ABL_SCATTER else 0):
            ds.append(pltpu.async_copy(rows.at[pl.ds(r * _B, _B), :],
                                       acc_sh.at[dst_c.at[r]], sem2,
                                       add=True))
            ds.append(pltpu.async_copy(ex_c.at[r], den_sh.at[dst_c.at[r]],
                                       sem2, add=True))
        for dsc in ds:
            dsc.wait()
        return carry

    lax.fori_loop(0, _NCHUNK, _chunk, 0)
    plsc.subcore_barrier()

    pltpu.sync_copy(acc_sh.at[pl.ds(sid * _STRIPE, _STRIPE), :],
                    rows.at[pl.ds(0, _STRIPE), :])
    pltpu.sync_copy(rows.at[pl.ds(0, _STRIPE), :],
                    acc_out.at[cid, pl.ds(sid * _STRIPE, _STRIPE), :])
    pltpu.sync_copy(den_sh.at[pl.ds(sid * _STRIPE, _STRIPE)], zbuf)
    pltpu.sync_copy(zbuf, den_out.at[cid, pl.ds(sid * _STRIPE, _STRIPE)])


def _sc_edge(src3, dst3, s, d, h):
    mesh = plsc.VectorSubcoreMesh(core_axis_name="c", subcore_axis_name="s",
                                  num_cores=_NC, num_subcores=_NS)
    f = pl.kernel(
        _sc_edge_body,
        out_type=(
            jax.ShapeDtypeStruct((_NC, _NPAD, _L), jnp.float32),
            jax.ShapeDtypeStruct((_NC, _NPAD), jnp.float32),
        ),
        mesh=mesh,
        compiler_params=pltpu.CompilerParams(needs_layout_passes=False,
                                             use_tc_tiling_on_sc=False),
        scratch_types=[
            pltpu.VMEM((_N,), jnp.float32),
            pltpu.VMEM((_N,), jnp.float32),
            pltpu.VMEM((_R, _B), jnp.int32),
            pltpu.VMEM((_R, _B), jnp.int32),
            pltpu.VMEM((_R, _B), jnp.float32),
            pltpu.VMEM((_CH, _L), jnp.float32),
            pltpu.VMEM((_STRIPE,), jnp.float32),
            pltpu.VMEM_SHARED((_NPAD, _L), jnp.float32),
            pltpu.VMEM_SHARED((_NPAD,), jnp.float32),
            pltpu.SemaphoreType.DMA,
            pltpu.SemaphoreType.DMA,
        ],
    )
    return f(src3, dst3, s, d, h)



def _tc_post_body(regre_ref, acc_ref, den_ref, alphas_ref, wf_ref, bf_ref,
                  out_ref):
    acc = acc_ref[0] + acc_ref[1]
    den = den_ref[...]
    tot = den[:, 0:1] + den[:, 1:2]
    interp = acc / (tot + 1e-16)
    al = alphas_ref[...][None, :]
    mix = regre_ref[...] * al + interp * (1.0 - al)
    out_ref[...] = jnp.maximum(
        jnp.dot(mix, wf_ref[...], preferred_element_type=jnp.float32)
        + bf_ref[...][None, :], 0.0)


def _tc_post(regre, acc, den_t, alphas, Wf, bf):
    return pl.pallas_call(
        _tc_post_body,
        out_shape=jax.ShapeDtypeStruct((_N, _OUT), jnp.float32),
    )(regre, acc, den_t, alphas, Wf, bf)



def kernel(x, edge_index, W1, b1, W2, b2, Wg, a_src, a_dst, alphas, Wf, bf):
    a2 = jnp.stack([a_src, a_dst], axis=1)
    regre, h, sd = _tc_pre(x, W1, b1, W2, b2, Wg, a2)
    s = sd[:, 0]
    d = sd[:, 1]
    src3 = edge_index[0].reshape(_NC * _NS * _NCHUNK, _R, _B)
    dst3 = edge_index[1].reshape(_NC * _NS * _NCHUNK, _R, _B)
    acc, den = _sc_edge(src3, dst3, s, d, h)
    acc = acc[:, :_N, :]
    den_t = den[:, :_N].T
    return _tc_post(regre, acc, den_t, alphas, Wf, bf)

# --- scband reference (transcript-rebuilt; emitter-appended) ---
"""Pipeline reference for scband-mixed-gradient-model-50337016709819 (READ-ONLY COPY).

The authoritative reference and input builder live on the scoring server;
editing this copy changes nothing except your own understanding.
"""

import jax, jax.numpy as jnp
import numpy as np

N = 10000
E = 320000
D = 128
L = 32
OUT = 128


def setup_inputs(seed: int = 0) -> dict:
    key = jax.random.key(seed)
    ks = jax.random.split(key, 12)
    x = jax.random.normal(ks[0], (N, D), dtype=jnp.float32)
    edge_index = jax.random.randint(ks[1], (2, E), 0, N, dtype=jnp.int32)
    # MLP_regression params (Linear(D, D) -> ReLU -> Linear(D, L))
    W1 = jax.random.normal(ks[2], (D, D), dtype=jnp.float32) / np.sqrt(D)
    b1 = jnp.zeros((D,), dtype=jnp.float32)
    W2 = jax.random.normal(ks[3], (D, L), dtype=jnp.float32) / np.sqrt(D)
    b2 = jnp.zeros((L,), dtype=jnp.float32)
    # GAT_interpolation params (single-head GAT: D -> L)
    Wg = jax.random.normal(ks[4], (D, L), dtype=jnp.float32) / np.sqrt(D)
    a_src = jax.random.normal(ks[5], (L,), dtype=jnp.float32) / np.sqrt(L)
    a_dst = jax.random.normal(ks[6], (L,), dtype=jnp.float32) / np.sqrt(L)
    # mixing coefficients
    alphas = jnp.full((L,), 0.5, dtype=jnp.float32)
    # final linear L -> OUT
    Wf = jax.random.normal(ks[7], (L, OUT), dtype=jnp.float32) / np.sqrt(L)
    bf = jnp.zeros((OUT,), dtype=jnp.float32)
    return {"x": x, "edge_index": edge_index, "W1": W1, "b1": b1, "W2": W2,
            "b2": b2, "Wg": Wg, "a_src": a_src, "a_dst": a_dst,
            "alphas": alphas, "Wf": Wf, "bf": bf}


def reference(x, edge_index, W1, b1, W2, b2, Wg, a_src, a_dst, alphas, Wf, bf):
    # MLP_regression branch
    regre = jnp.maximum(x @ W1 + b1, 0.0) @ W2 + b2  # [N, L]
    # GAT_interpolation branch
    h = x @ Wg  # [N, L]
    src = edge_index[0]
    dst = edge_index[1]
    e = jax.nn.leaky_relu(h[src] @ a_src + h[dst] @ a_dst, negative_slope=0.2)  # [E]
    m = jax.ops.segment_max(e, dst, num_segments=N)  # [N]
    ex = jnp.exp(e - m[dst])
    denom = jax.ops.segment_sum(ex, dst, num_segments=N)  # [N]
    alpha = ex / (denom[dst] + 1e-16)  # [E]
    interp = jax.ops.segment_sum(alpha[:, None] * h[src], dst, num_segments=N)  # [N, L]
    # mix and final projection
    out = regre * alphas + interp * (1.0 - alphas)
    return jnp.maximum(out @ Wf + bf, 0.0)

if __name__ == "__main__":
    import jax
    _d = setup_inputs()
    print(jax.jit(kernel)(*tuple(_d.values())))

</pallas_src>

<mosaic_0001>
#map = affine_map<(d0, d1) -> (0, 0, 0)>
#map1 = affine_map<(d0, d1) -> (0)>
#map2 = affine_map<(d0, d1) -> (0, 0)>
module attributes {stable_mosaic.version = 14 : i64} {
  func.func @_sc_edge_body(%arg0: i32, %arg1: i32, %arg2: memref<160x25x80xi32, #tpu.memory_space<hbm>>, %arg3: memref<160x25x80xi32, #tpu.memory_space<hbm>>, %arg4: memref<10000xf32, #tpu.memory_space<hbm>>, %arg5: memref<10000xf32, #tpu.memory_space<hbm>>, %arg6: memref<10000x32xf32, #tpu.memory_space<hbm>>, %arg7: memref<2x10240x32xf32, #tpu.memory_space<hbm>>, %arg8: memref<2x10240xf32, #tpu.memory_space<hbm>>, %arg9: memref<10000xf32, #tpu.memory_space<vmem>>, %arg10: memref<10000xf32, #tpu.memory_space<vmem>>, %arg11: memref<25x80xi32, #tpu.memory_space<vmem>>, %arg12: memref<25x80xi32, #tpu.memory_space<vmem>>, %arg13: memref<25x80xf32, #tpu.memory_space<vmem>>, %arg14: memref<2000x32xf32, #tpu.memory_space<vmem>>, %arg15: memref<640xf32, #tpu.memory_space<vmem>>, %arg16: memref<10240x32xf32, #tpu.memory_space<vmem_shared>>, %arg17: memref<10240xf32, #tpu.memory_space<vmem_shared>>, %arg18: memref<!tpu.dma_semaphore, #tpu.memory_space<semaphore_mem>>, %arg19: memref<!tpu.dma_semaphore, #tpu.memory_space<semaphore_mem>>) attributes {dimension_semantics = [#tpu.dimension_semantics<core_parallel>, #tpu.dimension_semantics<subcore_parallel>], iteration_bounds = array<i64: 2, 16>, scalar_prefetch = 0 : i64, scratch_operands = 11 : i64, tpu.core_type = #tpu.core_type<sc_vector_subcore>, window_params = [{transform_indices = #map}, {transform_indices = #map}, {transform_indices = #map1}, {transform_indices = #map1}, {transform_indices = #map2}, {transform_indices = #map}, {transform_indices = #map2}]} {
    %mul3A = arith.constant 16 : i32
    %mul3A_0 = arith.muli %arg0, %mul3A : i32
    %add3A = arith.addi %mul3A_0, %arg1 : i32
    "tpu.region"() ({
      %run_scoped3A = tpu.sem_alloc : memref<!tpu.dma_semaphore, #tpu.memory_space<semaphore_mem>>
      tpu.enqueue_dma source(%arg4 : memref<10000xf32, #tpu.memory_space<hbm>>) target(%arg9 : memref<10000xf32, #tpu.memory_space<vmem>>) target_semaphore(%run_scoped3A : memref<!tpu.dma_semaphore, #tpu.memory_space<semaphore_mem>>)
      tpu.wait_dma2 semaphore(%run_scoped3A : memref<!tpu.dma_semaphore, #tpu.memory_space<semaphore_mem>>) src(%arg4 : memref<10000xf32, #tpu.memory_space<hbm>>) dst(%arg9 : memref<10000xf32, #tpu.memory_space<vmem>>)
      tpu.yield
    }) : () -> ()
    "tpu.region"() ({
      %run_scoped3A = tpu.sem_alloc : memref<!tpu.dma_semaphore, #tpu.memory_space<semaphore_mem>>
      tpu.enqueue_dma source(%arg5 : memref<10000xf32, #tpu.memory_space<hbm>>) target(%arg10 : memref<10000xf32, #tpu.memory_space<vmem>>) target_semaphore(%run_scoped3A : memref<!tpu.dma_semaphore, #tpu.memory_space<semaphore_mem>>)
      tpu.wait_dma2 semaphore(%run_scoped3A : memref<!tpu.dma_semaphore, #tpu.memory_space<semaphore_mem>>) src(%arg5 : memref<10000xf32, #tpu.memory_space<hbm>>) dst(%arg10 : memref<10000xf32, #tpu.memory_space<vmem>>)
      tpu.yield
    }) : () -> ()
    %broadcast_in_dim3A = arith.constant 0.000000e+00 : f32
    %broadcast_in_dim3A_1 = vector.broadcast %broadcast_in_dim3A : f32 to vector<16xf32>
    %scan3A = arith.constant 0 : i32
    %scan3A_2 = arith.constant 0 : i32
    %scan3A_3 = arith.constant 40 : i32
    %scan3A_4 = arith.addi %scan3A_2, %scan3A_3 : i32
    %scan3A_5 = arith.constant 1 : i32
    scf.for %scan3A_32 = %scan3A_2 to %scan3A_4 step %scan3A_5  : i32 {
      %mul3A_33 = arith.constant 16 : i32
      %mul3A_34 = arith.muli %scan3A_32, %mul3A_33 : i32
      %swap3A = arith.index_cast %mul3A_34 : i32 to index
      %swap3A_35 = tpu.vector_load %arg15[%swap3A] {strides = array<i32>} : memref<640xf32, #tpu.memory_space<vmem>>, vector<16xf32>,
      tpu.vector_store %arg15[%swap3A], %broadcast_in_dim3A_1 {strides = array<i32>} : memref<640xf32, #tpu.memory_space<vmem>>, vector<16xf32>,
    }
    %scan3A_6 = arith.constant 40 : i32
    %scan3A_7 = arith.constant 0 : i32
    %scan3A_8 = arith.constant 0 : i32
    %scan3A_9 = arith.constant 640 : i32
    %scan3A_10 = arith.addi %scan3A_8, %scan3A_9 : i32
    %scan3A_11 = arith.constant 1 : i32
    scf.for %scan3A_32 = %scan3A_8 to %scan3A_10 step %scan3A_11  : i32 {
      %swap3A = arith.index_cast %scan3A_32 : i32 to index
      %swap3A_33 = arith.constant 0 : index
      %swap3A_34 = tpu.vector_load %arg14[%swap3A, %swap3A_33] {strides = array<i32>} : memref<2000x32xf32, #tpu.memory_space<vmem>>, vector<16xf32>,
      tpu.vector_store %arg14[%swap3A, %swap3A_33], %broadcast_in_dim3A_1 {strides = array<i32>} : memref<2000x32xf32, #tpu.memory_space<vmem>>, vector<16xf32>,
      %swap3A_35 = arith.index_cast %scan3A_32 : i32 to index
      %swap3A_36 = arith.constant 16 : index
      %swap3A_37 = tpu.vector_load %arg14[%swap3A_35, %swap3A_36] {strides = array<i32>} : memref<2000x32xf32, #tpu.memory_space<vmem>>, vector<16xf32>,
      tpu.vector_store %arg14[%swap3A_35, %swap3A_36], %broadcast_in_dim3A_1 {strides = array<i32>} : memref<2000x32xf32, #tpu.memory_space<vmem>>, vector<16xf32>,
    }
    %scan3A_12 = arith.constant 640 : i32
    %mul3A_13 = arith.constant 640 : i32
    %mul3A_14 = arith.muli %arg1, %mul3A_13 : i32
    "tpu.region"() ({
      %run_scoped3A = tpu.sem_alloc : memref<!tpu.dma_semaphore, #tpu.memory_space<semaphore_mem>>
      %dma_start3A = arith.constant 0 : i32
      %dma_start3A_32 = arith.constant 0 : i32
      %dma_start3A_33 = tpu.memref_slice %arg14[%dma_start3A, %dma_start3A_32] : memref<2000x32xf32, #tpu.memory_space<vmem>> -> memref<640x32xf32, #tpu.memory_space<vmem>>
      %dma_start3A_34 = arith.constant 0 : i32
      %dma_start3A_35 = tpu.memref_slice %arg16[%mul3A_14, %dma_start3A_34] : memref<10240x32xf32, #tpu.memory_space<vmem_shared>> -> memref<640x32xf32, #tpu.memory_space<vmem_shared>>
      %dma_start3A_36 = arith.constant 0 : i32
      %dma_start3A_37 = tpu.memref_slice %arg16[%mul3A_14, %dma_start3A_36] : memref<10240x32xf32, #tpu.memory_space<vmem_shared>> -> memref<640x32xf32, #tpu.memory_space<vmem_shared>>
      %dma_start3A_38 = arith.constant 0 : i32
      %dma_start3A_39 = arith.constant 0 : i32
      %dma_start3A_40 = tpu.memref_slice %arg14[%dma_start3A_38, %dma_start3A_39] : memref<2000x32xf32, #tpu.memory_space<vmem>> -> memref<640x32xf32, #tpu.memory_space<vmem>>
      tpu.enqueue_dma source(%dma_start3A_40 : memref<640x32xf32, #tpu.memory_space<vmem>>) target(%dma_start3A_37 : memref<640x32xf32, #tpu.memory_space<vmem_shared>>) target_semaphore(%run_scoped3A : memref<!tpu.dma_semaphore, #tpu.memory_space<semaphore_mem>>)
      %dma_wait3A = arith.constant 0 : i32
      %dma_wait3A_41 = arith.constant 0 : i32
      %dma_wait3A_42 = tpu.memref_slice %arg14[%dma_wait3A, %dma_wait3A_41] : memref<2000x32xf32, #tpu.memory_space<vmem>> -> memref<640x32xf32, #tpu.memory_space<vmem>>
      %dma_wait3A_43 = arith.constant 0 : i32
      %dma_wait3A_44 = tpu.memref_slice %arg16[%mul3A_14, %dma_wait3A_43] : memref<10240x32xf32, #tpu.memory_space<vmem_shared>> -> memref<640x32xf32, #tpu.memory_space<vmem_shared>>
      %dma_wait3A_45 = arith.constant 0 : i32
      %dma_wait3A_46 = tpu.memref_slice %arg16[%mul3A_14, %dma_wait3A_45] : memref<10240x32xf32, #tpu.memory_space<vmem_shared>> -> memref<640x32xf32, #tpu.memory_space<vmem_shared>>
      %dma_wait3A_47 = arith.constant 0 : i32
      %dma_wait3A_48 = arith.constant 0 : i32
      %dma_wait3A_49 = tpu.memref_slice %arg14[%dma_wait3A_47, %dma_wait3A_48] : memref<2000x32xf32, #tpu.memory_space<vmem>> -> memref<640x32xf32, #tpu.memory_space<vmem>>
      tpu.wait_dma2 semaphore(%run_scoped3A : memref<!tpu.dma_semaphore, #tpu.memory_space<semaphore_mem>>) src(%dma_wait3A_49 : memref<640x32xf32, #tpu.memory_space<vmem>>) dst(%dma_wait3A_46 : memref<640x32xf32, #tpu.memory_space<vmem_shared>>)
      tpu.yield
    }) : () -> ()
    %mul3A_15 = arith.constant 640 : i32
    %mul3A_16 = arith.muli %arg1, %mul3A_15 : i32
    "tpu.region"() ({
      %run_scoped3A = tpu.sem_alloc : memref<!tpu.dma_semaphore, #tpu.memory_space<semaphore_mem>>
      %dma_start3A = tpu.memref_slice %arg17[%mul3A_16] : memref<10240xf32, #tpu.memory_space<vmem_shared>> -> memref<640xf32, #tpu.memory_space<vmem_shared>>
      %dma_start3A_32 = tpu.memref_slice %arg17[%mul3A_16] : memref<10240xf32, #tpu.memory_space<vmem_shared>> -> memref<640xf32, #tpu.memory_space<vmem_shared>>
      tpu.enqueue_dma source(%arg15 : memref<640xf32, #tpu.memory_space<vmem>>) target(%dma_start3A_32 : memref<640xf32, #tpu.memory_space<vmem_shared>>) target_semaphore(%run_scoped3A : memref<!tpu.dma_semaphore, #tpu.memory_space<semaphore_mem>>)
      %dma_wait3A = tpu.memref_slice %arg17[%mul3A_16] : memref<10240xf32, #tpu.memory_space<vmem_shared>> -> memref<640xf32, #tpu.memory_space<vmem_shared>>
      %dma_wait3A_33 = tpu.memref_slice %arg17[%mul3A_16] : memref<10240xf32, #tpu.memory_space<vmem_shared>> -> memref<640xf32, #tpu.memory_space<vmem_shared>>
      tpu.wait_dma2 semaphore(%run_scoped3A : memref<!tpu.dma_semaphore, #tpu.memory_space<semaphore_mem>>) src(%arg15 : memref<640xf32, #tpu.memory_space<vmem>>) dst(%dma_wait3A_33 : memref<640xf32, #tpu.memory_space<vmem_shared>>)
      tpu.yield
    }) : () -> ()
    %barrier3A = arith.constant 0 : index
    tpu.barrier barrier_id(%barrier3A)
    %scan3A_17 = arith.constant 0 : i32
    %scan3A_18 = arith.constant 0 : i32
    %scan3A_19 = arith.constant 5 : i32
    %scan3A_20 = arith.addi %scan3A_18, %scan3A_19 : i32
    %scan3A_21 = arith.constant 1 : i32
    scf.for %scan3A_32 = %scan3A_18 to %scan3A_20 step %scan3A_21  : i32 {
      %mul3A_33 = arith.constant 5 : i32
      %mul3A_34 = arith.muli %add3A, %mul3A_33 : i32
      %add3A_35 = arith.addi %mul3A_34, %scan3A_32 : i32
      %dma_start3A = arith.constant 0 : i32
      %dma_start3A_36 = arith.constant 0 : i32
      %dma_start3A_37 = tpu.memref_slice %arg2[%add3A_35, %dma_start3A, %dma_start3A_36] : memref<160x25x80xi32, #tpu.memory_space<hbm>> -> memref<1x25x80xi32, #tpu.memory_space<hbm>>
      %dma_start3A_38 = tpu.memref_squeeze %dma_start3A_37 : memref<1x25x80xi32, #tpu.memory_space<hbm>> -> memref<25x80xi32, #tpu.memory_space<hbm>>
      %dma_start3A_39 = arith.constant 0 : i32
      %dma_start3A_40 = arith.constant 0 : i32
      %dma_start3A_41 = tpu.memref_slice %arg2[%add3A_35, %dma_start3A_39, %dma_start3A_40] : memref<160x25x80xi32, #tpu.memory_space<hbm>> -> memref<1x25x80xi32, #tpu.memory_space<hbm>>
      %dma_start3A_42 = tpu.memref_squeeze %dma_start3A_41 : memref<1x25x80xi32, #tpu.memory_space<hbm>> -> memref<25x80xi32, #tpu.memory_space<hbm>>
      tpu.enqueue_dma source(%dma_start3A_42 : memref<25x80xi32, #tpu.memory_space<hbm>>) target(%arg11 : memref<25x80xi32, #tpu.memory_space<vmem>>) target_semaphore(%arg18 : memref<!tpu.dma_semaphore, #tpu.memory_space<semaphore_mem>>)
      %dma_start3A_43 = arith.constant 0 : i32
      %dma_start3A_44 = arith.constant 0 : i32
      %dma_start3A_45 = tpu.memref_slice %arg3[%add3A_35, %dma_start3A_43, %dma_start3A_44] : memref<160x25x80xi32, #tpu.memory_space<hbm>> -> memref<1x25x80xi32, #tpu.memory_space<hbm>>
      %dma_start3A_46 = tpu.memref_squeeze %dma_start3A_45 : memref<1x25x80xi32, #tpu.memory_space<hbm>> -> memref<25x80xi32, #tpu.memory_space<hbm>>
      %dma_start3A_47 = arith.constant 0 : i32
      %dma_start3A_48 = arith.constant 0 : i32
      %dma_start3A_49 = tpu.memref_slice %arg3[%add3A_35, %dma_start3A_47, %dma_start3A_48] : memref<160x25x80xi32, #tpu.memory_space<hbm>> -> memref<1x25x80xi32, #tpu.memory_space<hbm>>
      %dma_start3A_50 = tpu.memref_squeeze %dma_start3A_49 : memref<1x25x80xi32, #tpu.memory_space<hbm>> -> memref<25x80xi32, #tpu.memory_space<hbm>>
      tpu.enqueue_dma source(%dma_start3A_50 : memref<25x80xi32, #tpu.memory_space<hbm>>) target(%arg12 : memref<25x80xi32, #tpu.memory_space<vmem>>) target_semaphore(%arg18 : memref<!tpu.dma_semaphore, #tpu.memory_space<semaphore_mem>>)
      %dma_wait3A = arith.constant 0 : i32
      %dma_wait3A_51 = arith.constant 0 : i32
      %dma_wait3A_52 = tpu.memref_slice %arg2[%add3A_35, %dma_wait3A, %dma_wait3A_51] : memref<160x25x80xi32, #tpu.memory_space<hbm>> -> memref<1x25x80xi32, #tpu.memory_space<hbm>>
      %dma_wait3A_53 = tpu.memref_squeeze %dma_wait3A_52 : memref<1x25x80xi32, #tpu.memory_space<hbm>> -> memref<25x80xi32, #tpu.memory_space<hbm>>
      %dma_wait3A_54 = arith.constant 0 : i32
      %dma_wait3A_55 = arith.constant 0 : i32
      %dma_wait3A_56 = tpu.memref_slice %arg2[%add3A_35, %dma_wait3A_54, %dma_wait3A_55] : memref<160x25x80xi32, #tpu.memory_space<hbm>> -> memref<1x25x80xi32, #tpu.memory_space<hbm>>
      %dma_wait3A_57 = tpu.memref_squeeze %dma_wait3A_56 : memref<1x25x80xi32, #tpu.memory_space<hbm>> -> memref<25x80xi32, #tpu.memory_space<hbm>>
      tpu.wait_dma2 semaphore(%arg18 : memref<!tpu.dma_semaphore, #tpu.memory_space<semaphore_mem>>) src(%dma_wait3A_57 : memref<25x80xi32, #tpu.memory_space<hbm>>) dst(%arg11 : memref<25x80xi32, #tpu.memory_space<vmem>>)
      %dma_wait3A_58 = arith.constant 0 : i32
      %dma_wait3A_59 = arith.constant 0 : i32
      %dma_wait3A_60 = tpu.memref_slice %arg3[%add3A_35, %dma_wait3A_58, %dma_wait3A_59] : memref<160x25x80xi32, #tpu.memory_space<hbm>> -> memref<1x25x80xi32, #tpu.memory_space<hbm>>
      %dma_wait3A_61 = tpu.memref_squeeze %dma_wait3A_60 : memref<1x25x80xi32, #tpu.memory_space<hbm>> -> memref<25x80xi32, #tpu.memory_space<hbm>>
      %dma_wait3A_62 = arith.constant 0 : i32
      %dma_wait3A_63 = arith.constant 0 : i32
      %dma_wait3A_64 = tpu.memref_slice %arg3[%add3A_35, %dma_wait3A_62, %dma_wait3A_63] : memref<160x25x80xi32, #tpu.memory_space<hbm>> -> memref<1x25x80xi32, #tpu.memory_space<hbm>>
      %dma_wait3A_65 = tpu.memref_squeeze %dma_wait3A_64 : memref<1x25x80xi32, #tpu.memory_space<hbm>> -> memref<25x80xi32, #tpu.memory_space<hbm>>
      tpu.wait_dma2 semaphore(%arg18 : memref<!tpu.dma_semaphore, #tpu.memory_space<semaphore_mem>>) src(%dma_wait3A_65 : memref<25x80xi32, #tpu.memory_space<hbm>>) dst(%arg12 : memref<25x80xi32, #tpu.memory_space<vmem>>)
      %scan3A_66 = arith.constant 0 : i32
      %scan3A_67 = arith.constant 0 : i32
      %scan3A_68 = arith.constant 25 : i32
      %scan3A_69 = arith.addi %scan3A_67, %scan3A_68 : i32
      %scan3A_70 = arith.constant 1 : i32
      scf.for %scan3A_1078 = %scan3A_67 to %scan3A_69 step %scan3A_70  : i32 {
        %get3A = arith.index_cast %scan3A_1078 : i32 to index
        %get3A_1079 = arith.constant 0 : index
        %get3A_1080 = tpu.vector_load %arg11[%get3A, %get3A_1079] {strides = array<i32>} : memref<25x80xi32, #tpu.memory_space<vmem>>, vector<16xi32>,
        %get3A_1081 = arith.index_cast %scan3A_1078 : i32 to index
        %get3A_1082 = arith.constant 0 : index
        %get3A_1083 = tpu.vector_load %arg12[%get3A_1081, %get3A_1082] {strides = array<i32>} : memref<25x80xi32, #tpu.memory_space<vmem>>, vector<16xi32>,
        %gather3A = tpu.vector_load_idx %arg9[%get3A_1080] : memref<10000xf32, #tpu.memory_space<vmem>>[vector<16xi32>], vector<16xf32>,
        %gather3A_1084 = tpu.vector_load_idx %arg10[%get3A_1083] : memref<10000xf32, #tpu.memory_space<vmem>>[vector<16xi32>], vector<16xf32>,
        %add3A_1085 = arith.addf %gather3A, %gather3A_1084 : vector<16xf32>
        %ge3A = arith.constant 0.000000e+00 : f32
        %ge3A_1086 = vector.broadcast %ge3A : f32 to vector<16xf32>
        %ge3A_1087 = arith.cmpf oge, %add3A_1085, %ge3A_1086 : vector<16xf32>
        %mul3A_1088 = arith.constant 2.000000e-01 : f32
        %mul3A_1089 = vector.broadcast %mul3A_1088 : f32 to vector<16xf32>
        %mul3A_1090 = arith.mulf %mul3A_1089, %add3A_1085 : vector<16xf32>
        %select_n3A = arith.select %ge3A_1087, %add3A_1085, %mul3A_1090 : vector<16xi1>, vector<16xf32>
        %exp3A = math.exp %select_n3A : vector<16xf32>
        %swap3A = arith.index_cast %scan3A_1078 : i32 to index
        %swap3A_1091 = arith.constant 0 : index
        %swap3A_1092 = tpu.vector_load %arg13[%swap3A, %swap3A_1091] {strides = array<i32>} : memref<25x80xf32, #tpu.memory_space<vmem>>, vector<16xf32>,
        tpu.vector_store %arg13[%swap3A, %swap3A_1091], %exp3A {strides = array<i32>} : memref<25x80xf32, #tpu.memory_space<vmem>>, vector<16xf32>,
        %get3A_1093 = arith.index_cast %scan3A_1078 : i32 to index
        %get3A_1094 = arith.constant 16 : index
        %get3A_1095 = tpu.vector_load %arg11[%get3A_1093, %get3A_1094] {strides = array<i32>} : memref<25x80xi32, #tpu.memory_space<vmem>>, vector<16xi32>,
        %get3A_1096 = arith.index_cast %scan3A_1078 : i32 to index
        %get3A_1097 = arith.constant 16 : index
        %get3A_1098 = tpu.vector_load %arg12[%get3A_1096, %get3A_1097] {strides = array<i32>} : memref<25x80xi32, #tpu.memory_space<vmem>>, vector<16xi32>,
        %gather3A_1099 = tpu.vector_load_idx %arg9[%get3A_1095] : memref<10000xf32, #tpu.memory_space<vmem>>[vector<16xi32>], vector<16xf32>,
        %gather3A_1100 = tpu.vector_load_idx %arg10[%get3A_1098] : memref<10000xf32, #tpu.memory_space<vmem>>[vector<16xi32>], vector<16xf32>,
        %add3A_1101 = arith.addf %gather3A_1099, %gather3A_1100 : vector<16xf32>
        %ge3A_1102 = arith.constant 0.000000e+00 : f32
        %ge3A_1103 = vector.broadcast %ge3A_1102 : f32 to vector<16xf32>
        %ge3A_1104 = arith.cmpf oge, %add3A_1101, %ge3A_1103 : vector<16xf32>
        %mul3A_1105 = arith.constant 2.000000e-01 : f32
        %mul3A_1106 = vector.broadcast %mul3A_1105 : f32 to vector<16xf32>
        %mul3A_1107 = arith.mulf %mul3A_1106, %add3A_1101 : vector<16xf32>
        %select_n3A_1108 = arith.select %ge3A_1104, %add3A_1101, %mul3A_1107 : vector<16xi1>, vector<16xf32>
        %exp3A_1109 = math.exp %select_n3A_1108 : vector<16xf32>
        %swap3A_1110 = arith.index_cast %scan3A_1078 : i32 to index
        %swap3A_1111 = arith.constant 16 : index
        %swap3A_1112 = tpu.vector_load %arg13[%swap3A_1110, %swap3A_1111] {strides = array<i32>} : memref<25x80xf32, #tpu.memory_space<vmem>>, vector<16xf32>,
        tpu.vector_store %arg13[%swap3A_1110, %swap3A_1111], %exp3A_1109 {strides = array<i32>} : memref<25x80xf32, #tpu.memory_space<vmem>>, vector<16xf32>,
        %get3A_1113 = arith.index_cast %scan3A_1078 : i32 to index
        %get3A_1114 = arith.constant 32 : index
        %get3A_1115 = tpu.vector_load %arg11[%get3A_1113, %get3A_1114] {strides = array<i32>} : memref<25x80xi32, #tpu.memory_space<vmem>>, vector<16xi32>,
        %get3A_1116 = arith.index_cast %scan3A_1078 : i32 to index
        %get3A_1117 = arith.constant 32 : index
        %get3A_1118 = tpu.vector_load %arg12[%get3A_1116, %get3A_1117] {strides = array<i32>} : memref<25x80xi32, #tpu.memory_space<vmem>>, vector<16xi32>,
        %gather3A_1119 = tpu.vector_load_idx %arg9[%get3A_1115] : memref<10000xf32, #tpu.memory_space<vmem>>[vector<16xi32>], vector<16xf32>,
        %gather3A_1120 = tpu.vector_load_idx %arg10[%get3A_1118] : memref<10000xf32, #tpu.memory_space<vmem>>[vector<16xi32>], vector<16xf32>,
        %add3A_1121 = arith.addf %gather3A_1119, %gather3A_1120 : vector<16xf32>
        %ge3A_1122 = arith.constant 0.000000e+00 : f32
        %ge3A_1123 = vector.broadcast %ge3A_1122 : f32 to vector<16xf32>
        %ge3A_1124 = arith.cmpf oge, %add3A_1121, %ge3A_1123 : vector<16xf32>
        %mul3A_1125 = arith.constant 2.000000e-01 : f32
        %mul3A_1126 = vector.broadcast %mul3A_1125 : f32 to vector<16xf32>
        %mul3A_1127 = arith.mulf %mul3A_1126, %add3A_1121 : vector<16xf32>
        %select_n3A_1128 = arith.select %ge3A_1124, %add3A_1121, %mul3A_1127 : vector<16xi1>, vector<16xf32>
        %exp3A_1129 = math.exp %select_n3A_1128 : vector<16xf32>
        %swap3A_1130 = arith.index_cast %scan3A_1078 : i32 to index
        %swap3A_1131 = arith.constant 32 : index
        %swap3A_1132 = tpu.vector_load %arg13[%swap3A_1130, %swap3A_1131] {strides = array<i32>} : memref<25x80xf32, #tpu.memory_space<vmem>>, vector<16xf32>,
        tpu.vector_store %arg13[%swap3A_1130, %swap3A_1131], %exp3A_1129 {strides = array<i32>} : memref<25x80xf32, #tpu.memory_space<vmem>>, vector<16xf32>,
        %get3A_1133 = arith.index_cast %scan3A_1078 : i32 to index
        %get3A_1134 = arith.constant 48 : index
        %get3A_1135 = tpu.vector_load %arg11[%get3A_1133, %get3A_1134] {strides = array<i32>} : memref<25x80xi32, #tpu.memory_space<vmem>>, vector<16xi32>,
        %get3A_1136 = arith.index_cast %scan3A_1078 : i32 to index
        %get3A_1137 = arith.constant 48 : index
        %get3A_1138 = tpu.vector_load %arg12[%get3A_1136, %get3A_1137] {strides = array<i32>} : memref<25x80xi32, #tpu.memory_space<vmem>>, vector<16xi32>,
        %gather3A_1139 = tpu.vector_load_idx %arg9[%get3A_1135] : memref<10000xf32, #tpu.memory_space<vmem>>[vector<16xi32>], vector<16xf32>,
        %gather3A_1140 = tpu.vector_load_idx %arg10[%get3A_1138] : memref<10000xf32, #tpu.memory_space<vmem>>[vector<16xi32>], vector<16xf32>,
        %add3A_1141 = arith.addf %gather3A_1139, %gather3A_1140 : vector<16xf32>
        %ge3A_1142 = arith.constant 0.000000e+00 : f32
        %ge3A_1143 = vector.broadcast %ge3A_1142 : f32 to vector<16xf32>
        %ge3A_1144 = arith.cmpf oge, %add3A_1141, %ge3A_1143 : vector<16xf32>
        %mul3A_1145 = arith.constant 2.000000e-01 : f32
        %mul3A_1146 = vector.broadcast %mul3A_1145 : f32 to vector<16xf32>
        %mul3A_1147 = arith.mulf %mul3A_1146, %add3A_1141 : vector<16xf32>
        %select_n3A_1148 = arith.select %ge3A_1144, %add3A_1141, %mul3A_1147 : vector<16xi1>, vector<16xf32>
        %exp3A_1149 = math.exp %select_n3A_1148 : vector<16xf32>
        %swap3A_1150 = arith.index_cast %scan3A_1078 : i32 to index
        %swap3A_1151 = arith.constant 48 : index
        %swap3A_1152 = tpu.vector_load %arg13[%swap3A_1150, %swap3A_1151] {strides = array<i32>} : memref<25x80xf32, #tpu.memory_space<vmem>>, vector<16xf32>,
        tpu.vector_store %arg13[%swap3A_1150, %swap3A_1151], %exp3A_1149 {strides = array<i32>} : memref<25x80xf32, #tpu.memory_space<vmem>>, vector<16xf32>,
        %get3A_1153 = arith.index_cast %scan3A_1078 : i32 to index
        %get3A_1154 = arith.constant 64 : index
        %get3A_1155 = tpu.vector_load %arg11[%get3A_1153, %get3A_1154] {strides = array<i32>} : memref<25x80xi32, #tpu.memory_space<vmem>>, vector<16xi32>,
        %get3A_1156 = arith.index_cast %scan3A_1078 : i32 to index
        %get3A_1157 = arith.constant 64 : index
        %get3A_1158 = tpu.vector_load %arg12[%get3A_1156, %get3A_1157] {strides = array<i32>} : memref<25x80xi32, #tpu.memory_space<vmem>>, vector<16xi32>,
        %gather3A_1159 = tpu.vector_load_idx %arg9[%get3A_1155] : memref<10000xf32, #tpu.memory_space<vmem>>[vector<16xi32>], vector<16xf32>,
        %gather3A_1160 = tpu.vector_load_idx %arg10[%get3A_1158] : memref<10000xf32, #tpu.memory_space<vmem>>[vector<16xi32>], vector<16xf32>,
        %add3A_1161 = arith.addf %gather3A_1159, %gather3A_1160 : vector<16xf32>
        %ge3A_1162 = arith.constant 0.000000e+00 : f32
        %ge3A_1163 = vector.broadcast %ge3A_1162 : f32 to vector<16xf32>
        %ge3A_1164 = arith.cmpf oge, %add3A_1161, %ge3A_1163 : vector<16xf32>
        %mul3A_1165 = arith.constant 2.000000e-01 : f32
        %mul3A_1166 = vector.broadcast %mul3A_1165 : f32 to vector<16xf32>
        %mul3A_1167 = arith.mulf %mul3A_1166, %add3A_1161 : vector<16xf32>
        %select_n3A_1168 = arith.select %ge3A_1164, %add3A_1161, %mul3A_1167 : vector<16xi1>, vector<16xf32>
        %exp3A_1169 = math.exp %select_n3A_1168 : vector<16xf32>
        %swap3A_1170 = arith.index_cast %scan3A_1078 : i32 to index
        %swap3A_1171 = arith.constant 64 : index
        %swap3A_1172 = tpu.vector_load %arg13[%swap3A_1170, %swap3A_1171] {strides = array<i32>} : memref<25x80xf32, #tpu.memory_space<vmem>>, vector<16xf32>,
        tpu.vector_store %arg13[%swap3A_1170, %swap3A_1171], %exp3A_1169 {strides = array<i32>} : memref<25x80xf32, #tpu.memory_space<vmem>>, vector<16xf32>,
      }
      %scan3A_71 = arith.constant 25 : i32
      %iota3A = tpu.iota {dimensions = array<i32: 0>} : vector<16xi32>
      %scan3A_72 = arith.constant 0 : i32
      %scan3A_73 = arith.constant 0 : i32
      %scan3A_74 = arith.constant 125 : i32
      %scan3A_75 = arith.addi %scan3A_73, %scan3A_74 : i32
      %scan3A_76 = arith.constant 1 : i32
      scf.for %scan3A_1078 = %scan3A_73 to %scan3A_75 step %scan3A_76  : i32 {
        %mul3A_1079 = arith.constant 16 : i32
        %mul3A_1080 = arith.muli %scan3A_1078, %mul3A_1079 : i32
        %add3A_1081 = vector.broadcast %mul3A_1080 : i32 to vector<16xi32>
        %add3A_1082 = arith.addi %iota3A, %add3A_1081 : vector<16xi32>
        %jit3A = arith.constant 5 : i32
        %div3A = arith.divsi %scan3A_1078, %jit3A : i32
        %sign3A = arith.constant 0 : i32
        %sign3A_1083 = arith.cmpi sgt, %scan3A_1078, %sign3A : i32
        %sign3A_1084 = arith.extui %sign3A_1083 : i1 to i32
        %sign3A_1085 = arith.constant 0 : i32
        %sign3A_1086 = arith.cmpi slt, %scan3A_1078, %sign3A_1085 : i32
        %sign3A_1087 = arith.extui %sign3A_1086 : i1 to i32
        %sign3A_1088 = arith.subi %sign3A_1084, %sign3A_1087 : i32
        %sign3A_1089 = arith.constant 0 : i32
        %sign3A_1090 = arith.cmpi sgt, %jit3A, %sign3A_1089 : i32
        %sign3A_1091 = arith.extui %sign3A_1090 : i1 to i32
        %sign3A_1092 = arith.constant 0 : i32
        %sign3A_1093 = arith.cmpi slt, %jit3A, %sign3A_1092 : i32
        %sign3A_1094 = arith.extui %sign3A_1093 : i1 to i32
        %sign3A_1095 = arith.subi %sign3A_1091, %sign3A_1094 : i32
        %ne3A = arith.cmpi ne, %sign3A_1088, %sign3A_1095 : i32
        %rem3A = arith.remsi %scan3A_1078, %jit3A : i32
        %ne3A_1096 = arith.constant 0 : i32
        %ne3A_1097 = arith.cmpi ne, %rem3A, %ne3A_1096 : i32
        %and3A = arith.andi %ne3A, %ne3A_1097 : i1
        %sub3A = arith.constant 1 : i32
        %sub3A_1098 = arith.subi %div3A, %sub3A : i32
        %select_n3A = arith.select %and3A, %sub3A_1098, %div3A : i32
        %jit3A_1099 = arith.constant 5 : i32
        %eq3A = arith.constant 0 : i32
        %eq3A_1100 = arith.cmpi eq, %jit3A_1099, %eq3A : i32
        %jit3A_1101 = arith.constant 1 : i32
        %select_n3A_1102 = arith.select %eq3A_1100, %jit3A_1101, %jit3A_1099 : i32
        %rem3A_1103 = arith.remsi %scan3A_1078, %select_n3A_1102 : i32
        %ne3A_1104 = arith.constant 0 : i32
        %ne3A_1105 = arith.cmpi ne, %rem3A_1103, %ne3A_1104 : i32
        %lt3A = arith.constant 0 : i32
        %lt3A_1106 = arith.cmpi slt, %rem3A_1103, %lt3A : i32
        %lt3A_1107 = arith.constant 0 : i32
        %lt3A_1108 = arith.cmpi slt, %select_n3A_1102, %lt3A_1107 : i32
        %ne3A_1109 = arith.xori %lt3A_1106, %lt3A_1108 : i1
        %and3A_1110 = arith.andi %ne3A_1109, %ne3A_1105 : i1
        %add3A_1111 = arith.addi %rem3A_1103, %select_n3A_1102 : i32
        %select_n3A_1112 = arith.select %and3A_1110, %add3A_1111, %rem3A_1103 : i32
        %mul3A_1113 = arith.constant 16 : i32
        %mul3A_1114 = arith.muli %select_n3A_1112, %mul3A_1113 : i32
        %get3A = arith.index_cast %select_n3A : i32 to index
        %get3A_1115 = arith.index_cast %mul3A_1114 : i32 to index
        %get3A_1116 = tpu.vector_load %arg13[%get3A, %get3A_1115] {strides = array<i32>} : memref<25x80xf32, #tpu.memory_space<vmem>>, vector<16xf32>,
        %broadcast_in_dim3A_1117 = arith.constant 0 : i32
        %broadcast_in_dim3A_1118 = vector.broadcast %broadcast_in_dim3A_1117 : i32 to vector<16xi32>
        %gather3A = tpu.vector_load_idx %arg14[%add3A_1082, %broadcast_in_dim3A_1118] : memref<2000x32xf32, #tpu.memory_space<vmem>>[vector<16xi32>, vector<16xi32>], vector<16xf32>,
        %mul3A_1119 = arith.mulf %gather3A, %get3A_1116 : vector<16xf32>
        tpu.vector_store_idx %arg14[%add3A_1082, %broadcast_in_dim3A_1118], %mul3A_1119 : memref<2000x32xf32, #tpu.memory_space<vmem>>[vector<16xi32>, vector<16xi32>], vector<16xf32>,
        %broadcast_in_dim3A_1120 = arith.constant 1 : i32
        %broadcast_in_dim3A_1121 = vector.broadcast %broadcast_in_dim3A_1120 : i32 to vector<16xi32>
        %gather3A_1122 = tpu.vector_load_idx %arg14[%add3A_1082, %broadcast_in_dim3A_1121] : memref<2000x32xf32, #tpu.memory_space<vmem>>[vector<16xi32>, vector<16xi32>], vector<16xf32>,
        %mul3A_1123 = arith.mulf %gather3A_1122, %get3A_1116 : vector<16xf32>
        tpu.vector_store_idx %arg14[%add3A_1082, %broadcast_in_dim3A_1121], %mul3A_1123 : memref<2000x32xf32, #tpu.memory_space<vmem>>[vector<16xi32>, vector<16xi32>], vector<16xf32>,
        %broadcast_in_dim3A_1124 = arith.constant 2 : i32
        %broadcast_in_dim3A_1125 = vector.broadcast %broadcast_in_dim3A_1124 : i32 to vector<16xi32>
        %gather3A_1126 = tpu.vector_load_idx %arg14[%add3A_1082, %broadcast_in_dim3A_1125] : memref<2000x32xf32, #tpu.memory_space<vmem>>[vector<16xi32>, vector<16xi32>], vector<16xf32>,
        %mul3A_1127 = arith.mulf %gather3A_1126, %get3A_1116 : vector<16xf32>
        tpu.vector_store_idx %arg14[%add3A_1082, %broadcast_in_dim3A_1125], %mul3A_1127 : memref<2000x32xf32, #tpu.memory_space<vmem>>[vector<16xi32>, vector<16xi32>], vector<16xf32>,
        %broadcast_in_dim3A_1128 = arith.constant 3 : i32
        %broadcast_in_dim3A_1129 = vector.broadcast %broadcast_in_dim3A_1128 : i32 to vector<16xi32>
        %gather3A_1130 = tpu.vector_load_idx %arg14[%add3A_1082, %broadcast_in_dim3A_1129] : memref<2000x32xf32, #tpu.memory_space<vmem>>[vector<16xi32>, vector<16xi32>], vector<16xf32>,
        %mul3A_1131 = arith.mulf %gather3A_1130, %get3A_1116 : vector<16xf32>
        tpu.vector_store_idx %arg14[%add3A_1082, %broadcast_in_dim3A_1129], %mul3A_1131 : memref<2000x32xf32, #tpu.memory_space<vmem>>[vector<16xi32>, vector<16xi32>], vector<16xf32>,
        %broadcast_in_dim3A_1132 = arith.constant 4 : i32
        %broadcast_in_dim3A_1133 = vector.broadcast %broadcast_in_dim3A_1132 : i32 to vector<16xi32>
        %gather3A_1134 = tpu.vector_load_idx %arg14[%add3A_1082, %broadcast_in_dim3A_1133] : memref<2000x32xf32, #tpu.memory_space<vmem>>[vector<16xi32>, vector<16xi32>], vector<16xf32>,
        %mul3A_1135 = arith.mulf %gather3A_1134, %get3A_1116 : vector<16xf32>
        tpu.vector_store_idx %arg14[%add3A_1082, %broadcast_in_dim3A_1133], %mul3A_1135 : memref<2000x32xf32, #tpu.memory_space<vmem>>[vector<16xi32>, vector<16xi32>], vector<16xf32>,
        %broadcast_in_dim3A_1136 = arith.constant 5 : i32
        %broadcast_in_dim3A_1137 = vector.broadcast %broadcast_in_dim3A_1136 : i32 to vector<16xi32>
        %gather3A_1138 = tpu.vector_load_idx %arg14[%add3A_1082, %broadcast_in_dim3A_1137] : memref<2000x32xf32, #tpu.memory_space<vmem>>[vector<16xi32>, vector<16xi32>], vector<16xf32>,
        %mul3A_1139 = arith.mulf %gather3A_1138, %get3A_1116 : vector<16xf32>
        tpu.vector_store_idx %arg14[%add3A_1082, %broadcast_in_dim3A_1137], %mul3A_1139 : memref<2000x32xf32, #tpu.memory_space<vmem>>[vector<16xi32>, vector<16xi32>], vector<16xf32>,
        %broadcast_in_dim3A_1140 = arith.constant 6 : i32
        %broadcast_in_dim3A_1141 = vector.broadcast %broadcast_in_dim3A_1140 : i32 to vector<16xi32>
        %gather3A_1142 = tpu.vector_load_idx %arg14[%add3A_1082, %broadcast_in_dim3A_1141] : memref<2000x32xf32, #tpu.memory_space<vmem>>[vector<16xi32>, vector<16xi32>], vector<16xf32>,
        %mul3A_1143 = arith.mulf %gather3A_1142, %get3A_1116 : vector<16xf32>
        tpu.vector_store_idx %arg14[%add3A_1082, %broadcast_in_dim3A_1141], %mul3A_1143 : memref<2000x32xf32, #tpu.memory_space<vmem>>[vector<16xi32>, vector<16xi32>], vector<16xf32>,
        %broadcast_in_dim3A_1144 = arith.constant 7 : i32
        %broadcast_in_dim3A_1145 = vector.broadcast %broadcast_in_dim3A_1144 : i32 to vector<16xi32>
        %gather3A_1146 = tpu.vector_load_idx %arg14[%add3A_1082, %broadcast_in_dim3A_1145] : memref<2000x32xf32, #tpu.memory_space<vmem>>[vector<16xi32>, vector<16xi32>], vector<16xf32>,
        %mul3A_1147 = arith.mulf %gather3A_1146, %get3A_1116 : vector<16xf32>
        tpu.vector_store_idx %arg14[%add3A_1082, %broadcast_in_dim3A_1145], %mul3A_1147 : memref<2000x32xf32, #tpu.memory_space<vmem>>[vector<16xi32>, vector<16xi32>], vector<16xf32>,
        %broadcast_in_dim3A_1148 = arith.constant 8 : i32
        %broadcast_in_dim3A_1149 = vector.broadcast %broadcast_in_dim3A_1148 : i32 to vector<16xi32>
        %gather3A_1150 = tpu.vector_load_idx %arg14[%add3A_1082, %broadcast_in_dim3A_1149] : memref<2000x32xf32, #tpu.memory_space<vmem>>[vector<16xi32>, vector<16xi32>], vector<16xf32>,
        %mul3A_1151 = arith.mulf %gather3A_1150, %get3A_1116 : vector<16xf32>
        tpu.vector_store_idx %arg14[%add3A_1082, %broadcast_in_dim3A_1149], %mul3A_1151 : memref<2000x32xf32, #tpu.memory_space<vmem>>[vector<16xi32>, vector<16xi32>], vector<16xf32>,
        %broadcast_in_dim3A_1152 = arith.constant 9 : i32
        %broadcast_in_dim3A_1153 = vector.broadcast %broadcast_in_dim3A_1152 : i32 to vector<16xi32>
        %gather3A_1154 = tpu.vector_load_idx %arg14[%add3A_1082, %broadcast_in_dim3A_1153] : memref<2000x32xf32, #tpu.memory_space<vmem>>[vector<16xi32>, vector<16xi32>], vector<16xf32>,
        %mul3A_1155 = arith.mulf %gather3A_1154, %get3A_1116 : vector<16xf32>
        tpu.vector_store_idx %arg14[%add3A_1082, %broadcast_in_dim3A_1153], %mul3A_1155 : memref<2000x32xf32, #tpu.memory_space<vmem>>[vector<16xi32>, vector<16xi32>], vector<16xf32>,
        %broadcast_in_dim3A_1156 = arith.constant 10 : i32
        %broadcast_in_dim3A_1157 = vector.broadcast %broadcast_in_dim3A_1156 : i32 to vector<16xi32>
        %gather3A_1158 = tpu.vector_load_idx %arg14[%add3A_1082, %broadcast_in_dim3A_1157] : memref<2000x32xf32, #tpu.memory_space<vmem>>[vector<16xi32>, vector<16xi32>], vector<16xf32>,
        %mul3A_1159 = arith.mulf %gather3A_1158, %get3A_1116 : vector<16xf32>
        tpu.vector_store_idx %arg14[%add3A_1082, %broadcast_in_dim3A_1157], %mul3A_1159 : memref<2000x32xf32, #tpu.memory_space<vmem>>[vector<16xi32>, vector<16xi32>], vector<16xf32>,
        %broadcast_in_dim3A_1160 = arith.constant 11 : i32
        %broadcast_in_dim3A_1161 = vector.broadcast %broadcast_in_dim3A_1160 : i32 to vector<16xi32>
        %gather3A_1162 = tpu.vector_load_idx %arg14[%add3A_1082, %broadcast_in_dim3A_1161] : memref<2000x32xf32, #tpu.memory_space<vmem>>[vector<16xi32>, vector<16xi32>], vector<16xf32>,
        %mul3A_1163 = arith.mulf %gather3A_1162, %get3A_1116 : vector<16xf32>
        tpu.vector_store_idx %arg14[%add3A_1082, %broadcast_in_dim3A_1161], %mul3A_1163 : memref<2000x32xf32, #tpu.memory_space<vmem>>[vector<16xi32>, vector<16xi32>], vector<16xf32>,
        %broadcast_in_dim3A_1164 = arith.constant 12 : i32
        %broadcast_in_dim3A_1165 = vector.broadcast %broadcast_in_dim3A_1164 : i32 to vector<16xi32>
        %gather3A_1166 = tpu.vector_load_idx %arg14[%add3A_1082, %broadcast_in_dim3A_1165] : memref<2000x32xf32, #tpu.memory_space<vmem>>[vector<16xi32>, vector<16xi32>], vector<16xf32>,
        %mul3A_1167 = arith.mulf %gather3A_1166, %get3A_1116 : vector<16xf32>
        tpu.vector_store_idx %arg14[%add3A_1082, %broadcast_in_dim3A_1165], %mul3A_1167 : memref<2000x32xf32, #tpu.memory_space<vmem>>[vector<16xi32>, vector<16xi32>], vector<16xf32>,
        %broadcast_in_dim3A_1168 = arith.constant 13 : i32
        %broadcast_in_dim3A_1169 = vector.broadcast %broadcast_in_dim3A_1168 : i32 to vector<16xi32>
        %gather3A_1170 = tpu.vector_load_idx %arg14[%add3A_1082, %broadcast_in_dim3A_1169] : memref<2000x32xf32, #tpu.memory_space<vmem>>[vector<16xi32>, vector<16xi32>], vector<16xf32>,
        %mul3A_1171 = arith.mulf %gather3A_1170, %get3A_1116 : vector<16xf32>
        tpu.vector_store_idx %arg14[%add3A_1082, %broadcast_in_dim3A_1169], %mul3A_1171 : memref<2000x32xf32, #tpu.memory_space<vmem>>[vector<16xi32>, vector<16xi32>], vector<16xf32>,
        %broadcast_in_dim3A_1172 = arith.constant 14 : i32
        %broadcast_in_dim3A_1173 = vector.broadcast %broadcast_in_dim3A_1172 : i32 to vector<16xi32>
        %gather3A_1174 = tpu.vector_load_idx %arg14[%add3A_1082, %broadcast_in_dim3A_1173] : memref<2000x32xf32, #tpu.memory_space<vmem>>[vector<16xi32>, vector<16xi32>], vector<16xf32>,
        %mul3A_1175 = arith.mulf %gather3A_1174, %get3A_1116 : vector<16xf32>
        tpu.vector_store_idx %arg14[%add3A_1082, %broadcast_in_dim3A_1173], %mul3A_1175 : memref<2000x32xf32, #tpu.memory_space<vmem>>[vector<16xi32>, vector<16xi32>], vector<16xf32>,
        %broadcast_in_dim3A_1176 = arith.constant 15 : i32
        %broadcast_in_dim3A_1177 = vector.broadcast %broadcast_in_dim3A_1176 : i32 to vector<16xi32>
        %gather3A_1178 = tpu.vector_load_idx %arg14[%add3A_1082, %broadcast_in_dim3A_1177] : memref<2000x32xf32, #tpu.memory_space<vmem>>[vector<16xi32>, vector<16xi32>], vector<16xf32>,
        %mul3A_1179 = arith.mulf %gather3A_1178, %get3A_1116 : vector<16xf32>
        tpu.vector_store_idx %arg14[%add3A_1082, %broadcast_in_dim3A_1177], %mul3A_1179 : memref<2000x32xf32, #tpu.memory_space<vmem>>[vector<16xi32>, vector<16xi32>], vector<16xf32>,
        %broadcast_in_dim3A_1180 = arith.constant 16 : i32
        %broadcast_in_dim3A_1181 = vector.broadcast %broadcast_in_dim3A_1180 : i32 to vector<16xi32>
        %gather3A_1182 = tpu.vector_load_idx %arg14[%add3A_1082, %broadcast_in_dim3A_1181] : memref<2000x32xf32, #tpu.memory_space<vmem>>[vector<16xi32>, vector<16xi32>], vector<16xf32>,
        %mul3A_1183 = arith.mulf %gather3A_1182, %get3A_1116 : vector<16xf32>
        tpu.vector_store_idx %arg14[%add3A_1082, %broadcast_in_dim3A_1181], %mul3A_1183 : memref<2000x32xf32, #tpu.memory_space<vmem>>[vector<16xi32>, vector<16xi32>], vector<16xf32>,
        %broadcast_in_dim3A_1184 = arith.constant 17 : i32
        %broadcast_in_dim3A_1185 = vector.broadcast %broadcast_in_dim3A_1184 : i32 to vector<16xi32>
        %gather3A_1186 = tpu.vector_load_idx %arg14[%add3A_1082, %broadcast_in_dim3A_1185] : memref<2000x32xf32, #tpu.memory_space<vmem>>[vector<16xi32>, vector<16xi32>], vector<16xf32>,
        %mul3A_1187 = arith.mulf %gather3A_1186, %get3A_1116 : vector<16xf32>
        tpu.vector_store_idx %arg14[%add3A_1082, %broadcast_in_dim3A_1185], %mul3A_1187 : memref<2000x32xf32, #tpu.memory_space<vmem>>[vector<16xi32>, vector<16xi32>], vector<16xf32>,
        %broadcast_in_dim3A_1188 = arith.constant 18 : i32
        %broadcast_in_dim3A_1189 = vector.broadcast %broadcast_in_dim3A_1188 : i32 to vector<16xi32>
        %gather3A_1190 = tpu.vector_load_idx %arg14[%add3A_1082, %broadcast_in_dim3A_1189] : memref<2000x32xf32, #tpu.memory_space<vmem>>[vector<16xi32>, vector<16xi32>], vector<16xf32>,
        %mul3A_1191 = arith.mulf %gather3A_1190, %get3A_1116 : vector<16xf32>
        tpu.vector_store_idx %arg14[%add3A_1082, %broadcast_in_dim3A_1189], %mul3A_1191 : memref<2000x32xf32, #tpu.memory_space<vmem>>[vector<16xi32>, vector<16xi32>], vector<16xf32>,
        %broadcast_in_dim3A_1192 = arith.constant 19 : i32
        %broadcast_in_dim3A_1193 = vector.broadcast %broadcast_in_dim3A_1192 : i32 to vector<16xi32>
        %gather3A_1194 = tpu.vector_load_idx %arg14[%add3A_1082, %broadcast_in_dim3A_1193] : memref<2000x32xf32, #tpu.memory_space<vmem>>[vector<16xi32>, vector<16xi32>], vector<16xf32>,
        %mul3A_1195 = arith.mulf %gather3A_1194, %get3A_1116 : vector<16xf32>
        tpu.vector_store_idx %arg14[%add3A_1082, %broadcast_in_dim3A_1193], %mul3A_1195 : memref<2000x32xf32, #tpu.memory_space<vmem>>[vector<16xi32>, vector<16xi32>], vector<16xf32>,
        %broadcast_in_dim3A_1196 = arith.constant 20 : i32
        %broadcast_in_dim3A_1197 = vector.broadcast %broadcast_in_dim3A_1196 : i32 to vector<16xi32>
        %gather3A_1198 = tpu.vector_load_idx %arg14[%add3A_1082, %broadcast_in_dim3A_1197] : memref<2000x32xf32, #tpu.memory_space<vmem>>[vector<16xi32>, vector<16xi32>], vector<16xf32>,
        %mul3A_1199 = arith.mulf %gather3A_1198, %get3A_1116 : vector<16xf32>
        tpu.vector_store_idx %arg14[%add3A_1082, %broadcast_in_dim3A_1197], %mul3A_1199 : memref<2000x32xf32, #tpu.memory_space<vmem>>[vector<16xi32>, vector<16xi32>], vector<16xf32>,
        %broadcast_in_dim3A_1200 = arith.constant 21 : i32
        %broadcast_in_dim3A_1201 = vector.broadcast %broadcast_in_dim3A_1200 : i32 to vector<16xi32>
        %gather3A_1202 = tpu.vector_load_idx %arg14[%add3A_1082, %broadcast_in_dim3A_1201] : memref<2000x32xf32, #tpu.memory_space<vmem>>[vector<16xi32>, vector<16xi32>], vector<16xf32>,
        %mul3A_1203 = arith.mulf %gather3A_1202, %get3A_1116 : vector<16xf32>
        tpu.vector_store_idx %arg14[%add3A_1082, %broadcast_in_dim3A_1201], %mul3A_1203 : memref<2000x32xf32, #tpu.memory_space<vmem>>[vector<16xi32>, vector<16xi32>], vector<16xf32>,
        %broadcast_in_dim3A_1204 = arith.constant 22 : i32
        %broadcast_in_dim3A_1205 = vector.broadcast %broadcast_in_dim3A_1204 : i32 to vector<16xi32>
        %gather3A_1206 = tpu.vector_load_idx %arg14[%add3A_1082, %broadcast_in_dim3A_1205] : memref<2000x32xf32, #tpu.memory_space<vmem>>[vector<16xi32>, vector<16xi32>], vector<16xf32>,
        %mul3A_1207 = arith.mulf %gather3A_1206, %get3A_1116 : vector<16xf32>
        tpu.vector_store_idx %arg14[%add3A_1082, %broadcast_in_dim3A_1205], %mul3A_1207 : memref<2000x32xf32, #tpu.memory_space<vmem>>[vector<16xi32>, vector<16xi32>], vector<16xf32>,
        %broadcast_in_dim3A_1208 = arith.constant 23 : i32
        %broadcast_in_dim3A_1209 = vector.broadcast %broadcast_in_dim3A_1208 : i32 to vector<16xi32>
        %gather3A_1210 = tpu.vector_load_idx %arg14[%add3A_1082, %broadcast_in_dim3A_1209] : memref<2000x32xf32, #tpu.memory_space<vmem>>[vector<16xi32>, vector<16xi32>], vector<16xf32>,
        %mul3A_1211 = arith.mulf %gather3A_1210, %get3A_1116 : vector<16xf32>
        tpu.vector_store_idx %arg14[%add3A_1082, %broadcast_in_dim3A_1209], %mul3A_1211 : memref<2000x32xf32, #tpu.memory_space<vmem>>[vector<16xi32>, vector<16xi32>], vector<16xf32>,
        %broadcast_in_dim3A_1212 = arith.constant 24 : i32
        %broadcast_in_dim3A_1213 = vector.broadcast %broadcast_in_dim3A_1212 : i32 to vector<16xi32>
        %gather3A_1214 = tpu.vector_load_idx %arg14[%add3A_1082, %broadcast_in_dim3A_1213] : memref<2000x32xf32, #tpu.memory_space<vmem>>[vector<16xi32>, vector<16xi32>], vector<16xf32>,
        %mul3A_1215 = arith.mulf %gather3A_1214, %get3A_1116 : vector<16xf32>
        tpu.vector_store_idx %arg14[%add3A_1082, %broadcast_in_dim3A_1213], %mul3A_1215 : memref<2000x32xf32, #tpu.memory_space<vmem>>[vector<16xi32>, vector<16xi32>], vector<16xf32>,
        %broadcast_in_dim3A_1216 = arith.constant 25 : i32
        %broadcast_in_dim3A_1217 = vector.broadcast %broadcast_in_dim3A_1216 : i32 to vector<16xi32>
        %gather3A_1218 = tpu.vector_load_idx %arg14[%add3A_1082, %broadcast_in_dim3A_1217] : memref<2000x32xf32, #tpu.memory_space<vmem>>[vector<16xi32>, vector<16xi32>], vector<16xf32>,
        %mul3A_1219 = arith.mulf %gather3A_1218, %get3A_1116 : vector<16xf32>
        tpu.vector_store_idx %arg14[%add3A_1082, %broadcast_in_dim3A_1217], %mul3A_1219 : memref<2000x32xf32, #tpu.memory_space<vmem>>[vector<16xi32>, vector<16xi32>], vector<16xf32>,
        %broadcast_in_dim3A_1220 = arith.constant 26 : i32
        %broadcast_in_dim3A_1221 = vector.broadcast %broadcast_in_dim3A_1220 : i32 to vector<16xi32>
        %gather3A_1222 = tpu.vector_load_idx %arg14[%add3A_1082, %broadcast_in_dim3A_1221] : memref<2000x32xf32, #tpu.memory_space<vmem>>[vector<16xi32>, vector<16xi32>], vector<16xf32>,
        %mul3A_1223 = arith.mulf %gather3A_1222, %get3A_1116 : vector<16xf32>
        tpu.vector_store_idx %arg14[%add3A_1082, %broadcast_in_dim3A_1221], %mul3A_1223 : memref<2000x32xf32, #tpu.memory_space<vmem>>[vector<16xi32>, vector<16xi32>], vector<16xf32>,
        %broadcast_in_dim3A_1224 = arith.constant 27 : i32
        %broadcast_in_dim3A_1225 = vector.broadcast %broadcast_in_dim3A_1224 : i32 to vector<16xi32>
        %gather3A_1226 = tpu.vector_load_idx %arg14[%add3A_1082, %broadcast_in_dim3A_1225] : memref<2000x32xf32, #tpu.memory_space<vmem>>[vector<16xi32>, vector<16xi32>], vector<16xf32>,
        %mul3A_1227 = arith.mulf %gather3A_1226, %get3A_1116 : vector<16xf32>
        tpu.vector_store_idx %arg14[%add3A_1082, %broadcast_in_dim3A_1225], %mul3A_1227 : memref<2000x32xf32, #tpu.memory_space<vmem>>[vector<16xi32>, vector<16xi32>], vector<16xf32>,
        %broadcast_in_dim3A_1228 = arith.constant 28 : i32
        %broadcast_in_dim3A_1229 = vector.broadcast %broadcast_in_dim3A_1228 : i32 to vector<16xi32>
        %gather3A_1230 = tpu.vector_load_idx %arg14[%add3A_1082, %broadcast_in_dim3A_1229] : memref<2000x32xf32, #tpu.memory_space<vmem>>[vector<16xi32>, vector<16xi32>], vector<16xf32>,
        %mul3A_1231 = arith.mulf %gather3A_1230, %get3A_1116 : vector<16xf32>
        tpu.vector_store_idx %arg14[%add3A_1082, %broadcast_in_dim3A_1229], %mul3A_1231 : memref<2000x32xf32, #tpu.memory_space<vmem>>[vector<16xi32>, vector<16xi32>], vector<16xf32>,
        %broadcast_in_dim3A_1232 = arith.constant 29 : i32
        %broadcast_in_dim3A_1233 = vector.broadcast %broadcast_in_dim3A_1232 : i32 to vector<16xi32>
        %gather3A_1234 = tpu.vector_load_idx %arg14[%add3A_1082, %broadcast_in_dim3A_1233] : memref<2000x32xf32, #tpu.memory_space<vmem>>[vector<16xi32>, vector<16xi32>], vector<16xf32>,
        %mul3A_1235 = arith.mulf %gather3A_1234, %get3A_1116 : vector<16xf32>
        tpu.vector_store_idx %arg14[%add3A_1082, %broadcast_in_dim3A_1233], %mul3A_1235 : memref<2000x32xf32, #tpu.memory_space<vmem>>[vector<16xi32>, vector<16xi32>], vector<16xf32>,
        %broadcast_in_dim3A_1236 = arith.constant 30 : i32
        %broadcast_in_dim3A_1237 = vector.broadcast %broadcast_in_dim3A_1236 : i32 to vector<16xi32>
        %gather3A_1238 = tpu.vector_load_idx %arg14[%add3A_1082, %broadcast_in_dim3A_1237] : memref<2000x32xf32, #tpu.memory_space<vmem>>[vector<16xi32>, vector<16xi32>], vector<16xf32>,
        %mul3A_1239 = arith.mulf %gather3A_1238, %get3A_1116 : vector<16xf32>
        tpu.vector_store_idx %arg14[%add3A_1082, %broadcast_in_dim3A_1237], %mul3A_1239 : memref<2000x32xf32, #tpu.memory_space<vmem>>[vector<16xi32>, vector<16xi32>], vector<16xf32>,
        %broadcast_in_dim3A_1240 = arith.constant 31 : i32
        %broadcast_in_dim3A_1241 = vector.broadcast %broadcast_in_dim3A_1240 : i32 to vector<16xi32>
        %gather3A_1242 = tpu.vector_load_idx %arg14[%add3A_1082, %broadcast_in_dim3A_1241] : memref<2000x32xf32, #tpu.memory_space<vmem>>[vector<16xi32>, vector<16xi32>], vector<16xf32>,
        %mul3A_1243 = arith.mulf %gather3A_1242, %get3A_1116 : vector<16xf32>
        tpu.vector_store_idx %arg14[%add3A_1082, %broadcast_in_dim3A_1241], %mul3A_1243 : memref<2000x32xf32, #tpu.memory_space<vmem>>[vector<16xi32>, vector<16xi32>], vector<16xf32>,
      }
      %scan3A_77 = arith.constant 125 : i32
      %dma_start3A_78 = arith.constant 0 : i32
      %dma_start3A_79 = arith.constant 0 : i32
      %dma_start3A_80 = arith.constant 0 : i32
      %dma_start3A_81 = tpu.memref_slice %arg14[%dma_start3A_79, %dma_start3A_80] : memref<2000x32xf32, #tpu.memory_space<vmem>> -> memref<80x32xf32, #tpu.memory_space<vmem>>
      %dma_start3A_82 = arith.constant 0 : i32
      %dma_start3A_83 = tpu.memref_slice %arg12[%dma_start3A_78, %dma_start3A_82] : memref<25x80xi32, #tpu.memory_space<vmem>> -> memref<1x80xi32, #tpu.memory_space<vmem>>
      %dma_start3A_84 = tpu.memref_squeeze %dma_start3A_83 : memref<1x80xi32, #tpu.memory_space<vmem>> -> memref<80xi32, #tpu.memory_space<vmem>>
      %dma_start3A_85 = arith.constant 0 : i32
      %dma_start3A_86 = arith.constant 0 : i32
      %dma_start3A_87 = tpu.memref_slice %arg16[%dma_start3A_85, %dma_start3A_86] : memref<10240x32xf32, #tpu.memory_space<vmem_shared>> -> memref<10240x32xf32, #tpu.memory_space<vmem_shared>>
      tpu.enqueue_indirect_dma source(%dma_start3A_81 : memref<80x32xf32, #tpu.memory_space<vmem>>) target(%dma_start3A_87 : memref<10240x32xf32, #tpu.memory_space<vmem_shared>>) offsets(%dma_start3A_84 : memref<80xi32, #tpu.memory_space<vmem>>) semaphore(%arg19 : memref<!tpu.dma_semaphore, #tpu.memory_space<semaphore_mem>>) {add = true}
      %dma_start3A_88 = arith.constant 0 : i32
      %dma_start3A_89 = arith.constant 0 : i32
      %dma_start3A_90 = arith.constant 0 : i32
      %dma_start3A_91 = tpu.memref_slice %arg13[%dma_start3A_88, %dma_start3A_90] : memref<25x80xf32, #tpu.memory_space<vmem>> -> memref<1x80xf32, #tpu.memory_space<vmem>>
      %dma_start3A_92 = tpu.memref_squeeze %dma_start3A_91 : memref<1x80xf32, #tpu.memory_space<vmem>> -> memref<80xf32, #tpu.memory_space<vmem>>
      %dma_start3A_93 = arith.constant 0 : i32
      %dma_start3A_94 = tpu.memref_slice %arg12[%dma_start3A_89, %dma_start3A_93] : memref<25x80xi32, #tpu.memory_space<vmem>> -> memref<1x80xi32, #tpu.memory_space<vmem>>
      %dma_start3A_95 = tpu.memref_squeeze %dma_start3A_94 : memref<1x80xi32, #tpu.memory_space<vmem>> -> memref<80xi32, #tpu.memory_space<vmem>>
      %dma_start3A_96 = arith.constant 0 : i32
      %dma_start3A_97 = tpu.memref_slice %arg17[%dma_start3A_96] : memref<10240xf32, #tpu.memory_space<vmem_shared>> -> memref<10240xf32, #tpu.memory_space<vmem_shared>>
      tpu.enqueue_indirect_dma source(%dma_start3A_92 : memref<80xf32, #tpu.memory_space<vmem>>) target(%dma_start3A_97 : memref<10240xf32, #tpu.memory_space<vmem_shared>>) offsets(%dma_start3A_95 : memref<80xi32, #tpu.memory_space<vmem>>) semaphore(%arg19 : memref<!tpu.dma_semaphore, #tpu.memory_space<semaphore_mem>>) {add = true}
      %dma_start3A_98 = arith.constant 1 : i32
      %dma_start3A_99 = arith.constant 80 : i32
      %dma_start3A_100 = arith.constant 0 : i32
      %dma_start3A_101 = tpu.memref_slice %arg14[%dma_start3A_99, %dma_start3A_100] : memref<2000x32xf32, #tpu.memory_space<vmem>> -> memref<80x32xf32, #tpu.memory_space<vmem>>
      %dma_start3A_102 = arith.constant 0 : i32
      %dma_start3A_103 = tpu.memref_slice %arg12[%dma_start3A_98, %dma_start3A_102] : memref<25x80xi32, #tpu.memory_space<vmem>> -> memref<1x80xi32, #tpu.memory_space<vmem>>
      %dma_start3A_104 = tpu.memref_squeeze %dma_start3A_103 : memref<1x80xi32, #tpu.memory_space<vmem>> -> memref<80xi32, #tpu.memory_space<vmem>>
      %dma_start3A_105 = arith.constant 0 : i32
      %dma_start3A_106 = arith.constant 0 : i32
      %dma_start3A_107 = tpu.memref_slice %arg16[%dma_start3A_105, %dma_start3A_106] : memref<10240x32xf32, #tpu.memory_space<vmem_shared>> -> memref<10240x32xf32, #tpu.memory_space<vmem_shared>>
      tpu.enqueue_indirect_dma source(%dma_start3A_101 : memref<80x32xf32, #tpu.memory_space<vmem>>) target(%dma_start3A_107 : memref<10240x32xf32, #tpu.memory_space<vmem_shared>>) offsets(%dma_start3A_104 : memref<80xi32, #tpu.memory_space<vmem>>) semaphore(%arg19 : memref<!tpu.dma_semaphore, #tpu.memory_space<semaphore_mem>>) {add = true}
      %dma_start3A_108 = arith.constant 1 : i32
      %dma_start3A_109 = arith.constant 1 : i32
      %dma_start3A_110 = arith.constant 0 : i32
      %dma_start3A_111 = tpu.memref_slice %arg13[%dma_start3A_108, %dma_start3A_110] : memref<25x80xf32, #tpu.memory_space<vmem>> -> memref<1x80xf32, #tpu.memory_space<vmem>>
      %dma_start3A_112 = tpu.memref_squeeze %dma_start3A_111 : memref<1x80xf32, #tpu.memory_space<vmem>> -> memref<80xf32, #tpu.memory_space<vmem>>
      %dma_start3A_113 = arith.constant 0 : i32
      %dma_start3A_114 = tpu.memref_slice %arg12[%dma_start3A_109, %dma_start3A_113] : memref<25x80xi32, #tpu.memory_space<vmem>> -> memref<1x80xi32, #tpu.memory_space<vmem>>
      %dma_start3A_115 = tpu.memref_squeeze %dma_start3A_114 : memref<1x80xi32, #tpu.memory_space<vmem>> -> memref<80xi32, #tpu.memory_space<vmem>>
      %dma_start3A_116 = arith.constant 0 : i32
      %dma_start3A_117 = tpu.memref_slice %arg17[%dma_start3A_116] : memref<10240xf32, #tpu.memory_space<vmem_shared>> -> memref<10240xf32, #tpu.memory_space<vmem_shared>>
      tpu.enqueue_indirect_dma source(%dma_start3A_112 : memref<80xf32, #tpu.memory_space<vmem>>) target(%dma_start3A_117 : memref<10240xf32, #tpu.memory_space<vmem_shared>>) offsets(%dma_start3A_115 : memref<80xi32, #tpu.memory_space<vmem>>) semaphore(%arg19 : memref<!tpu.dma_semaphore, #tpu.memory_space<semaphore_mem>>) {add = true}
      %dma_start3A_118 = arith.constant 2 : i32
      %dma_start3A_119 = arith.constant 160 : i32
      %dma_start3A_120 = arith.constant 0 : i32
      %dma_start3A_121 = tpu.memref_slice %arg14[%dma_start3A_119, %dma_start3A_120] : memref<2000x32xf32, #tpu.memory_space<vmem>> -> memref<80x32xf32, #tpu.memory_space<vmem>>
      %dma_start3A_122 = arith.constant 0 : i32
      %dma_start3A_123 = tpu.memref_slice %arg12[%dma_start3A_118, %dma_start3A_122] : memref<25x80xi32, #tpu.memory_space<vmem>> -> memref<1x80xi32, #tpu.memory_space<vmem>>
      %dma_start3A_124 = tpu.memref_squeeze %dma_start3A_123 : memref<1x80xi32, #tpu.memory_space<vmem>> -> memref<80xi32, #tpu.memory_space<vmem>>
      %dma_start3A_125 = arith.constant 0 : i32
      %dma_start3A_126 = arith.constant 0 : i32
      %dma_start3A_127 = tpu.memref_slice %arg16[%dma_start3A_125, %dma_start3A_126] : memref<10240x32xf32, #tpu.memory_space<vmem_shared>> -> memref<10240x32xf32, #tpu.memory_space<vmem_shared>>
      tpu.enqueue_indirect_dma source(%dma_start3A_121 : memref<80x32xf32, #tpu.memory_space<vmem>>) target(%dma_start3A_127 : memref<10240x32xf32, #tpu.memory_space<vmem_shared>>) offsets(%dma_start3A_124 : memref<80xi32, #tpu.memory_space<vmem>>) semaphore(%arg19 : memref<!tpu.dma_semaphore, #tpu.memory_space<semaphore_mem>>) {add = true}
      %dma_start3A_128 = arith.constant 2 : i32
      %dma_start3A_129 = arith.constant 2 : i32
      %dma_start3A_130 = arith.constant 0 : i32
      %dma_start3A_131 = tpu.memref_slice %arg13[%dma_start3A_128, %dma_start3A_130] : memref<25x80xf32, #tpu.memory_space<vmem>> -> memref<1x80xf32, #tpu.memory_space<vmem>>
      %dma_start3A_132 = tpu.memref_squeeze %dma_start3A_131 : memref<1x80xf32, #tpu.memory_space<vmem>> -> memref<80xf32, #tpu.memory_space<vmem>>
      %dma_start3A_133 = arith.constant 0 : i32
      %dma_start3A_134 = tpu.memref_slice %arg12[%dma_start3A_129, %dma_start3A_133] : memref<25x80xi32, #tpu.memory_space<vmem>> -> memref<1x80xi32, #tpu.memory_space<vmem>>
      %dma_start3A_135 = tpu.memref_squeeze %dma_start3A_134 : memref<1x80xi32, #tpu.memory_space<vmem>> -> memref<80xi32, #tpu.memory_space<vmem>>
      %dma_start3A_136 = arith.constant 0 : i32
      %dma_start3A_137 = tpu.memref_slice %arg17[%dma_start3A_136] : memref<10240xf32, #tpu.memory_space<vmem_shared>> -> memref<10240xf32, #tpu.memory_space<vmem_shared>>
      tpu.enqueue_indirect_dma source(%dma_start3A_132 : memref<80xf32, #tpu.memory_space<vmem>>) target(%dma_start3A_137 : memref<10240xf32, #tpu.memory_space<vmem_shared>>) offsets(%dma_start3A_135 : memref<80xi32, #tpu.memory_space<vmem>>) semaphore(%arg19 : memref<!tpu.dma_semaphore, #tpu.memory_space<semaphore_mem>>) {add = true}
      %dma_start3A_138 = arith.constant 3 : i32
      %dma_start3A_139 = arith.constant 240 : i32
      %dma_start3A_140 = arith.constant 0 : i32
      %dma_start3A_141 = tpu.memref_slice %arg14[%dma_start3A_139, %dma_start3A_140] : memref<2000x32xf32, #tpu.memory_space<vmem>> -> memref<80x32xf32, #tpu.memory_space<vmem>>
      %dma_start3A_142 = arith.constant 0 : i32
      %dma_start3A_143 = tpu.memref_slice %arg12[%dma_start3A_138, %dma_start3A_142] : memref<25x80xi32, #tpu.memory_space<vmem>> -> memref<1x80xi32, #tpu.memory_space<vmem>>
      %dma_start3A_144 = tpu.memref_squeeze %dma_start3A_143 : memref<1x80xi32, #tpu.memory_space<vmem>> -> memref<80xi32, #tpu.memory_space<vmem>>
      %dma_start3A_145 = arith.constant 0 : i32
      %dma_start3A_146 = arith.constant 0 : i32
      %dma_start3A_147 = tpu.memref_slice %arg16[%dma_start3A_145, %dma_start3A_146] : memref<10240x32xf32, #tpu.memory_space<vmem_shared>> -> memref<10240x32xf32, #tpu.memory_space<vmem_shared>>
      tpu.enqueue_indirect_dma source(%dma_start3A_141 : memref<80x32xf32, #tpu.memory_space<vmem>>) target(%dma_start3A_147 : memref<10240x32xf32, #tpu.memory_space<vmem_shared>>) offsets(%dma_start3A_144 : memref<80xi32, #tpu.memory_space<vmem>>) semaphore(%arg19 : memref<!tpu.dma_semaphore, #tpu.memory_space<semaphore_mem>>) {add = true}
      %dma_start3A_148 = arith.constant 3 : i32
      %dma_start3A_149 = arith.constant 3 : i32
      %dma_start3A_150 = arith.constant 0 : i32
      %dma_start3A_151 = tpu.memref_slice %arg13[%dma_start3A_148, %dma_start3A_150] : memref<25x80xf32, #tpu.memory_space<vmem>> -> memref<1x80xf32, #tpu.memory_space<vmem>>
      %dma_start3A_152 = tpu.memref_squeeze %dma_start3A_151 : memref<1x80xf32, #tpu.memory_space<vmem>> -> memref<80xf32, #tpu.memory_space<vmem>>
      %dma_start3A_153 = arith.constant 0 : i32
      %dma_start3A_154 = tpu.memref_slice %arg12[%dma_start3A_149, %dma_start3A_153] : memref<25x80xi32, #tpu.memory_space<vmem>> -> memref<1x80xi32, #tpu.memory_space<vmem>>
      %dma_start3A_155 = tpu.memref_squeeze %dma_start3A_154 : memref<1x80xi32, #tpu.memory_space<vmem>> -> memref<80xi32, #tpu.memory_space<vmem>>
      %dma_start3A_156 = arith.constant 0 : i32
      %dma_start3A_157 = tpu.memref_slice %arg17[%dma_start3A_156] : memref<10240xf32, #tpu.memory_space<vmem_shared>> -> memref<10240xf32, #tpu.memory_space<vmem_shared>>
      tpu.enqueue_indirect_dma source(%dma_start3A_152 : memref<80xf32, #tpu.memory_space<vmem>>) target(%dma_start3A_157 : memref<10240xf32, #tpu.memory_space<vmem_shared>>) offsets(%dma_start3A_155 : memref<80xi32, #tpu.memory_space<vmem>>) semaphore(%arg19 : memref<!tpu.dma_semaphore, #tpu.memory_space<semaphore_mem>>) {add = true}
      %dma_start3A_158 = arith.constant 4 : i32
      %dma_start3A_159 = arith.constant 320 : i32
      %dma_start3A_160 = arith.constant 0 : i32
      %dma_start3A_161 = tpu.memref_slice %arg14[%dma_start3A_159, %dma_start3A_160] : memref<2000x32xf32, #tpu.memory_space<vmem>> -> memref<80x32xf32, #tpu.memory_space<vmem>>
      %dma_start3A_162 = arith.constant 0 : i32
      %dma_start3A_163 = tpu.memref_slice %arg12[%dma_start3A_158, %dma_start3A_162] : memref<25x80xi32, #tpu.memory_space<vmem>> -> memref<1x80xi32, #tpu.memory_space<vmem>>
      %dma_start3A_164 = tpu.memref_squeeze %dma_start3A_163 : memref<1x80xi32, #tpu.memory_space<vmem>> -> memref<80xi32, #tpu.memory_space<vmem>>
      %dma_start3A_165 = arith.constant 0 : i32
      %dma_start3A_166 = arith.constant 0 : i32
      %dma_start3A_167 = tpu.memref_slice %arg16[%dma_start3A_165, %dma_start3A_166] : memref<10240x32xf32, #tpu.memory_space<vmem_shared>> -> memref<10240x32xf32, #tpu.memory_space<vmem_shared>>
      tpu.enqueue_indirect_dma source(%dma_start3A_161 : memref<80x32xf32, #tpu.memory_space<vmem>>) target(%dma_start3A_167 : memref<10240x32xf32, #tpu.memory_space<vmem_shared>>) offsets(%dma_start3A_164 : memref<80xi32, #tpu.memory_space<vmem>>) semaphore(%arg19 : memref<!tpu.dma_semaphore, #tpu.memory_space<semaphore_mem>>) {add = true}
      %dma_start3A_168 = arith.constant 4 : i32
      %dma_start3A_169 = arith.constant 4 : i32
      %dma_start3A_170 = arith.constant 0 : i32
      %dma_start3A_171 = tpu.memref_slice %arg13[%dma_start3A_168, %dma_start3A_170] : memref<25x80xf32, #tpu.memory_space<vmem>> -> memref<1x80xf32, #tpu.memory_space<vmem>>
      %dma_start3A_172 = tpu.memref_squeeze %dma_start3A_171 : memref<1x80xf32, #tpu.memory_space<vmem>> -> memref<80xf32, #tpu.memory_space<vmem>>
      %dma_start3A_173 = arith.constant 0 : i32
      %dma_start3A_174 = tpu.memref_slice %arg12[%dma_start3A_169, %dma_start3A_173] : memref<25x80xi32, #tpu.memory_space<vmem>> -> memref<1x80xi32, #tpu.memory_space<vmem>>
      %dma_start3A_175 = tpu.memref_squeeze %dma_start3A_174 : memref<1x80xi32, #tpu.memory_space<vmem>> -> memref<80xi32, #tpu.memory_space<vmem>>
      %dma_start3A_176 = arith.constant 0 : i32
      %dma_start3A_177 = tpu.memref_slice %arg17[%dma_start3A_176] : memref<10240xf32, #tpu.memory_space<vmem_shared>> -> memref<10240xf32, #tpu.memory_space<vmem_shared>>
      tpu.enqueue_indirect_dma source(%dma_start3A_172 : memref<80xf32, #tpu.memory_space<vmem>>) target(%dma_start3A_177 : memref<10240xf32, #tpu.memory_space<vmem_shared>>) offsets(%dma_start3A_175 : memref<80xi32, #tpu.memory_space<vmem>>) semaphore(%arg19 : memref<!tpu.dma_semaphore, #tpu.memory_space<semaphore_mem>>) {add = true}
      %dma_start3A_178 = arith.constant 5 : i32
      %dma_start3A_179 = arith.constant 400 : i32
      %dma_start3A_180 = arith.constant 0 : i32
      %dma_start3A_181 = tpu.memref_slice %arg14[%dma_start3A_179, %dma_start3A_180] : memref<2000x32xf32, #tpu.memory_space<vmem>> -> memref<80x32xf32, #tpu.memory_space<vmem>>
      %dma_start3A_182 = arith.constant 0 : i32
      %dma_start3A_183 = tpu.memref_slice %arg12[%dma_start3A_178, %dma_start3A_182] : memref<25x80xi32, #tpu.memory_space<vmem>> -> memref<1x80xi32, #tpu.memory_space<vmem>>
      %dma_start3A_184 = tpu.memref_squeeze %dma_start3A_183 : memref<1x80xi32, #tpu.memory_space<vmem>> -> memref<80xi32, #tpu.memory_space<vmem>>
      %dma_start3A_185 = arith.constant 0 : i32
      %dma_start3A_186 = arith.constant 0 : i32
      %dma_start3A_187 = tpu.memref_slice %arg16[%dma_start3A_185, %dma_start3A_186] : memref<10240x32xf32, #tpu.memory_space<vmem_shared>> -> memref<10240x32xf32, #tpu.memory_space<vmem_shared>>
      tpu.enqueue_indirect_dma source(%dma_start3A_181 : memref<80x32xf32, #tpu.memory_space<vmem>>) target(%dma_start3A_187 : memref<10240x32xf32, #tpu.memory_space<vmem_shared>>) offsets(%dma_start3A_184 : memref<80xi32, #tpu.memory_space<vmem>>) semaphore(%arg19 : memref<!tpu.dma_semaphore, #tpu.memory_space<semaphore_mem>>) {add = true}
      %dma_start3A_188 = arith.constant 5 : i32
      %dma_start3A_189 = arith.constant 5 : i32
      %dma_start3A_190 = arith.constant 0 : i32
      %dma_start3A_191 = tpu.memref_slice %arg13[%dma_start3A_188, %dma_start3A_190] : memref<25x80xf32, #tpu.memory_space<vmem>> -> memref<1x80xf32, #tpu.memory_space<vmem>>
      %dma_start3A_192 = tpu.memref_squeeze %dma_start3A_191 : memref<1x80xf32, #tpu.memory_space<vmem>> -> memref<80xf32, #tpu.memory_space<vmem>>
      %dma_start3A_193 = arith.constant 0 : i32
      %dma_start3A_194 = tpu.memref_slice %arg12[%dma_start3A_189, %dma_start3A_193] : memref<25x80xi32, #tpu.memory_space<vmem>> -> memref<1x80xi32, #tpu.memory_space<vmem>>
      %dma_start3A_195 = tpu.memref_squeeze %dma_start3A_194 : memref<1x80xi32, #tpu.memory_space<vmem>> -> memref<80xi32, #tpu.memory_space<vmem>>
      %dma_start3A_196 = arith.constant 0 : i32
      %dma_start3A_197 = tpu.memref_slice %arg17[%dma_start3A_196] : memref<10240xf32, #tpu.memory_space<vmem_shared>> -> memref<10240xf32, #tpu.memory_space<vmem_shared>>
      tpu.enqueue_indirect_dma source(%dma_start3A_192 : memref<80xf32, #tpu.memory_space<vmem>>) target(%dma_start3A_197 : memref<10240xf32, #tpu.memory_space<vmem_shared>>) offsets(%dma_start3A_195 : memref<80xi32, #tpu.memory_space<vmem>>) semaphore(%arg19 : memref<!tpu.dma_semaphore, #tpu.memory_space<semaphore_mem>>) {add = true}
      %dma_start3A_198 = arith.constant 6 : i32
      %dma_start3A_199 = arith.constant 480 : i32
      %dma_start3A_200 = arith.constant 0 : i32
      %dma_start3A_201 = tpu.memref_slice %arg14[%dma_start3A_199, %dma_start3A_200] : memref<2000x32xf32, #tpu.memory_space<vmem>> -> memref<80x32xf32, #tpu.memory_space<vmem>>
      %dma_start3A_202 = arith.constant 0 : i32
      %dma_start3A_203 = tpu.memref_slice %arg12[%dma_start3A_198, %dma_start3A_202] : memref<25x80xi32, #tpu.memory_space<vmem>> -> memref<1x80xi32, #tpu.memory_space<vmem>>
      %dma_start3A_204 = tpu.memref_squeeze %dma_start3A_203 : memref<1x80xi32, #tpu.memory_space<vmem>> -> memref<80xi32, #tpu.memory_space<vmem>>
      %dma_start3A_205 = arith.constant 0 : i32
      %dma_start3A_206 = arith.constant 0 : i32
      %dma_start3A_207 = tpu.memref_slice %arg16[%dma_start3A_205, %dma_start3A_206] : memref<10240x32xf32, #tpu.memory_space<vmem_shared>> -> memref<10240x32xf32, #tpu.memory_space<vmem_shared>>
      tpu.enqueue_indirect_dma source(%dma_start3A_201 : memref<80x32xf32, #tpu.memory_space<vmem>>) target(%dma_start3A_207 : memref<10240x32xf32, #tpu.memory_space<vmem_shared>>) offsets(%dma_start3A_204 : memref<80xi32, #tpu.memory_space<vmem>>) semaphore(%arg19 : memref<!tpu.dma_semaphore, #tpu.memory_space<semaphore_mem>>) {add = true}
      %dma_start3A_208 = arith.constant 6 : i32
      %dma_start3A_209 = arith.constant 6 : i32
      %dma_start3A_210 = arith.constant 0 : i32
      %dma_start3A_211 = tpu.memref_slice %arg13[%dma_start3A_208, %dma_start3A_210] : memref<25x80xf32, #tpu.memory_space<vmem>> -> memref<1x80xf32, #tpu.memory_space<vmem>>
      %dma_start3A_212 = tpu.memref_squeeze %dma_start3A_211 : memref<1x80xf32, #tpu.memory_space<vmem>> -> memref<80xf32, #tpu.memory_space<vmem>>
      %dma_start3A_213 = arith.constant 0 : i32
      %dma_start3A_214 = tpu.memref_slice %arg12[%dma_start3A_209, %dma_start3A_213] : memref<25x80xi32, #tpu.memory_space<vmem>> -> memref<1x80xi32, #tpu.memory_space<vmem>>
      %dma_start3A_215 = tpu.memref_squeeze %dma_start3A_214 : memref<1x80xi32, #tpu.memory_space<vmem>> -> memref<80xi32, #tpu.memory_space<vmem>>
      %dma_start3A_216 = arith.constant 0 : i32
      %dma_start3A_217 = tpu.memref_slice %arg17[%dma_start3A_216] : memref<10240xf32, #tpu.memory_space<vmem_shared>> -> memref<10240xf32, #tpu.memory_space<vmem_shared>>
      tpu.enqueue_indirect_dma source(%dma_start3A_212 : memref<80xf32, #tpu.memory_space<vmem>>) target(%dma_start3A_217 : memref<10240xf32, #tpu.memory_space<vmem_shared>>) offsets(%dma_start3A_215 : memref<80xi32, #tpu.memory_space<vmem>>) semaphore(%arg19 : memref<!tpu.dma_semaphore, #tpu.memory_space<semaphore_mem>>) {add = true}
      %dma_start3A_218 = arith.constant 7 : i32
      %dma_start3A_219 = arith.constant 560 : i32
      %dma_start3A_220 = arith.constant 0 : i32
      %dma_start3A_221 = tpu.memref_slice %arg14[%dma_start3A_219, %dma_start3A_220] : memref<2000x32xf32, #tpu.memory_space<vmem>> -> memref<80x32xf32, #tpu.memory_space<vmem>>
      %dma_start3A_222 = arith.constant 0 : i32
      %dma_start3A_223 = tpu.memref_slice %arg12[%dma_start3A_218, %dma_start3A_222] : memref<25x80xi32, #tpu.memory_space<vmem>> -> memref<1x80xi32, #tpu.memory_space<vmem>>
      %dma_start3A_224 = tpu.memref_squeeze %dma_start3A_223 : memref<1x80xi32, #tpu.memory_space<vmem>> -> memref<80xi32, #tpu.memory_space<vmem>>
      %dma_start3A_225 = arith.constant 0 : i32
      %dma_start3A_226 = arith.constant 0 : i32
      %dma_start3A_227 = tpu.memref_slice %arg16[%dma_start3A_225, %dma_start3A_226] : memref<10240x32xf32, #tpu.memory_space<vmem_shared>> -> memref<10240x32xf32, #tpu.memory_space<vmem_shared>>
      tpu.enqueue_indirect_dma source(%dma_start3A_221 : memref<80x32xf32, #tpu.memory_space<vmem>>) target(%dma_start3A_227 : memref<10240x32xf32, #tpu.memory_space<vmem_shared>>) offsets(%dma_start3A_224 : memref<80xi32, #tpu.memory_space<vmem>>) semaphore(%arg19 : memref<!tpu.dma_semaphore, #tpu.memory_space<semaphore_mem>>) {add = true}
      %dma_start3A_228 = arith.constant 7 : i32
      %dma_start3A_229 = arith.constant 7 : i32
      %dma_start3A_230 = arith.constant 0 : i32
      %dma_start3A_231 = tpu.memref_slice %arg13[%dma_start3A_228, %dma_start3A_230] : memref<25x80xf32, #tpu.memory_space<vmem>> -> memref<1x80xf32, #tpu.memory_space<vmem>>
      %dma_start3A_232 = tpu.memref_squeeze %dma_start3A_231 : memref<1x80xf32, #tpu.memory_space<vmem>> -> memref<80xf32, #tpu.memory_space<vmem>>
      %dma_start3A_233 = arith.constant 0 : i32
      %dma_start3A_234 = tpu.memref_slice %arg12[%dma_start3A_229, %dma_start3A_233] : memref<25x80xi32, #tpu.memory_space<vmem>> -> memref<1x80xi32, #tpu.memory_space<vmem>>
      %dma_start3A_235 = tpu.memref_squeeze %dma_start3A_234 : memref<1x80xi32, #tpu.memory_space<vmem>> -> memref<80xi32, #tpu.memory_space<vmem>>
      %dma_start3A_236 = arith.constant 0 : i32
      %dma_start3A_237 = tpu.memref_slice %arg17[%dma_start3A_236] : memref<10240xf32, #tpu.memory_space<vmem_shared>> -> memref<10240xf32, #tpu.memory_space<vmem_shared>>
      tpu.enqueue_indirect_dma source(%dma_start3A_232 : memref<80xf32, #tpu.memory_space<vmem>>) target(%dma_start3A_237 : memref<10240xf32, #tpu.memory_space<vmem_shared>>) offsets(%dma_start3A_235 : memref<80xi32, #tpu.memory_space<vmem>>) semaphore(%arg19 : memref<!tpu.dma_semaphore, #tpu.memory_space<semaphore_mem>>) {add = true}
      %dma_start3A_238 = arith.constant 8 : i32
      %dma_start3A_239 = arith.constant 640 : i32
      %dma_start3A_240 = arith.constant 0 : i32
      %dma_start3A_241 = tpu.memref_slice %arg14[%dma_start3A_239, %dma_start3A_240] : memref<2000x32xf32, #tpu.memory_space<vmem>> -> memref<80x32xf32, #tpu.memory_space<vmem>>
      %dma_start3A_242 = arith.constant 0 : i32
      %dma_start3A_243 = tpu.memref_slice %arg12[%dma_start3A_238, %dma_start3A_242] : memref<25x80xi32, #tpu.memory_space<vmem>> -> memref<1x80xi32, #tpu.memory_space<vmem>>
      %dma_start3A_244 = tpu.memref_squeeze %dma_start3A_243 : memref<1x80xi32, #tpu.memory_space<vmem>> -> memref<80xi32, #tpu.memory_space<vmem>>
      %dma_start3A_245 = arith.constant 0 : i32
      %dma_start3A_246 = arith.constant 0 : i32
      %dma_start3A_247 = tpu.memref_slice %arg16[%dma_start3A_245, %dma_start3A_246] : memref<10240x32xf32, #tpu.memory_space<vmem_shared>> -> memref<10240x32xf32, #tpu.memory_space<vmem_shared>>
      tpu.enqueue_indirect_dma source(%dma_start3A_241 : memref<80x32xf32, #tpu.memory_space<vmem>>) target(%dma_start3A_247 : memref<10240x32xf32, #tpu.memory_space<vmem_shared>>) offsets(%dma_start3A_244 : memref<80xi32, #tpu.memory_space<vmem>>) semaphore(%arg19 : memref<!tpu.dma_semaphore, #tpu.memory_space<semaphore_mem>>) {add = true}
      %dma_start3A_248 = arith.constant 8 : i32
      %dma_start3A_249 = arith.constant 8 : i32
      %dma_start3A_250 = arith.constant 0 : i32
      %dma_start3A_251 = tpu.memref_slice %arg13[%dma_start3A_248, %dma_start3A_250] : memref<25x80xf32, #tpu.memory_space<vmem>> -> memref<1x80xf32, #tpu.memory_space<vmem>>
      %dma_start3A_252 = tpu.memref_squeeze %dma_start3A_251 : memref<1x80xf32, #tpu.memory_space<vmem>> -> memref<80xf32, #tpu.memory_space<vmem>>
      %dma_start3A_253 = arith.constant 0 : i32
      %dma_start3A_254 = tpu.memref_slice %arg12[%dma_start3A_249, %dma_start3A_253] : memref<25x80xi32, #tpu.memory_space<vmem>> -> memref<1x80xi32, #tpu.memory_space<vmem>>
      %dma_start3A_255 = tpu.memref_squeeze %dma_start3A_254 : memref<1x80xi32, #tpu.memory_space<vmem>> -> memref<80xi32, #tpu.memory_space<vmem>>
      %dma_start3A_256 = arith.constant 0 : i32
      %dma_start3A_257 = tpu.memref_slice %arg17[%dma_start3A_256] : memref<10240xf32, #tpu.memory_space<vmem_shared>> -> memref<10240xf32, #tpu.memory_space<vmem_shared>>
      tpu.enqueue_indirect_dma source(%dma_start3A_252 : memref<80xf32, #tpu.memory_space<vmem>>) target(%dma_start3A_257 : memref<10240xf32, #tpu.memory_space<vmem_shared>>) offsets(%dma_start3A_255 : memref<80xi32, #tpu.memory_space<vmem>>) semaphore(%arg19 : memref<!tpu.dma_semaphore, #tpu.memory_space<semaphore_mem>>) {add = true}
      %dma_start3A_258 = arith.constant 9 : i32
      %dma_start3A_259 = arith.constant 720 : i32
      %dma_start3A_260 = arith.constant 0 : i32
      %dma_start3A_261 = tpu.memref_slice %arg14[%dma_start3A_259, %dma_start3A_260] : memref<2000x32xf32, #tpu.memory_space<vmem>> -> memref<80x32xf32, #tpu.memory_space<vmem>>
      %dma_start3A_262 = arith.constant 0 : i32
      %dma_start3A_263 = tpu.memref_slice %arg12[%dma_start3A_258, %dma_start3A_262] : memref<25x80xi32, #tpu.memory_space<vmem>> -> memref<1x80xi32, #tpu.memory_space<vmem>>
      %dma_start3A_264 = tpu.memref_squeeze %dma_start3A_263 : memref<1x80xi32, #tpu.memory_space<vmem>> -> memref<80xi32, #tpu.memory_space<vmem>>
      %dma_start3A_265 = arith.constant 0 : i32
      %dma_start3A_266 = arith.constant 0 : i32
      %dma_start3A_267 = tpu.memref_slice %arg16[%dma_start3A_265, %dma_start3A_266] : memref<10240x32xf32, #tpu.memory_space<vmem_shared>> -> memref<10240x32xf32, #tpu.memory_space<vmem_shared>>
      tpu.enqueue_indirect_dma source(%dma_start3A_261 : memref<80x32xf32, #tpu.memory_space<vmem>>) target(%dma_start3A_267 : memref<10240x32xf32, #tpu.memory_space<vmem_shared>>) offsets(%dma_start3A_264 : memref<80xi32, #tpu.memory_space<vmem>>) semaphore(%arg19 : memref<!tpu.dma_semaphore, #tpu.memory_space<semaphore_mem>>) {add = true}
      %dma_start3A_268 = arith.constant 9 : i32
      %dma_start3A_269 = arith.constant 9 : i32
      %dma_start3A_270 = arith.constant 0 : i32
      %dma_start3A_271 = tpu.memref_slice %arg13[%dma_start3A_268, %dma_start3A_270] : memref<25x80xf32, #tpu.memory_space<vmem>> -> memref<1x80xf32, #tpu.memory_space<vmem>>
      %dma_start3A_272 = tpu.memref_squeeze %dma_start3A_271 : memref<1x80xf32, #tpu.memory_space<vmem>> -> memref<80xf32, #tpu.memory_space<vmem>>
      %dma_start3A_273 = arith.constant 0 : i32
      %dma_start3A_274 = tpu.memref_slice %arg12[%dma_start3A_269, %dma_start3A_273] : memref<25x80xi32, #tpu.memory_space<vmem>> -> memref<1x80xi32, #tpu.memory_space<vmem>>
      %dma_start3A_275 = tpu.memref_squeeze %dma_start3A_274 : memref<1x80xi32, #tpu.memory_space<vmem>> -> memref<80xi32, #tpu.memory_space<vmem>>
      %dma_start3A_276 = arith.constant 0 : i32
      %dma_start3A_277 = tpu.memref_slice %arg17[%dma_start3A_276] : memref<10240xf32, #tpu.memory_space<vmem_shared>> -> memref<10240xf32, #tpu.memory_space<vmem_shared>>
      tpu.enqueue_indirect_dma source(%dma_start3A_272 : memref<80xf32, #tpu.memory_space<vmem>>) target(%dma_start3A_277 : memref<10240xf32, #tpu.memory_space<vmem_shared>>) offsets(%dma_start3A_275 : memref<80xi32, #tpu.memory_space<vmem>>) semaphore(%arg19 : memref<!tpu.dma_semaphore, #tpu.memory_space<semaphore_mem>>) {add = true}
      %dma_start3A_278 = arith.constant 10 : i32
      %dma_start3A_279 = arith.constant 800 : i32
      %dma_start3A_280 = arith.constant 0 : i32
      %dma_start3A_281 = tpu.memref_slice %arg14[%dma_start3A_279, %dma_start3A_280] : memref<2000x32xf32, #tpu.memory_space<vmem>> -> memref<80x32xf32, #tpu.memory_space<vmem>>
      %dma_start3A_282 = arith.constant 0 : i32
      %dma_start3A_283 = tpu.memref_slice %arg12[%dma_start3A_278, %dma_start3A_282] : memref<25x80xi32, #tpu.memory_space<vmem>> -> memref<1x80xi32, #tpu.memory_space<vmem>>
      %dma_start3A_284 = tpu.memref_squeeze %dma_start3A_283 : memref<1x80xi32, #tpu.memory_space<vmem>> -> memref<80xi32, #tpu.memory_space<vmem>>
      %dma_start3A_285 = arith.constant 0 : i32
      %dma_start3A_286 = arith.constant 0 : i32
      %dma_start3A_287 = tpu.memref_slice %arg16[%dma_start3A_285, %dma_start3A_286] : memref<10240x32xf32, #tpu.memory_space<vmem_shared>> -> memref<10240x32xf32, #tpu.memory_space<vmem_shared>>
      tpu.enqueue_indirect_dma source(%dma_start3A_281 : memref<80x32xf32, #tpu.memory_space<vmem>>) target(%dma_start3A_287 : memref<10240x32xf32, #tpu.memory_space<vmem_shared>>) offsets(%dma_start3A_284 : memref<80xi32, #tpu.memory_space<vmem>>) semaphore(%arg19 : memref<!tpu.dma_semaphore, #tpu.memory_space<semaphore_mem>>) {add = true}
      %dma_start3A_288 = arith.constant 10 : i32
      %dma_start3A_289 = arith.constant 10 : i32
      %dma_start3A_290 = arith.constant 0 : i32
      %dma_start3A_291 = tpu.memref_slice %arg13[%dma_start3A_288, %dma_start3A_290] : memref<25x80xf32, #tpu.memory_space<vmem>> -> memref<1x80xf32, #tpu.memory_space<vmem>>
      %dma_start3A_292 = tpu.memref_squeeze %dma_start3A_291 : memref<1x80xf32, #tpu.memory_space<vmem>> -> memref<80xf32, #tpu.memory_space<vmem>>
      %dma_start3A_293 = arith.constant 0 : i32
      %dma_start3A_294 = tpu.memref_slice %arg12[%dma_start3A_289, %dma_start3A_293] : memref<25x80xi32, #tpu.memory_space<vmem>> -> memref<1x80xi32, #tpu.memory_space<vmem>>
      %dma_start3A_295 = tpu.memref_squeeze %dma_start3A_294 : memref<1x80xi32, #tpu.memory_space<vmem>> -> memref<80xi32, #tpu.memory_space<vmem>>
      %dma_start3A_296 = arith.constant 0 : i32
      %dma_start3A_297 = tpu.memref_slice %arg17[%dma_start3A_296] : memref<10240xf32, #tpu.memory_space<vmem_shared>> -> memref<10240xf32, #tpu.memory_space<vmem_shared>>
      tpu.enqueue_indirect_dma source(%dma_start3A_292 : memref<80xf32, #tpu.memory_space<vmem>>) target(%dma_start3A_297 : memref<10240xf32, #tpu.memory_space<vmem_shared>>) offsets(%dma_start3A_295 : memref<80xi32, #tpu.memory_space<vmem>>) semaphore(%arg19 : memref<!tpu.dma_semaphore, #tpu.memory_space<semaphore_mem>>) {add = true}
      %dma_start3A_298 = arith.constant 11 : i32
      %dma_start3A_299 = arith.constant 880 : i32
      %dma_start3A_300 = arith.constant 0 : i32
      %dma_start3A_301 = tpu.memref_slice %arg14[%dma_start3A_299, %dma_start3A_300] : memref<2000x32xf32, #tpu.memory_space<vmem>> -> memref<80x32xf32, #tpu.memory_space<vmem>>
      %dma_start3A_302 = arith.constant 0 : i32
      %dma_start3A_303 = tpu.memref_slice %arg12[%dma_start3A_298, %dma_start3A_302] : memref<25x80xi32, #tpu.memory_space<vmem>> -> memref<1x80xi32, #tpu.memory_space<vmem>>
      %dma_start3A_304 = tpu.memref_squeeze %dma_start3A_303 : memref<1x80xi32, #tpu.memory_space<vmem>> -> memref<80xi32, #tpu.memory_space<vmem>>
      %dma_start3A_305 = arith.constant 0 : i32
      %dma_start3A_306 = arith.constant 0 : i32
      %dma_start3A_307 = tpu.memref_slice %arg16[%dma_start3A_305, %dma_start3A_306] : memref<10240x32xf32, #tpu.memory_space<vmem_shared>> -> memref<10240x32xf32, #tpu.memory_space<vmem_shared>>
      tpu.enqueue_indirect_dma source(%dma_start3A_301 : memref<80x32xf32, #tpu.memory_space<vmem>>) target(%dma_start3A_307 : memref<10240x32xf32, #tpu.memory_space<vmem_shared>>) offsets(%dma_start3A_304 : memref<80xi32, #tpu.memory_space<vmem>>) semaphore(%arg19 : memref<!tpu.dma_semaphore, #tpu.memory_space<semaphore_mem>>) {add = true}
      %dma_start3A_308 = arith.constant 11 : i32
      %dma_start3A_309 = arith.constant 11 : i32
      %dma_start3A_310 = arith.constant 0 : i32
      %dma_start3A_311 = tpu.memref_slice %arg13[%dma_start3A_308, %dma_start3A_310] : memref<25x80xf32, #tpu.memory_space<vmem>> -> memref<1x80xf32, #tpu.memory_space<vmem>>
      %dma_start3A_312 = tpu.memref_squeeze %dma_start3A_311 : memref<1x80xf32, #tpu.memory_space<vmem>> -> memref<80xf32, #tpu.memory_space<vmem>>
      %dma_start3A_313 = arith.constant 0 : i32
      %dma_start3A_314 = tpu.memref_slice %arg12[%dma_start3A_309, %dma_start3A_313] : memref<25x80xi32, #tpu.memory_space<vmem>> -> memref<1x80xi32, #tpu.memory_space<vmem>>
      %dma_start3A_315 = tpu.memref_squeeze %dma_start3A_314 : memref<1x80xi32, #tpu.memory_space<vmem>> -> memref<80xi32, #tpu.memory_space<vmem>>
      %dma_start3A_316 = arith.constant 0 : i32
      %dma_start3A_317 = tpu.memref_slice %arg17[%dma_start3A_316] : memref<10240xf32, #tpu.memory_space<vmem_shared>> -> memref<10240xf32, #tpu.memory_space<vmem_shared>>
      tpu.enqueue_indirect_dma source(%dma_start3A_312 : memref<80xf32, #tpu.memory_space<vmem>>) target(%dma_start3A_317 : memref<10240xf32, #tpu.memory_space<vmem_shared>>) offsets(%dma_start3A_315 : memref<80xi32, #tpu.memory_space<vmem>>) semaphore(%arg19 : memref<!tpu.dma_semaphore, #tpu.memory_space<semaphore_mem>>) {add = true}
      %dma_start3A_318 = arith.constant 12 : i32
      %dma_start3A_319 = arith.constant 960 : i32
      %dma_start3A_320 = arith.constant 0 : i32
      %dma_start3A_321 = tpu.memref_slice %arg14[%dma_start3A_319, %dma_start3A_320] : memref<2000x32xf32, #tpu.memory_space<vmem>> -> memref<80x32xf32, #tpu.memory_space<vmem>>
      %dma_start3A_322 = arith.constant 0 : i32
      %dma_start3A_323 = tpu.memref_slice %arg12[%dma_start3A_318, %dma_start3A_322] : memref<25x80xi32, #tpu.memory_space<vmem>> -> memref<1x80xi32, #tpu.memory_space<vmem>>
      %dma_start3A_324 = tpu.memref_squeeze %dma_start3A_323 : memref<1x80xi32, #tpu.memory_space<vmem>> -> memref<80xi32, #tpu.memory_space<vmem>>
      %dma_start3A_325 = arith.constant 0 : i32
      %dma_start3A_326 = arith.constant 0 : i32
      %dma_start3A_327 = tpu.memref_slice %arg16[%dma_start3A_325, %dma_start3A_326] : memref<10240x32xf32, #tpu.memory_space<vmem_shared>> -> memref<10240x32xf32, #tpu.memory_space<vmem_shared>>
      tpu.enqueue_indirect_dma source(%dma_start3A_321 : memref<80x32xf32, #tpu.memory_space<vmem>>) target(%dma_start3A_327 : memref<10240x32xf32, #tpu.memory_space<vmem_shared>>) offsets(%dma_start3A_324 : memref<80xi32, #tpu.memory_space<vmem>>) semaphore(%arg19 : memref<!tpu.dma_semaphore, #tpu.memory_space<semaphore_mem>>) {add = true}
      %dma_start3A_328 = arith.constant 12 : i32
      %dma_start3A_329 = arith.constant 12 : i32
      %dma_start3A_330 = arith.constant 0 : i32
      %dma_start3A_331 = tpu.memref_slice %arg13[%dma_start3A_328, %dma_start3A_330] : memref<25x80xf32, #tpu.memory_space<vmem>> -> memref<1x80xf32, #tpu.memory_space<vmem>>
      %dma_start3A_332 = tpu.memref_squeeze %dma_start3A_331 : memref<1x80xf32, #tpu.memory_space<vmem>> -> memref<80xf32, #tpu.memory_space<vmem>>
      %dma_start3A_333 = arith.constant 0 : i32
      %dma_start3A_334 = tpu.memref_slice %arg12[%dma_start3A_329, %dma_start3A_333] : memref<25x80xi32, #tpu.memory_space<vmem>> -> memref<1x80xi32, #tpu.memory_space<vmem>>
      %dma_start3A_335 = tpu.memref_squeeze %dma_start3A_334 : memref<1x80xi32, #tpu.memory_space<vmem>> -> memref<80xi32, #tpu.memory_space<vmem>>
      %dma_start3A_336 = arith.constant 0 : i32
      %dma_start3A_337 = tpu.memref_slice %arg17[%dma_start3A_336] : memref<10240xf32, #tpu.memory_space<vmem_shared>> -> memref<10240xf32, #tpu.memory_space<vmem_shared>>
      tpu.enqueue_indirect_dma source(%dma_start3A_332 : memref<80xf32, #tpu.memory_space<vmem>>) target(%dma_start3A_337 : memref<10240xf32, #tpu.memory_space<vmem_shared>>) offsets(%dma_start3A_335 : memref<80xi32, #tpu.memory_space<vmem>>) semaphore(%arg19 : memref<!tpu.dma_semaphore, #tpu.memory_space<semaphore_mem>>) {add = true}
      %dma_start3A_338 = arith.constant 13 : i32
      %dma_start3A_339 = arith.constant 1040 : i32
      %dma_start3A_340 = arith.constant 0 : i32
      %dma_start3A_341 = tpu.memref_slice %arg14[%dma_start3A_339, %dma_start3A_340] : memref<2000x32xf32, #tpu.memory_space<vmem>> -> memref<80x32xf32, #tpu.memory_space<vmem>>
      %dma_start3A_342 = arith.constant 0 : i32
      %dma_start3A_343 = tpu.memref_slice %arg12[%dma_start3A_338, %dma_start3A_342] : memref<25x80xi32, #tpu.memory_space<vmem>> -> memref<1x80xi32, #tpu.memory_space<vmem>>
      %dma_start3A_344 = tpu.memref_squeeze %dma_start3A_343 : memref<1x80xi32, #tpu.memory_space<vmem>> -> memref<80xi32, #tpu.memory_space<vmem>>
      %dma_start3A_345 = arith.constant 0 : i32
      %dma_start3A_346 = arith.constant 0 : i32
      %dma_start3A_347 = tpu.memref_slice %arg16[%dma_start3A_345, %dma_start3A_346] : memref<10240x32xf32, #tpu.memory_space<vmem_shared>> -> memref<10240x32xf32, #tpu.memory_space<vmem_shared>>
      tpu.enqueue_indirect_dma source(%dma_start3A_341 : memref<80x32xf32, #tpu.memory_space<vmem>>) target(%dma_start3A_347 : memref<10240x32xf32, #tpu.memory_space<vmem_shared>>) offsets(%dma_start3A_344 : memref<80xi32, #tpu.memory_space<vmem>>) semaphore(%arg19 : memref<!tpu.dma_semaphore, #tpu.memory_space<semaphore_mem>>) {add = true}
      %dma_start3A_348 = arith.constant 13 : i32
      %dma_start3A_349 = arith.constant 13 : i32
      %dma_start3A_350 = arith.constant 0 : i32
      %dma_start3A_351 = tpu.memref_slice %arg13[%dma_start3A_348, %dma_start3A_350] : memref<25x80xf32, #tpu.memory_space<vmem>> -> memref<1x80xf32, #tpu.memory_space<vmem>>
      %dma_start3A_352 = tpu.memref_squeeze %dma_start3A_351 : memref<1x80xf32, #tpu.memory_space<vmem>> -> memref<80xf32, #tpu.memory_space<vmem>>
      %dma_start3A_353 = arith.constant 0 : i32
      %dma_start3A_354 = tpu.memref_slice %arg12[%dma_start3A_349, %dma_start3A_353] : memref<25x80xi32, #tpu.memory_space<vmem>> -> memref<1x80xi32, #tpu.memory_space<vmem>>
      %dma_start3A_355 = tpu.memref_squeeze %dma_start3A_354 : memref<1x80xi32, #tpu.memory_space<vmem>> -> memref<80xi32, #tpu.memory_space<vmem>>
      %dma_start3A_356 = arith.constant 0 : i32
      %dma_start3A_357 = tpu.memref_slice %arg17[%dma_start3A_356] : memref<10240xf32, #tpu.memory_space<vmem_shared>> -> memref<10240xf32, #tpu.memory_space<vmem_shared>>
      tpu.enqueue_indirect_dma source(%dma_start3A_352 : memref<80xf32, #tpu.memory_space<vmem>>) target(%dma_start3A_357 : memref<10240xf32, #tpu.memory_space<vmem_shared>>) offsets(%dma_start3A_355 : memref<80xi32, #tpu.memory_space<vmem>>) semaphore(%arg19 : memref<!tpu.dma_semaphore, #tpu.memory_space<semaphore_mem>>) {add = true}
      %dma_start3A_358 = arith.constant 14 : i32
      %dma_start3A_359 = arith.constant 1120 : i32
      %dma_start3A_360 = arith.constant 0 : i32
      %dma_start3A_361 = tpu.memref_slice %arg14[%dma_start3A_359, %dma_start3A_360] : memref<2000x32xf32, #tpu.memory_space<vmem>> -> memref<80x32xf32, #tpu.memory_space<vmem>>
      %dma_start3A_362 = arith.constant 0 : i32
      %dma_start3A_363 = tpu.memref_slice %arg12[%dma_start3A_358, %dma_start3A_362] : memref<25x80xi32, #tpu.memory_space<vmem>> -> memref<1x80xi32, #tpu.memory_space<vmem>>
      %dma_start3A_364 = tpu.memref_squeeze %dma_start3A_363 : memref<1x80xi32, #tpu.memory_space<vmem>> -> memref<80xi32, #tpu.memory_space<vmem>>
      %dma_start3A_365 = arith.constant 0 : i32
      %dma_start3A_366 = arith.constant 0 : i32
      %dma_start3A_367 = tpu.memref_slice %arg16[%dma_start3A_365, %dma_start3A_366] : memref<10240x32xf32, #tpu.memory_space<vmem_shared>> -> memref<10240x32xf32, #tpu.memory_space<vmem_shared>>
      tpu.enqueue_indirect_dma source(%dma_start3A_361 : memref<80x32xf32, #tpu.memory_space<vmem>>) target(%dma_start3A_367 : memref<10240x32xf32, #tpu.memory_space<vmem_shared>>) offsets(%dma_start3A_364 : memref<80xi32, #tpu.memory_space<vmem>>) semaphore(%arg19 : memref<!tpu.dma_semaphore, #tpu.memory_space<semaphore_mem>>) {add = true}
      %dma_start3A_368 = arith.constant 14 : i32
      %dma_start3A_369 = arith.constant 14 : i32
      %dma_start3A_370 = arith.constant 0 : i32
      %dma_start3A_371 = tpu.memref_slice %arg13[%dma_start3A_368, %dma_start3A_370] : memref<25x80xf32, #tpu.memory_space<vmem>> -> memref<1x80xf32, #tpu.memory_space<vmem>>
      %dma_start3A_372 = tpu.memref_squeeze %dma_start3A_371 : memref<1x80xf32, #tpu.memory_space<vmem>> -> memref<80xf32, #tpu.memory_space<vmem>>
      %dma_start3A_373 = arith.constant 0 : i32
      %dma_start3A_374 = tpu.memref_slice %arg12[%dma_start3A_369, %dma_start3A_373] : memref<25x80xi32, #tpu.memory_space<vmem>> -> memref<1x80xi32, #tpu.memory_space<vmem>>
      %dma_start3A_375 = tpu.memref_squeeze %dma_start3A_374 : memref<1x80xi32, #tpu.memory_space<vmem>> -> memref<80xi32, #tpu.memory_space<vmem>>
      %dma_start3A_376 = arith.constant 0 : i32
      %dma_start3A_377 = tpu.memref_slice %arg17[%dma_start3A_376] : memref<10240xf32, #tpu.memory_space<vmem_shared>> -> memref<10240xf32, #tpu.memory_space<vmem_shared>>
      tpu.enqueue_indirect_dma source(%dma_start3A_372 : memref<80xf32, #tpu.memory_space<vmem>>) target(%dma_start3A_377 : memref<10240xf32, #tpu.memory_space<vmem_shared>>) offsets(%dma_start3A_375 : memref<80xi32, #tpu.memory_space<vmem>>) semaphore(%arg19 : memref<!tpu.dma_semaphore, #tpu.memory_space<semaphore_mem>>) {add = true}
      %dma_start3A_378 = arith.constant 15 : i32
      %dma_start3A_379 = arith.constant 1200 : i32
      %dma_start3A_380 = arith.constant 0 : i32
      %dma_start3A_381 = tpu.memref_slice %arg14[%dma_start3A_379, %dma_start3A_380] : memref<2000x32xf32, #tpu.memory_space<vmem>> -> memref<80x32xf32, #tpu.memory_space<vmem>>
      %dma_start3A_382 = arith.constant 0 : i32
      %dma_start3A_383 = tpu.memref_slice %arg12[%dma_start3A_378, %dma_start3A_382] : memref<25x80xi32, #tpu.memory_space<vmem>> -> memref<1x80xi32, #tpu.memory_space<vmem>>
      %dma_start3A_384 = tpu.memref_squeeze %dma_start3A_383 : memref<1x80xi32, #tpu.memory_space<vmem>> -> memref<80xi32, #tpu.memory_space<vmem>>
      %dma_start3A_385 = arith.constant 0 : i32
      %dma_start3A_386 = arith.constant 0 : i32
      %dma_start3A_387 = tpu.memref_slice %arg16[%dma_start3A_385, %dma_start3A_386] : memref<10240x32xf32, #tpu.memory_space<vmem_shared>> -> memref<10240x32xf32, #tpu.memory_space<vmem_shared>>
      tpu.enqueue_indirect_dma source(%dma_start3A_381 : memref<80x32xf32, #tpu.memory_space<vmem>>) target(%dma_start3A_387 : memref<10240x32xf32, #tpu.memory_space<vmem_shared>>) offsets(%dma_start3A_384 : memref<80xi32, #tpu.memory_space<vmem>>) semaphore(%arg19 : memref<!tpu.dma_semaphore, #tpu.memory_space<semaphore_mem>>) {add = true}
      %dma_start3A_388 = arith.constant 15 : i32
      %dma_start3A_389 = arith.constant 15 : i32
      %dma_start3A_390 = arith.constant 0 : i32
      %dma_start3A_391 = tpu.memref_slice %arg13[%dma_start3A_388, %dma_start3A_390] : memref<25x80xf32, #tpu.memory_space<vmem>> -> memref<1x80xf32, #tpu.memory_space<vmem>>
      %dma_start3A_392 = tpu.memref_squeeze %dma_start3A_391 : memref<1x80xf32, #tpu.memory_space<vmem>> -> memref<80xf32, #tpu.memory_space<vmem>>
      %dma_start3A_393 = arith.constant 0 : i32
      %dma_start3A_394 = tpu.memref_slice %arg12[%dma_start3A_389, %dma_start3A_393] : memref<25x80xi32, #tpu.memory_space<vmem>> -> memref<1x80xi32, #tpu.memory_space<vmem>>
      %dma_start3A_395 = tpu.memref_squeeze %dma_start3A_394 : memref<1x80xi32, #tpu.memory_space<vmem>> -> memref<80xi32, #tpu.memory_space<vmem>>
      %dma_start3A_396 = arith.constant 0 : i32
      %dma_start3A_397 = tpu.memref_slice %arg17[%dma_start3A_396] : memref<10240xf32, #tpu.memory_space<vmem_shared>> -> memref<10240xf32, #tpu.memory_space<vmem_shared>>
      tpu.enqueue_indirect_dma source(%dma_start3A_392 : memref<80xf32, #tpu.memory_space<vmem>>) target(%dma_start3A_397 : memref<10240xf32, #tpu.memory_space<vmem_shared>>) offsets(%dma_start3A_395 : memref<80xi32, #tpu.memory_space<vmem>>) semaphore(%arg19 : memref<!tpu.dma_semaphore, #tpu.memory_space<semaphore_mem>>) {add = true}
      %dma_start3A_398 = arith.constant 16 : i32
      %dma_start3A_399 = arith.constant 1280 : i32
      %dma_start3A_400 = arith.constant 0 : i32
      %dma_start3A_401 = tpu.memref_slice %arg14[%dma_start3A_399, %dma_start3A_400] : memref<2000x32xf32, #tpu.memory_space<vmem>> -> memref<80x32xf32, #tpu.memory_space<vmem>>
      %dma_start3A_402 = arith.constant 0 : i32
      %dma_start3A_403 = tpu.memref_slice %arg12[%dma_start3A_398, %dma_start3A_402] : memref<25x80xi32, #tpu.memory_space<vmem>> -> memref<1x80xi32, #tpu.memory_space<vmem>>
      %dma_start3A_404 = tpu.memref_squeeze %dma_start3A_403 : memref<1x80xi32, #tpu.memory_space<vmem>> -> memref<80xi32, #tpu.memory_space<vmem>>
      %dma_start3A_405 = arith.constant 0 : i32
      %dma_start3A_406 = arith.constant 0 : i32
      %dma_start3A_407 = tpu.memref_slice %arg16[%dma_start3A_405, %dma_start3A_406] : memref<10240x32xf32, #tpu.memory_space<vmem_shared>> -> memref<10240x32xf32, #tpu.memory_space<vmem_shared>>
      tpu.enqueue_indirect_dma source(%dma_start3A_401 : memref<80x32xf32, #tpu.memory_space<vmem>>) target(%dma_start3A_407 : memref<10240x32xf32, #tpu.memory_space<vmem_shared>>) offsets(%dma_start3A_404 : memref<80xi32, #tpu.memory_space<vmem>>) semaphore(%arg19 : memref<!tpu.dma_semaphore, #tpu.memory_space<semaphore_mem>>) {add = true}
      %dma_start3A_408 = arith.constant 16 : i32
      %dma_start3A_409 = arith.constant 16 : i32
      %dma_start3A_410 = arith.constant 0 : i32
      %dma_start3A_411 = tpu.memref_slice %arg13[%dma_start3A_408, %dma_start3A_410] : memref<25x80xf32, #tpu.memory_space<vmem>> -> memref<1x80xf32, #tpu.memory_space<vmem>>
      %dma_start3A_412 = tpu.memref_squeeze %dma_start3A_411 : memref<1x80xf32, #tpu.memory_space<vmem>> -> memref<80xf32, #tpu.memory_space<vmem>>
      %dma_start3A_413 = arith.constant 0 : i32
      %dma_start3A_414 = tpu.memref_slice %arg12[%dma_start3A_409, %dma_start3A_413] : memref<25x80xi32, #tpu.memory_space<vmem>> -> memref<1x80xi32, #tpu.memory_space<vmem>>
      %dma_start3A_415 = tpu.memref_squeeze %dma_start3A_414 : memref<1x80xi32, #tpu.memory_space<vmem>> -> memref<80xi32, #tpu.memory_space<vmem>>
      %dma_start3A_416 = arith.constant 0 : i32
      %dma_start3A_417 = tpu.memref_slice %arg17[%dma_start3A_416] : memref<10240xf32, #tpu.memory_space<vmem_shared>> -> memref<10240xf32, #tpu.memory_space<vmem_shared>>
      tpu.enqueue_indirect_dma source(%dma_start3A_412 : memref<80xf32, #tpu.memory_space<vmem>>) target(%dma_start3A_417 : memref<10240xf32, #tpu.memory_space<vmem_shared>>) offsets(%dma_start3A_415 : memref<80xi32, #tpu.memory_space<vmem>>) semaphore(%arg19 : memref<!tpu.dma_semaphore, #tpu.memory_space<semaphore_mem>>) {add = true}
      %dma_start3A_418 = arith.constant 17 : i32
      %dma_start3A_419 = arith.constant 1360 : i32
      %dma_start3A_420 = arith.constant 0 : i32
      %dma_start3A_421 = tpu.memref_slice %arg14[%dma_start3A_419, %dma_start3A_420] : memref<2000x32xf32, #tpu.memory_space<vmem>> -> memref<80x32xf32, #tpu.memory_space<vmem>>
      %dma_start3A_422 = arith.constant 0 : i32
      %dma_start3A_423 = tpu.memref_slice %arg12[%dma_start3A_418, %dma_start3A_422] : memref<25x80xi32, #tpu.memory_space<vmem>> -> memref<1x80xi32, #tpu.memory_space<vmem>>
      %dma_start3A_424 = tpu.memref_squeeze %dma_start3A_423 : memref<1x80xi32, #tpu.memory_space<vmem>> -> memref<80xi32, #tpu.memory_space<vmem>>
      %dma_start3A_425 = arith.constant 0 : i32
      %dma_start3A_426 = arith.constant 0 : i32
      %dma_start3A_427 = tpu.memref_slice %arg16[%dma_start3A_425, %dma_start3A_426] : memref<10240x32xf32, #tpu.memory_space<vmem_shared>> -> memref<10240x32xf32, #tpu.memory_space<vmem_shared>>
      tpu.enqueue_indirect_dma source(%dma_start3A_421 : memref<80x32xf32, #tpu.memory_space<vmem>>) target(%dma_start3A_427 : memref<10240x32xf32, #tpu.memory_space<vmem_shared>>) offsets(%dma_start3A_424 : memref<80xi32, #tpu.memory_space<vmem>>) semaphore(%arg19 : memref<!tpu.dma_semaphore, #tpu.memory_space<semaphore_mem>>) {add = true}
      %dma_start3A_428 = arith.constant 17 : i32
      %dma_start3A_429 = arith.constant 17 : i32
      %dma_start3A_430 = arith.constant 0 : i32
      %dma_start3A_431 = tpu.memref_slice %arg13[%dma_start3A_428, %dma_start3A_430] : memref<25x80xf32, #tpu.memory_space<vmem>> -> memref<1x80xf32, #tpu.memory_space<vmem>>
      %dma_start3A_432 = tpu.memref_squeeze %dma_start3A_431 : memref<1x80xf32, #tpu.memory_space<vmem>> -> memref<80xf32, #tpu.memory_space<vmem>>
      %dma_start3A_433 = arith.constant 0 : i32
      %dma_start3A_434 = tpu.memref_slice %arg12[%dma_start3A_429, %dma_start3A_433] : memref<25x80xi32, #tpu.memory_space<vmem>> -> memref<1x80xi32, #tpu.memory_space<vmem>>
      %dma_start3A_435 = tpu.memref_squeeze %dma_start3A_434 : memref<1x80xi32, #tpu.memory_space<vmem>> -> memref<80xi32, #tpu.memory_space<vmem>>
      %dma_start3A_436 = arith.constant 0 : i32
      %dma_start3A_437 = tpu.memref_slice %arg17[%dma_start3A_436] : memref<10240xf32, #tpu.memory_space<vmem_shared>> -> memref<10240xf32, #tpu.memory_space<vmem_shared>>
      tpu.enqueue_indirect_dma source(%dma_start3A_432 : memref<80xf32, #tpu.memory_space<vmem>>) target(%dma_start3A_437 : memref<10240xf32, #tpu.memory_space<vmem_shared>>) offsets(%dma_start3A_435 : memref<80xi32, #tpu.memory_space<vmem>>) semaphore(%arg19 : memref<!tpu.dma_semaphore, #tpu.memory_space<semaphore_mem>>) {add = true}
      %dma_start3A_438 = arith.constant 18 : i32
      %dma_start3A_439 = arith.constant 1440 : i32
      %dma_start3A_440 = arith.constant 0 : i32
      %dma_start3A_441 = tpu.memref_slice %arg14[%dma_start3A_439, %dma_start3A_440] : memref<2000x32xf32, #tpu.memory_space<vmem>> -> memref<80x32xf32, #tpu.memory_space<vmem>>
      %dma_start3A_442 = arith.constant 0 : i32
      %dma_start3A_443 = tpu.memref_slice %arg12[%dma_start3A_438, %dma_start3A_442] : memref<25x80xi32, #tpu.memory_space<vmem>> -> memref<1x80xi32, #tpu.memory_space<vmem>>
      %dma_start3A_444 = tpu.memref_squeeze %dma_start3A_443 : memref<1x80xi32, #tpu.memory_space<vmem>> -> memref<80xi32, #tpu.memory_space<vmem>>
      %dma_start3A_445 = arith.constant 0 : i32
      %dma_start3A_446 = arith.constant 0 : i32
      %dma_start3A_447 = tpu.memref_slice %arg16[%dma_start3A_445, %dma_start3A_446] : memref<10240x32xf32, #tpu.memory_space<vmem_shared>> -> memref<10240x32xf32, #tpu.memory_space<vmem_shared>>
      tpu.enqueue_indirect_dma source(%dma_start3A_441 : memref<80x32xf32, #tpu.memory_space<vmem>>) target(%dma_start3A_447 : memref<10240x32xf32, #tpu.memory_space<vmem_shared>>) offsets(%dma_start3A_444 : memref<80xi32, #tpu.memory_space<vmem>>) semaphore(%arg19 : memref<!tpu.dma_semaphore, #tpu.memory_space<semaphore_mem>>) {add = true}
      %dma_start3A_448 = arith.constant 18 : i32
      %dma_start3A_449 = arith.constant 18 : i32
      %dma_start3A_450 = arith.constant 0 : i32
      %dma_start3A_451 = tpu.memref_slice %arg13[%dma_start3A_448, %dma_start3A_450] : memref<25x80xf32, #tpu.memory_space<vmem>> -> memref<1x80xf32, #tpu.memory_space<vmem>>
      %dma_start3A_452 = tpu.memref_squeeze %dma_start3A_451 : memref<1x80xf32, #tpu.memory_space<vmem>> -> memref<80xf32, #tpu.memory_space<vmem>>
      %dma_start3A_453 = arith.constant 0 : i32
      %dma_start3A_454 = tpu.memref_slice %arg12[%dma_start3A_449, %dma_start3A_453] : memref<25x80xi32, #tpu.memory_space<vmem>> -> memref<1x80xi32, #tpu.memory_space<vmem>>
      %dma_start3A_455 = tpu.memref_squeeze %dma_start3A_454 : memref<1x80xi32, #tpu.memory_space<vmem>> -> memref<80xi32, #tpu.memory_space<vmem>>
      %dma_start3A_456 = arith.constant 0 : i32
      %dma_start3A_457 = tpu.memref_slice %arg17[%dma_start3A_456] : memref<10240xf32, #tpu.memory_space<vmem_shared>> -> memref<10240xf32, #tpu.memory_space<vmem_shared>>
      tpu.enqueue_indirect_dma source(%dma_start3A_452 : memref<80xf32, #tpu.memory_space<vmem>>) target(%dma_start3A_457 : memref<10240xf32, #tpu.memory_space<vmem_shared>>) offsets(%dma_start3A_455 : memref<80xi32, #tpu.memory_space<vmem>>) semaphore(%arg19 : memref<!tpu.dma_semaphore, #tpu.memory_space<semaphore_mem>>) {add = true}
      %dma_start3A_458 = arith.constant 19 : i32
      %dma_start3A_459 = arith.constant 1520 : i32
      %dma_start3A_460 = arith.constant 0 : i32
      %dma_start3A_461 = tpu.memref_slice %arg14[%dma_start3A_459, %dma_start3A_460] : memref<2000x32xf32, #tpu.memory_space<vmem>> -> memref<80x32xf32, #tpu.memory_space<vmem>>
      %dma_start3A_462 = arith.constant 0 : i32
      %dma_start3A_463 = tpu.memref_slice %arg12[%dma_start3A_458, %dma_start3A_462] : memref<25x80xi32, #tpu.memory_space<vmem>> -> memref<1x80xi32, #tpu.memory_space<vmem>>
      %dma_start3A_464 = tpu.memref_squeeze %dma_start3A_463 : memref<1x80xi32, #tpu.memory_space<vmem>> -> memref<80xi32, #tpu.memory_space<vmem>>
      %dma_start3A_465 = arith.constant 0 : i32
      %dma_start3A_466 = arith.constant 0 : i32
      %dma_start3A_467 = tpu.memref_slice %arg16[%dma_start3A_465, %dma_start3A_466] : memref<10240x32xf32, #tpu.memory_space<vmem_shared>> -> memref<10240x32xf32, #tpu.memory_space<vmem_shared>>
      tpu.enqueue_indirect_dma source(%dma_start3A_461 : memref<80x32xf32, #tpu.memory_space<vmem>>) target(%dma_start3A_467 : memref<10240x32xf32, #tpu.memory_space<vmem_shared>>) offsets(%dma_start3A_464 : memref<80xi32, #tpu.memory_space<vmem>>) semaphore(%arg19 : memref<!tpu.dma_semaphore, #tpu.memory_space<semaphore_mem>>) {add = true}
      %dma_start3A_468 = arith.constant 19 : i32
      %dma_start3A_469 = arith.constant 19 : i32
      %dma_start3A_470 = arith.constant 0 : i32
      %dma_start3A_471 = tpu.memref_slice %arg13[%dma_start3A_468, %dma_start3A_470] : memref<25x80xf32, #tpu.memory_space<vmem>> -> memref<1x80xf32, #tpu.memory_space<vmem>>
      %dma_start3A_472 = tpu.memref_squeeze %dma_start3A_471 : memref<1x80xf32, #tpu.memory_space<vmem>> -> memref<80xf32, #tpu.memory_space<vmem>>
      %dma_start3A_473 = arith.constant 0 : i32
      %dma_start3A_474 = tpu.memref_slice %arg12[%dma_start3A_469, %dma_start3A_473] : memref<25x80xi32, #tpu.memory_space<vmem>> -> memref<1x80xi32, #tpu.memory_space<vmem>>
      %dma_start3A_475 = tpu.memref_squeeze %dma_start3A_474 : memref<1x80xi32, #tpu.memory_space<vmem>> -> memref<80xi32, #tpu.memory_space<vmem>>
      %dma_start3A_476 = arith.constant 0 : i32
      %dma_start3A_477 = tpu.memref_slice %arg17[%dma_start3A_476] : memref<10240xf32, #tpu.memory_space<vmem_shared>> -> memref<10240xf32, #tpu.memory_space<vmem_shared>>
      tpu.enqueue_indirect_dma source(%dma_start3A_472 : memref<80xf32, #tpu.memory_space<vmem>>) target(%dma_start3A_477 : memref<10240xf32, #tpu.memory_space<vmem_shared>>) offsets(%dma_start3A_475 : memref<80xi32, #tpu.memory_space<vmem>>) semaphore(%arg19 : memref<!tpu.dma_semaphore, #tpu.memory_space<semaphore_mem>>) {add = true}
      %dma_start3A_478 = arith.constant 20 : i32
      %dma_start3A_479 = arith.constant 1600 : i32
      %dma_start3A_480 = arith.constant 0 : i32
      %dma_start3A_481 = tpu.memref_slice %arg14[%dma_start3A_479, %dma_start3A_480] : memref<2000x32xf32, #tpu.memory_space<vmem>> -> memref<80x32xf32, #tpu.memory_space<vmem>>
      %dma_start3A_482 = arith.constant 0 : i32
      %dma_start3A_483 = tpu.memref_slice %arg12[%dma_start3A_478, %dma_start3A_482] : memref<25x80xi32, #tpu.memory_space<vmem>> -> memref<1x80xi32, #tpu.memory_space<vmem>>
      %dma_start3A_484 = tpu.memref_squeeze %dma_start3A_483 : memref<1x80xi32, #tpu.memory_space<vmem>> -> memref<80xi32, #tpu.memory_space<vmem>>
      %dma_start3A_485 = arith.constant 0 : i32
      %dma_start3A_486 = arith.constant 0 : i32
      %dma_start3A_487 = tpu.memref_slice %arg16[%dma_start3A_485, %dma_start3A_486] : memref<10240x32xf32, #tpu.memory_space<vmem_shared>> -> memref<10240x32xf32, #tpu.memory_space<vmem_shared>>
      tpu.enqueue_indirect_dma source(%dma_start3A_481 : memref<80x32xf32, #tpu.memory_space<vmem>>) target(%dma_start3A_487 : memref<10240x32xf32, #tpu.memory_space<vmem_shared>>) offsets(%dma_start3A_484 : memref<80xi32, #tpu.memory_space<vmem>>) semaphore(%arg19 : memref<!tpu.dma_semaphore, #tpu.memory_space<semaphore_mem>>) {add = true}
      %dma_start3A_488 = arith.constant 20 : i32
      %dma_start3A_489 = arith.constant 20 : i32
      %dma_start3A_490 = arith.constant 0 : i32
      %dma_start3A_491 = tpu.memref_slice %arg13[%dma_start3A_488, %dma_start3A_490] : memref<25x80xf32, #tpu.memory_space<vmem>> -> memref<1x80xf32, #tpu.memory_space<vmem>>
      %dma_start3A_492 = tpu.memref_squeeze %dma_start3A_491 : memref<1x80xf32, #tpu.memory_space<vmem>> -> memref<80xf32, #tpu.memory_space<vmem>>
      %dma_start3A_493 = arith.constant 0 : i32
      %dma_start3A_494 = tpu.memref_slice %arg12[%dma_start3A_489, %dma_start3A_493] : memref<25x80xi32, #tpu.memory_space<vmem>> -> memref<1x80xi32, #tpu.memory_space<vmem>>
      %dma_start3A_495 = tpu.memref_squeeze %dma_start3A_494 : memref<1x80xi32, #tpu.memory_space<vmem>> -> memref<80xi32, #tpu.memory_space<vmem>>
      %dma_start3A_496 = arith.constant 0 : i32
      %dma_start3A_497 = tpu.memref_slice %arg17[%dma_start3A_496] : memref<10240xf32, #tpu.memory_space<vmem_shared>> -> memref<10240xf32, #tpu.memory_space<vmem_shared>>
      tpu.enqueue_indirect_dma source(%dma_start3A_492 : memref<80xf32, #tpu.memory_space<vmem>>) target(%dma_start3A_497 : memref<10240xf32, #tpu.memory_space<vmem_shared>>) offsets(%dma_start3A_495 : memref<80xi32, #tpu.memory_space<vmem>>) semaphore(%arg19 : memref<!tpu.dma_semaphore, #tpu.memory_space<semaphore_mem>>) {add = true}
      %dma_start3A_498 = arith.constant 21 : i32
      %dma_start3A_499 = arith.constant 1680 : i32
      %dma_start3A_500 = arith.constant 0 : i32
      %dma_start3A_501 = tpu.memref_slice %arg14[%dma_start3A_499, %dma_start3A_500] : memref<2000x32xf32, #tpu.memory_space<vmem>> -> memref<80x32xf32, #tpu.memory_space<vmem>>
      %dma_start3A_502 = arith.constant 0 : i32
      %dma_start3A_503 = tpu.memref_slice %arg12[%dma_start3A_498, %dma_start3A_502] : memref<25x80xi32, #tpu.memory_space<vmem>> -> memref<1x80xi32, #tpu.memory_space<vmem>>
      %dma_start3A_504 = tpu.memref_squeeze %dma_start3A_503 : memref<1x80xi32, #tpu.memory_space<vmem>> -> memref<80xi32, #tpu.memory_space<vmem>>
      %dma_start3A_505 = arith.constant 0 : i32
      %dma_start3A_506 = arith.constant 0 : i32
      %dma_start3A_507 = tpu.memref_slice %arg16[%dma_start3A_505, %dma_start3A_506] : memref<10240x32xf32, #tpu.memory_space<vmem_shared>> -> memref<10240x32xf32, #tpu.memory_space<vmem_shared>>
      tpu.enqueue_indirect_dma source(%dma_start3A_501 : memref<80x32xf32, #tpu.memory_space<vmem>>) target(%dma_start3A_507 : memref<10240x32xf32, #tpu.memory_space<vmem_shared>>) offsets(%dma_start3A_504 : memref<80xi32, #tpu.memory_space<vmem>>) semaphore(%arg19 : memref<!tpu.dma_semaphore, #tpu.memory_space<semaphore_mem>>) {add = true}
      %dma_start3A_508 = arith.constant 21 : i32
      %dma_start3A_509 = arith.constant 21 : i32
      %dma_start3A_510 = arith.constant 0 : i32
      %dma_start3A_511 = tpu.memref_slice %arg13[%dma_start3A_508, %dma_start3A_510] : memref<25x80xf32, #tpu.memory_space<vmem>> -> memref<1x80xf32, #tpu.memory_space<vmem>>
      %dma_start3A_512 = tpu.memref_squeeze %dma_start3A_511 : memref<1x80xf32, #tpu.memory_space<vmem>> -> memref<80xf32, #tpu.memory_space<vmem>>
      %dma_start3A_513 = arith.constant 0 : i32
      %dma_start3A_514 = tpu.memref_slice %arg12[%dma_start3A_509, %dma_start3A_513] : memref<25x80xi32, #tpu.memory_space<vmem>> -> memref<1x80xi32, #tpu.memory_space<vmem>>
      %dma_start3A_515 = tpu.memref_squeeze %dma_start3A_514 : memref<1x80xi32, #tpu.memory_space<vmem>> -> memref<80xi32, #tpu.memory_space<vmem>>
      %dma_start3A_516 = arith.constant 0 : i32
      %dma_start3A_517 = tpu.memref_slice %arg17[%dma_start3A_516] : memref<10240xf32, #tpu.memory_space<vmem_shared>> -> memref<10240xf32, #tpu.memory_space<vmem_shared>>
      tpu.enqueue_indirect_dma source(%dma_start3A_512 : memref<80xf32, #tpu.memory_space<vmem>>) target(%dma_start3A_517 : memref<10240xf32, #tpu.memory_space<vmem_shared>>) offsets(%dma_start3A_515 : memref<80xi32, #tpu.memory_space<vmem>>) semaphore(%arg19 : memref<!tpu.dma_semaphore, #tpu.memory_space<semaphore_mem>>) {add = true}
      %dma_start3A_518 = arith.constant 22 : i32
      %dma_start3A_519 = arith.constant 1760 : i32
      %dma_start3A_520 = arith.constant 0 : i32
      %dma_start3A_521 = tpu.memref_slice %arg14[%dma_start3A_519, %dma_start3A_520] : memref<2000x32xf32, #tpu.memory_space<vmem>> -> memref<80x32xf32, #tpu.memory_space<vmem>>
      %dma_start3A_522 = arith.constant 0 : i32
      %dma_start3A_523 = tpu.memref_slice %arg12[%dma_start3A_518, %dma_start3A_522] : memref<25x80xi32, #tpu.memory_space<vmem>> -> memref<1x80xi32, #tpu.memory_space<vmem>>
      %dma_start3A_524 = tpu.memref_squeeze %dma_start3A_523 : memref<1x80xi32, #tpu.memory_space<vmem>> -> memref<80xi32, #tpu.memory_space<vmem>>
      %dma_start3A_525 = arith.constant 0 : i32
      %dma_start3A_526 = arith.constant 0 : i32
      %dma_start3A_527 = tpu.memref_slice %arg16[%dma_start3A_525, %dma_start3A_526] : memref<10240x32xf32, #tpu.memory_space<vmem_shared>> -> memref<10240x32xf32, #tpu.memory_space<vmem_shared>>
      tpu.enqueue_indirect_dma source(%dma_start3A_521 : memref<80x32xf32, #tpu.memory_space<vmem>>) target(%dma_start3A_527 : memref<10240x32xf32, #tpu.memory_space<vmem_shared>>) offsets(%dma_start3A_524 : memref<80xi32, #tpu.memory_space<vmem>>) semaphore(%arg19 : memref<!tpu.dma_semaphore, #tpu.memory_space<semaphore_mem>>) {add = true}
      %dma_start3A_528 = arith.constant 22 : i32
      %dma_start3A_529 = arith.constant 22 : i32
      %dma_start3A_530 = arith.constant 0 : i32
      %dma_start3A_531 = tpu.memref_slice %arg13[%dma_start3A_528, %dma_start3A_530] : memref<25x80xf32, #tpu.memory_space<vmem>> -> memref<1x80xf32, #tpu.memory_space<vmem>>
      %dma_start3A_532 = tpu.memref_squeeze %dma_start3A_531 : memref<1x80xf32, #tpu.memory_space<vmem>> -> memref<80xf32, #tpu.memory_space<vmem>>
      %dma_start3A_533 = arith.constant 0 : i32
      %dma_start3A_534 = tpu.memref_slice %arg12[%dma_start3A_529, %dma_start3A_533] : memref<25x80xi32, #tpu.memory_space<vmem>> -> memref<1x80xi32, #tpu.memory_space<vmem>>
      %dma_start3A_535 = tpu.memref_squeeze %dma_start3A_534 : memref<1x80xi32, #tpu.memory_space<vmem>> -> memref<80xi32, #tpu.memory_space<vmem>>
      %dma_start3A_536 = arith.constant 0 : i32
      %dma_start3A_537 = tpu.memref_slice %arg17[%dma_start3A_536] : memref<10240xf32, #tpu.memory_space<vmem_shared>> -> memref<10240xf32, #tpu.memory_space<vmem_shared>>
      tpu.enqueue_indirect_dma source(%dma_start3A_532 : memref<80xf32, #tpu.memory_space<vmem>>) target(%dma_start3A_537 : memref<10240xf32, #tpu.memory_space<vmem_shared>>) offsets(%dma_start3A_535 : memref<80xi32, #tpu.memory_space<vmem>>) semaphore(%arg19 : memref<!tpu.dma_semaphore, #tpu.memory_space<semaphore_mem>>) {add = true}
      %dma_start3A_538 = arith.constant 23 : i32
      %dma_start3A_539 = arith.constant 1840 : i32
      %dma_start3A_540 = arith.constant 0 : i32
      %dma_start3A_541 = tpu.memref_slice %arg14[%dma_start3A_539, %dma_start3A_540] : memref<2000x32xf32, #tpu.memory_space<vmem>> -> memref<80x32xf32, #tpu.memory_space<vmem>>
      %dma_start3A_542 = arith.constant 0 : i32
      %dma_start3A_543 = tpu.memref_slice %arg12[%dma_start3A_538, %dma_start3A_542] : memref<25x80xi32, #tpu.memory_space<vmem>> -> memref<1x80xi32, #tpu.memory_space<vmem>>
      %dma_start3A_544 = tpu.memref_squeeze %dma_start3A_543 : memref<1x80xi32, #tpu.memory_space<vmem>> -> memref<80xi32, #tpu.memory_space<vmem>>
      %dma_start3A_545 = arith.constant 0 : i32
      %dma_start3A_546 = arith.constant 0 : i32
      %dma_start3A_547 = tpu.memref_slice %arg16[%dma_start3A_545, %dma_start3A_546] : memref<10240x32xf32, #tpu.memory_space<vmem_shared>> -> memref<10240x32xf32, #tpu.memory_space<vmem_shared>>
      tpu.enqueue_indirect_dma source(%dma_start3A_541 : memref<80x32xf32, #tpu.memory_space<vmem>>) target(%dma_start3A_547 : memref<10240x32xf32, #tpu.memory_space<vmem_shared>>) offsets(%dma_start3A_544 : memref<80xi32, #tpu.memory_space<vmem>>) semaphore(%arg19 : memref<!tpu.dma_semaphore, #tpu.memory_space<semaphore_mem>>) {add = true}
      %dma_start3A_548 = arith.constant 23 : i32
      %dma_start3A_549 = arith.constant 23 : i32
      %dma_start3A_550 = arith.constant 0 : i32
      %dma_start3A_551 = tpu.memref_slice %arg13[%dma_start3A_548, %dma_start3A_550] : memref<25x80xf32, #tpu.memory_space<vmem>> -> memref<1x80xf32, #tpu.memory_space<vmem>>
      %dma_start3A_552 = tpu.memref_squeeze %dma_start3A_551 : memref<1x80xf32, #tpu.memory_space<vmem>> -> memref<80xf32, #tpu.memory_space<vmem>>
      %dma_start3A_553 = arith.constant 0 : i32
      %dma_start3A_554 = tpu.memref_slice %arg12[%dma_start3A_549, %dma_start3A_553] : memref<25x80xi32, #tpu.memory_space<vmem>> -> memref<1x80xi32, #tpu.memory_space<vmem>>
      %dma_start3A_555 = tpu.memref_squeeze %dma_start3A_554 : memref<1x80xi32, #tpu.memory_space<vmem>> -> memref<80xi32, #tpu.memory_space<vmem>>
      %dma_start3A_556 = arith.constant 0 : i32
      %dma_start3A_557 = tpu.memref_slice %arg17[%dma_start3A_556] : memref<10240xf32, #tpu.memory_space<vmem_shared>> -> memref<10240xf32, #tpu.memory_space<vmem_shared>>
      tpu.enqueue_indirect_dma source(%dma_start3A_552 : memref<80xf32, #tpu.memory_space<vmem>>) target(%dma_start3A_557 : memref<10240xf32, #tpu.memory_space<vmem_shared>>) offsets(%dma_start3A_555 : memref<80xi32, #tpu.memory_space<vmem>>) semaphore(%arg19 : memref<!tpu.dma_semaphore, #tpu.memory_space<semaphore_mem>>) {add = true}
      %dma_start3A_558 = arith.constant 24 : i32
      %dma_start3A_559 = arith.constant 1920 : i32
      %dma_start3A_560 = arith.constant 0 : i32
      %dma_start3A_561 = tpu.memref_slice %arg14[%dma_start3A_559, %dma_start3A_560] : memref<2000x32xf32, #tpu.memory_space<vmem>> -> memref<80x32xf32, #tpu.memory_space<vmem>>
      %dma_start3A_562 = arith.constant 0 : i32
      %dma_start3A_563 = tpu.memref_slice %arg12[%dma_start3A_558, %dma_start3A_562] : memref<25x80xi32, #tpu.memory_space<vmem>> -> memref<1x80xi32, #tpu.memory_space<vmem>>
      %dma_start3A_564 = tpu.memref_squeeze %dma_start3A_563 : memref<1x80xi32, #tpu.memory_space<vmem>> -> memref<80xi32, #tpu.memory_space<vmem>>
      %dma_start3A_565 = arith.constant 0 : i32
      %dma_start3A_566 = arith.constant 0 : i32
      %dma_start3A_567 = tpu.memref_slice %arg16[%dma_start3A_565, %dma_start3A_566] : memref<10240x32xf32, #tpu.memory_space<vmem_shared>> -> memref<10240x32xf32, #tpu.memory_space<vmem_shared>>
      tpu.enqueue_indirect_dma source(%dma_start3A_561 : memref<80x32xf32, #tpu.memory_space<vmem>>) target(%dma_start3A_567 : memref<10240x32xf32, #tpu.memory_space<vmem_shared>>) offsets(%dma_start3A_564 : memref<80xi32, #tpu.memory_space<vmem>>) semaphore(%arg19 : memref<!tpu.dma_semaphore, #tpu.memory_space<semaphore_mem>>) {add = true}
      %dma_start3A_568 = arith.constant 24 : i32
      %dma_start3A_569 = arith.constant 24 : i32
      %dma_start3A_570 = arith.constant 0 : i32
      %dma_start3A_571 = tpu.memref_slice %arg13[%dma_start3A_568, %dma_start3A_570] : memref<25x80xf32, #tpu.memory_space<vmem>> -> memref<1x80xf32, #tpu.memory_space<vmem>>
      %dma_start3A_572 = tpu.memref_squeeze %dma_start3A_571 : memref<1x80xf32, #tpu.memory_space<vmem>> -> memref<80xf32, #tpu.memory_space<vmem>>
      %dma_start3A_573 = arith.constant 0 : i32
      %dma_start3A_574 = tpu.memref_slice %arg12[%dma_start3A_569, %dma_start3A_573] : memref<25x80xi32, #tpu.memory_space<vmem>> -> memref<1x80xi32, #tpu.memory_space<vmem>>
      %dma_start3A_575 = tpu.memref_squeeze %dma_start3A_574 : memref<1x80xi32, #tpu.memory_space<vmem>> -> memref<80xi32, #tpu.memory_space<vmem>>
      %dma_start3A_576 = arith.constant 0 : i32
      %dma_start3A_577 = tpu.memref_slice %arg17[%dma_start3A_576] : memref<10240xf32, #tpu.memory_space<vmem_shared>> -> memref<10240xf32, #tpu.memory_space<vmem_shared>>
      tpu.enqueue_indirect_dma source(%dma_start3A_572 : memref<80xf32, #tpu.memory_space<vmem>>) target(%dma_start3A_577 : memref<10240xf32, #tpu.memory_space<vmem_shared>>) offsets(%dma_start3A_575 : memref<80xi32, #tpu.memory_space<vmem>>) semaphore(%arg19 : memref<!tpu.dma_semaphore, #tpu.memory_space<semaphore_mem>>) {add = true}
      %dma_wait3A_578 = arith.constant 0 : i32
      %dma_wait3A_579 = arith.constant 0 : i32
      %dma_wait3A_580 = arith.constant 0 : i32
      %dma_wait3A_581 = tpu.memref_slice %arg14[%dma_wait3A_579, %dma_wait3A_580] : memref<2000x32xf32, #tpu.memory_space<vmem>> -> memref<80x32xf32, #tpu.memory_space<vmem>>
      %dma_wait3A_582 = arith.constant 0 : i32
      %dma_wait3A_583 = tpu.memref_slice %arg12[%dma_wait3A_578, %dma_wait3A_582] : memref<25x80xi32, #tpu.memory_space<vmem>> -> memref<1x80xi32, #tpu.memory_space<vmem>>
      %dma_wait3A_584 = tpu.memref_squeeze %dma_wait3A_583 : memref<1x80xi32, #tpu.memory_space<vmem>> -> memref<80xi32, #tpu.memory_space<vmem>>
      %dma_wait3A_585 = arith.constant 0 : i32
      %dma_wait3A_586 = arith.constant 0 : i32
      %dma_wait3A_587 = tpu.memref_slice %arg16[%dma_wait3A_585, %dma_wait3A_586] : memref<10240x32xf32, #tpu.memory_space<vmem_shared>> -> memref<10240x32xf32, #tpu.memory_space<vmem_shared>>
      tpu.wait_indirect_dma semaphore(%arg19 : memref<!tpu.dma_semaphore, #tpu.memory_space<semaphore_mem>>) src(%dma_wait3A_581 : memref<80x32xf32, #tpu.memory_space<vmem>>) dst(%dma_wait3A_587 : memref<10240x32xf32, #tpu.memory_space<vmem_shared>>)
      %dma_wait3A_588 = arith.constant 0 : i32
      %dma_wait3A_589 = arith.constant 0 : i32
      %dma_wait3A_590 = arith.constant 0 : i32
      %dma_wait3A_591 = tpu.memref_slice %arg13[%dma_wait3A_588, %dma_wait3A_590] : memref<25x80xf32, #tpu.memory_space<vmem>> -> memref<1x80xf32, #tpu.memory_space<vmem>>
      %dma_wait3A_592 = tpu.memref_squeeze %dma_wait3A_591 : memref<1x80xf32, #tpu.memory_space<vmem>> -> memref<80xf32, #tpu.memory_space<vmem>>
      %dma_wait3A_593 = arith.constant 0 : i32
      %dma_wait3A_594 = tpu.memref_slice %arg12[%dma_wait3A_589, %dma_wait3A_593] : memref<25x80xi32, #tpu.memory_space<vmem>> -> memref<1x80xi32, #tpu.memory_space<vmem>>
      %dma_wait3A_595 = tpu.memref_squeeze %dma_wait3A_594 : memref<1x80xi32, #tpu.memory_space<vmem>> -> memref<80xi32, #tpu.memory_space<vmem>>
      %dma_wait3A_596 = arith.constant 0 : i32
      %dma_wait3A_597 = tpu.memref_slice %arg17[%dma_wait3A_596] : memref<10240xf32, #tpu.memory_space<vmem_shared>> -> memref<10240xf32, #tpu.memory_space<vmem_shared>>
      tpu.wait_indirect_dma semaphore(%arg19 : memref<!tpu.dma_semaphore, #tpu.memory_space<semaphore_mem>>) src(%dma_wait3A_592 : memref<80xf32, #tpu.memory_space<vmem>>) dst(%dma_wait3A_597 : memref<10240xf32, #tpu.memory_space<vmem_shared>>)
      %dma_wait3A_598 = arith.constant 1 : i32
      %dma_wait3A_599 = arith.constant 80 : i32
      %dma_wait3A_600 = arith.constant 0 : i32
      %dma_wait3A_601 = tpu.memref_slice %arg14[%dma_wait3A_599, %dma_wait3A_600] : memref<2000x32xf32, #tpu.memory_space<vmem>> -> memref<80x32xf32, #tpu.memory_space<vmem>>
      %dma_wait3A_602 = arith.constant 0 : i32
      %dma_wait3A_603 = tpu.memref_slice %arg12[%dma_wait3A_598, %dma_wait3A_602] : memref<25x80xi32, #tpu.memory_space<vmem>> -> memref<1x80xi32, #tpu.memory_space<vmem>>
      %dma_wait3A_604 = tpu.memref_squeeze %dma_wait3A_603 : memref<1x80xi32, #tpu.memory_space<vmem>> -> memref<80xi32, #tpu.memory_space<vmem>>
      %dma_wait3A_605 = arith.constant 0 : i32
      %dma_wait3A_606 = arith.constant 0 : i32
      %dma_wait3A_607 = tpu.memref_slice %arg16[%dma_wait3A_605, %dma_wait3A_606] : memref<10240x32xf32, #tpu.memory_space<vmem_shared>> -> memref<10240x32xf32, #tpu.memory_space<vmem_shared>>
      tpu.wait_indirect_dma semaphore(%arg19 : memref<!tpu.dma_semaphore, #tpu.memory_space<semaphore_mem>>) src(%dma_wait3A_601 : memref<80x32xf32, #tpu.memory_space<vmem>>) dst(%dma_wait3A_607 : memref<10240x32xf32, #tpu.memory_space<vmem_shared>>)
      %dma_wait3A_608 = arith.constant 1 : i32
      %dma_wait3A_609 = arith.constant 1 : i32
      %dma_wait3A_610 = arith.constant 0 : i32
      %dma_wait3A_611 = tpu.memref_slice %arg13[%dma_wait3A_608, %dma_wait3A_610] : memref<25x80xf32, #tpu.memory_space<vmem>> -> memref<1x80xf32, #tpu.memory_space<vmem>>
      %dma_wait3A_612 = tpu.memref_squeeze %dma_wait3A_611 : memref<1x80xf32, #tpu.memory_space<vmem>> -> memref<80xf32, #tpu.memory_space<vmem>>
      %dma_wait3A_613 = arith.constant 0 : i32
      %dma_wait3A_614 = tpu.memref_slice %arg12[%dma_wait3A_609, %dma_wait3A_613] : memref<25x80xi32, #tpu.memory_space<vmem>> -> memref<1x80xi32, #tpu.memory_space<vmem>>
      %dma_wait3A_615 = tpu.memref_squeeze %dma_wait3A_614 : memref<1x80xi32, #tpu.memory_space<vmem>> -> memref<80xi32, #tpu.memory_space<vmem>>
      %dma_wait3A_616 = arith.constant 0 : i32
      %dma_wait3A_617 = tpu.memref_slice %arg17[%dma_wait3A_616] : memref<10240xf32, #tpu.memory_space<vmem_shared>> -> memref<10240xf32, #tpu.memory_space<vmem_shared>>
      tpu.wait_indirect_dma semaphore(%arg19 : memref<!tpu.dma_semaphore, #tpu.memory_space<semaphore_mem>>) src(%dma_wait3A_612 : memref<80xf32, #tpu.memory_space<vmem>>) dst(%dma_wait3A_617 : memref<10240xf32, #tpu.memory_space<vmem_shared>>)
      %dma_wait3A_618 = arith.constant 2 : i32
      %dma_wait3A_619 = arith.constant 160 : i32
      %dma_wait3A_620 = arith.constant 0 : i32
      %dma_wait3A_621 = tpu.memref_slice %arg14[%dma_wait3A_619, %dma_wait3A_620] : memref<2000x32xf32, #tpu.memory_space<vmem>> -> memref<80x32xf32, #tpu.memory_space<vmem>>
      %dma_wait3A_622 = arith.constant 0 : i32
      %dma_wait3A_623 = tpu.memref_slice %arg12[%dma_wait3A_618, %dma_wait3A_622] : memref<25x80xi32, #tpu.memory_space<vmem>> -> memref<1x80xi32, #tpu.memory_space<vmem>>
      %dma_wait3A_624 = tpu.memref_squeeze %dma_wait3A_623 : memref<1x80xi32, #tpu.memory_space<vmem>> -> memref<80xi32, #tpu.memory_space<vmem>>
      %dma_wait3A_625 = arith.constant 0 : i32
      %dma_wait3A_626 = arith.constant 0 : i32
      %dma_wait3A_627 = tpu.memref_slice %arg16[%dma_wait3A_625, %dma_wait3A_626] : memref<10240x32xf32, #tpu.memory_space<vmem_shared>> -> memref<10240x32xf32, #tpu.memory_space<vmem_shared>>
      tpu.wait_indirect_dma semaphore(%arg19 : memref<!tpu.dma_semaphore, #tpu.memory_space<semaphore_mem>>) src(%dma_wait3A_621 : memref<80x32xf32, #tpu.memory_space<vmem>>) dst(%dma_wait3A_627 : memref<10240x32xf32, #tpu.memory_space<vmem_shared>>)
      %dma_wait3A_628 = arith.constant 2 : i32
      %dma_wait3A_629 = arith.constant 2 : i32
      %dma_wait3A_630 = arith.constant 0 : i32
      %dma_wait3A_631 = tpu.memref_slice %arg13[%dma_wait3A_628, %dma_wait3A_630] : memref<25x80xf32, #tpu.memory_space<vmem>> -> memref<1x80xf32, #tpu.memory_space<vmem>>
      %dma_wait3A_632 = tpu.memref_squeeze %dma_wait3A_631 : memref<1x80xf32, #tpu.memory_space<vmem>> -> memref<80xf32, #tpu.memory_space<vmem>>
      %dma_wait3A_633 = arith.constant 0 : i32
      %dma_wait3A_634 = tpu.memref_slice %arg12[%dma_wait3A_629, %dma_wait3A_633] : memref<25x80xi32, #tpu.memory_space<vmem>> -> memref<1x80xi32, #tpu.memory_space<vmem>>
      %dma_wait3A_635 = tpu.memref_squeeze %dma_wait3A_634 : memref<1x80xi32, #tpu.memory_space<vmem>> -> memref<80xi32, #tpu.memory_space<vmem>>
      %dma_wait3A_636 = arith.constant 0 : i32
      %dma_wait3A_637 = tpu.memref_slice %arg17[%dma_wait3A_636] : memref<10240xf32, #tpu.memory_space<vmem_shared>> -> memref<10240xf32, #tpu.memory_space<vmem_shared>>
      tpu.wait_indirect_dma semaphore(%arg19 : memref<!tpu.dma_semaphore, #tpu.memory_space<semaphore_mem>>) src(%dma_wait3A_632 : memref<80xf32, #tpu.memory_space<vmem>>) dst(%dma_wait3A_637 : memref<10240xf32, #tpu.memory_space<vmem_shared>>)
      %dma_wait3A_638 = arith.constant 3 : i32
      %dma_wait3A_639 = arith.constant 240 : i32
      %dma_wait3A_640 = arith.constant 0 : i32
      %dma_wait3A_641 = tpu.memref_slice %arg14[%dma_wait3A_639, %dma_wait3A_640] : memref<2000x32xf32, #tpu.memory_space<vmem>> -> memref<80x32xf32, #tpu.memory_space<vmem>>
      %dma_wait3A_642 = arith.constant 0 : i32
      %dma_wait3A_643 = tpu.memref_slice %arg12[%dma_wait3A_638, %dma_wait3A_642] : memref<25x80xi32, #tpu.memory_space<vmem>> -> memref<1x80xi32, #tpu.memory_space<vmem>>
      %dma_wait3A_644 = tpu.memref_squeeze %dma_wait3A_643 : memref<1x80xi32, #tpu.memory_space<vmem>> -> memref<80xi32, #tpu.memory_space<vmem>>
      %dma_wait3A_645 = arith.constant 0 : i32
      %dma_wait3A_646 = arith.constant 0 : i32
      %dma_wait3A_647 = tpu.memref_slice %arg16[%dma_wait3A_645, %dma_wait3A_646] : memref<10240x32xf32, #tpu.memory_space<vmem_shared>> -> memref<10240x32xf32, #tpu.memory_space<vmem_shared>>
      tpu.wait_indirect_dma semaphore(%arg19 : memref<!tpu.dma_semaphore, #tpu.memory_space<semaphore_mem>>) src(%dma_wait3A_641 : memref<80x32xf32, #tpu.memory_space<vmem>>) dst(%dma_wait3A_647 : memref<10240x32xf32, #tpu.memory_space<vmem_shared>>)
      %dma_wait3A_648 = arith.constant 3 : i32
      %dma_wait3A_649 = arith.constant 3 : i32
      %dma_wait3A_650 = arith.constant 0 : i32
      %dma_wait3A_651 = tpu.memref_slice %arg13[%dma_wait3A_648, %dma_wait3A_650] : memref<25x80xf32, #tpu.memory_space<vmem>> -> memref<1x80xf32, #tpu.memory_space<vmem>>
      %dma_wait3A_652 = tpu.memref_squeeze %dma_wait3A_651 : memref<1x80xf32, #tpu.memory_space<vmem>> -> memref<80xf32, #tpu.memory_space<vmem>>
      %dma_wait3A_653 = arith.constant 0 : i32
      %dma_wait3A_654 = tpu.memref_slice %arg12[%dma_wait3A_649, %dma_wait3A_653] : memref<25x80xi32, #tpu.memory_space<vmem>> -> memref<1x80xi32, #tpu.memory_space<vmem>>
      %dma_wait3A_655 = tpu.memref_squeeze %dma_wait3A_654 : memref<1x80xi32, #tpu.memory_space<vmem>> -> memref<80xi32, #tpu.memory_space<vmem>>
      %dma_wait3A_656 = arith.constant 0 : i32
      %dma_wait3A_657 = tpu.memref_slice %arg17[%dma_wait3A_656] : memref<10240xf32, #tpu.memory_space<vmem_shared>> -> memref<10240xf32, #tpu.memory_space<vmem_shared>>
      tpu.wait_indirect_dma semaphore(%arg19 : memref<!tpu.dma_semaphore, #tpu.memory_space<semaphore_mem>>) src(%dma_wait3A_652 : memref<80xf32, #tpu.memory_space<vmem>>) dst(%dma_wait3A_657 : memref<10240xf32, #tpu.memory_space<vmem_shared>>)
      %dma_wait3A_658 = arith.constant 4 : i32
      %dma_wait3A_659 = arith.constant 320 : i32
      %dma_wait3A_660 = arith.constant 0 : i32
      %dma_wait3A_661 = tpu.memref_slice %arg14[%dma_wait3A_659, %dma_wait3A_660] : memref<2000x32xf32, #tpu.memory_space<vmem>> -> memref<80x32xf32, #tpu.memory_space<vmem>>
      %dma_wait3A_662 = arith.constant 0 : i32
      %dma_wait3A_663 = tpu.memref_slice %arg12[%dma_wait3A_658, %dma_wait3A_662] : memref<25x80xi32, #tpu.memory_space<vmem>> -> memref<1x80xi32, #tpu.memory_space<vmem>>
      %dma_wait3A_664 = tpu.memref_squeeze %dma_wait3A_663 : memref<1x80xi32, #tpu.memory_space<vmem>> -> memref<80xi32, #tpu.memory_space<vmem>>
      %dma_wait3A_665 = arith.constant 0 : i32
      %dma_wait3A_666 = arith.constant 0 : i32
      %dma_wait3A_667 = tpu.memref_slice %arg16[%dma_wait3A_665, %dma_wait3A_666] : memref<10240x32xf32, #tpu.memory_space<vmem_shared>> -> memref<10240x32xf32, #tpu.memory_space<vmem_shared>>
      tpu.wait_indirect_dma semaphore(%arg19 : memref<!tpu.dma_semaphore, #tpu.memory_space<semaphore_mem>>) src(%dma_wait3A_661 : memref<80x32xf32, #tpu.memory_space<vmem>>) dst(%dma_wait3A_667 : memref<10240x32xf32, #tpu.memory_space<vmem_shared>>)
      %dma_wait3A_668 = arith.constant 4 : i32
      %dma_wait3A_669 = arith.constant 4 : i32
      %dma_wait3A_670 = arith.constant 0 : i32
      %dma_wait3A_671 = tpu.memref_slice %arg13[%dma_wait3A_668, %dma_wait3A_670] : memref<25x80xf32, #tpu.memory_space<vmem>> -> memref<1x80xf32, #tpu.memory_space<vmem>>
      %dma_wait3A_672 = tpu.memref_squeeze %dma_wait3A_671 : memref<1x80xf32, #tpu.memory_space<vmem>> -> memref<80xf32, #tpu.memory_space<vmem>>
      %dma_wait3A_673 = arith.constant 0 : i32
      %dma_wait3A_674 = tpu.memref_slice %arg12[%dma_wait3A_669, %dma_wait3A_673] : memref<25x80xi32, #tpu.memory_space<vmem>> -> memref<1x80xi32, #tpu.memory_space<vmem>>
      %dma_wait3A_675 = tpu.memref_squeeze %dma_wait3A_674 : memref<1x80xi32, #tpu.memory_space<vmem>> -> memref<80xi32, #tpu.memory_space<vmem>>
      %dma_wait3A_676 = arith.constant 0 : i32
      %dma_wait3A_677 = tpu.memref_slice %arg17[%dma_wait3A_676] : memref<10240xf32, #tpu.memory_space<vmem_shared>> -> memref<10240xf32, #tpu.memory_space<vmem_shared>>
      tpu.wait_indirect_dma semaphore(%arg19 : memref<!tpu.dma_semaphore, #tpu.memory_space<semaphore_mem>>) src(%dma_wait3A_672 : memref<80xf32, #tpu.memory_space<vmem>>) dst(%dma_wait3A_677 : memref<10240xf32, #tpu.memory_space<vmem_shared>>)
      %dma_wait3A_678 = arith.constant 5 : i32
      %dma_wait3A_679 = arith.constant 400 : i32
      %dma_wait3A_680 = arith.constant 0 : i32
      %dma_wait3A_681 = tpu.memref_slice %arg14[%dma_wait3A_679, %dma_wait3A_680] : memref<2000x32xf32, #tpu.memory_space<vmem>> -> memref<80x32xf32, #tpu.memory_space<vmem>>
      %dma_wait3A_682 = arith.constant 0 : i32
      %dma_wait3A_683 = tpu.memref_slice %arg12[%dma_wait3A_678, %dma_wait3A_682] : memref<25x80xi32, #tpu.memory_space<vmem>> -> memref<1x80xi32, #tpu.memory_space<vmem>>
      %dma_wait3A_684 = tpu.memref_squeeze %dma_wait3A_683 : memref<1x80xi32, #tpu.memory_space<vmem>> -> memref<80xi32, #tpu.memory_space<vmem>>
      %dma_wait3A_685 = arith.constant 0 : i32
      %dma_wait3A_686 = arith.constant 0 : i32
      %dma_wait3A_687 = tpu.memref_slice %arg16[%dma_wait3A_685, %dma_wait3A_686] : memref<10240x32xf32, #tpu.memory_space<vmem_shared>> -> memref<10240x32xf32, #tpu.memory_space<vmem_shared>>
      tpu.wait_indirect_dma semaphore(%arg19 : memref<!tpu.dma_semaphore, #tpu.memory_space<semaphore_mem>>) src(%dma_wait3A_681 : memref<80x32xf32, #tpu.memory_space<vmem>>) dst(%dma_wait3A_687 : memref<10240x32xf32, #tpu.memory_space<vmem_shared>>)
      %dma_wait3A_688 = arith.constant 5 : i32
      %dma_wait3A_689 = arith.constant 5 : i32
      %dma_wait3A_690 = arith.constant 0 : i32
      %dma_wait3A_691 = tpu.memref_slice %arg13[%dma_wait3A_688, %dma_wait3A_690] : memref<25x80xf32, #tpu.memory_space<vmem>> -> memref<1x80xf32, #tpu.memory_space<vmem>>
      %dma_wait3A_692 = tpu.memref_squeeze %dma_wait3A_691 : memref<1x80xf32, #tpu.memory_space<vmem>> -> memref<80xf32, #tpu.memory_space<vmem>>
      %dma_wait3A_693 = arith.constant 0 : i32
      %dma_wait3A_694 = tpu.memref_slice %arg12[%dma_wait3A_689, %dma_wait3A_693] : memref<25x80xi32, #tpu.memory_space<vmem>> -> memref<1x80xi32, #tpu.memory_space<vmem>>
      %dma_wait3A_695 = tpu.memref_squeeze %dma_wait3A_694 : memref<1x80xi32, #tpu.memory_space<vmem>> -> memref<80xi32, #tpu.memory_space<vmem>>
      %dma_wait3A_696 = arith.constant 0 : i32
      %dma_wait3A_697 = tpu.memref_slice %arg17[%dma_wait3A_696] : memref<10240xf32, #tpu.memory_space<vmem_shared>> -> memref<10240xf32, #tpu.memory_space<vmem_shared>>
      tpu.wait_indirect_dma semaphore(%arg19 : memref<!tpu.dma_semaphore, #tpu.memory_space<semaphore_mem>>) src(%dma_wait3A_692 : memref<80xf32, #tpu.memory_space<vmem>>) dst(%dma_wait3A_697 : memref<10240xf32, #tpu.memory_space<vmem_shared>>)
      %dma_wait3A_698 = arith.constant 6 : i32
      %dma_wait3A_699 = arith.constant 480 : i32
      %dma_wait3A_700 = arith.constant 0 : i32
      %dma_wait3A_701 = tpu.memref_slice %arg14[%dma_wait3A_699, %dma_wait3A_700] : memref<2000x32xf32, #tpu.memory_space<vmem>> -> memref<80x32xf32, #tpu.memory_space<vmem>>
      %dma_wait3A_702 = arith.constant 0 : i32
      %dma_wait3A_703 = tpu.memref_slice %arg12[%dma_wait3A_698, %dma_wait3A_702] : memref<25x80xi32, #tpu.memory_space<vmem>> -> memref<1x80xi32, #tpu.memory_space<vmem>>
      %dma_wait3A_704 = tpu.memref_squeeze %dma_wait3A_703 : memref<1x80xi32, #tpu.memory_space<vmem>> -> memref<80xi32, #tpu.memory_space<vmem>>
      %dma_wait3A_705 = arith.constant 0 : i32
      %dma_wait3A_706 = arith.constant 0 : i32
      %dma_wait3A_707 = tpu.memref_slice %arg16[%dma_wait3A_705, %dma_wait3A_706] : memref<10240x32xf32, #tpu.memory_space<vmem_shared>> -> memref<10240x32xf32, #tpu.memory_space<vmem_shared>>
      tpu.wait_indirect_dma semaphore(%arg19 : memref<!tpu.dma_semaphore, #tpu.memory_space<semaphore_mem>>) src(%dma_wait3A_701 : memref<80x32xf32, #tpu.memory_space<vmem>>) dst(%dma_wait3A_707 : memref<10240x32xf32, #tpu.memory_space<vmem_shared>>)
      %dma_wait3A_708 = arith.constant 6 : i32
      %dma_wait3A_709 = arith.constant 6 : i32
      %dma_wait3A_710 = arith.constant 0 : i32
      %dma_wait3A_711 = tpu.memref_slice %arg13[%dma_wait3A_708, %dma_wait3A_710] : memref<25x80xf32, #tpu.memory_space<vmem>> -> memref<1x80xf32, #tpu.memory_space<vmem>>
      %dma_wait3A_712 = tpu.memref_squeeze %dma_wait3A_711 : memref<1x80xf32, #tpu.memory_space<vmem>> -> memref<80xf32, #tpu.memory_space<vmem>>
      %dma_wait3A_713 = arith.constant 0 : i32
      %dma_wait3A_714 = tpu.memref_slice %arg12[%dma_wait3A_709, %dma_wait3A_713] : memref<25x80xi32, #tpu.memory_space<vmem>> -> memref<1x80xi32, #tpu.memory_space<vmem>>
      %dma_wait3A_715 = tpu.memref_squeeze %dma_wait3A_714 : memref<1x80xi32, #tpu.memory_space<vmem>> -> memref<80xi32, #tpu.memory_space<vmem>>
      %dma_wait3A_716 = arith.constant 0 : i32
      %dma_wait3A_717 = tpu.memref_slice %arg17[%dma_wait3A_716] : memref<10240xf32, #tpu.memory_space<vmem_shared>> -> memref<10240xf32, #tpu.memory_space<vmem_shared>>
      tpu.wait_indirect_dma semaphore(%arg19 : memref<!tpu.dma_semaphore, #tpu.memory_space<semaphore_mem>>) src(%dma_wait3A_712 : memref<80xf32, #tpu.memory_space<vmem>>) dst(%dma_wait3A_717 : memref<10240xf32, #tpu.memory_space<vmem_shared>>)
      %dma_wait3A_718 = arith.constant 7 : i32
      %dma_wait3A_719 = arith.constant 560 : i32
      %dma_wait3A_720 = arith.constant 0 : i32
      %dma_wait3A_721 = tpu.memref_slice %arg14[%dma_wait3A_719, %dma_wait3A_720] : memref<2000x32xf32, #tpu.memory_space<vmem>> -> memref<80x32xf32, #tpu.memory_space<vmem>>
      %dma_wait3A_722 = arith.constant 0 : i32
      %dma_wait3A_723 = tpu.memref_slice %arg12[%dma_wait3A_718, %dma_wait3A_722] : memref<25x80xi32, #tpu.memory_space<vmem>> -> memref<1x80xi32, #tpu.memory_space<vmem>>
      %dma_wait3A_724 = tpu.memref_squeeze %dma_wait3A_723 : memref<1x80xi32, #tpu.memory_space<vmem>> -> memref<80xi32, #tpu.memory_space<vmem>>
      %dma_wait3A_725 = arith.constant 0 : i32
      %dma_wait3A_726 = arith.constant 0 : i32
      %dma_wait3A_727 = tpu.memref_slice %arg16[%dma_wait3A_725, %dma_wait3A_726] : memref<10240x32xf32, #tpu.memory_space<vmem_shared>> -> memref<10240x32xf32, #tpu.memory_space<vmem_shared>>
      tpu.wait_indirect_dma semaphore(%arg19 : memref<!tpu.dma_semaphore, #tpu.memory_space<semaphore_mem>>) src(%dma_wait3A_721 : memref<80x32xf32, #tpu.memory_space<vmem>>) dst(%dma_wait3A_727 : memref<10240x32xf32, #tpu.memory_space<vmem_shared>>)
      %dma_wait3A_728 = arith.constant 7 : i32
      %dma_wait3A_729 = arith.constant 7 : i32
      %dma_wait3A_730 = arith.constant 0 : i32
      %dma_wait3A_731 = tpu.memref_slice %arg13[%dma_wait3A_728, %dma_wait3A_730] : memref<25x80xf32, #tpu.memory_space<vmem>> -> memref<1x80xf32, #tpu.memory_space<vmem>>
      %dma_wait3A_732 = tpu.memref_squeeze %dma_wait3A_731 : memref<1x80xf32, #tpu.memory_space<vmem>> -> memref<80xf32, #tpu.memory_space<vmem>>
      %dma_wait3A_733 = arith.constant 0 : i32
      %dma_wait3A_734 = tpu.memref_slice %arg12[%dma_wait3A_729, %dma_wait3A_733] : memref<25x80xi32, #tpu.memory_space<vmem>> -> memref<1x80xi32, #tpu.memory_space<vmem>>
      %dma_wait3A_735 = tpu.memref_squeeze %dma_wait3A_734 : memref<1x80xi32, #tpu.memory_space<vmem>> -> memref<80xi32, #tpu.memory_space<vmem>>
      %dma_wait3A_736 = arith.constant 0 : i32
      %dma_wait3A_737 = tpu.memref_slice %arg17[%dma_wait3A_736] : memref<10240xf32, #tpu.memory_space<vmem_shared>> -> memref<10240xf32, #tpu.memory_space<vmem_shared>>
      tpu.wait_indirect_dma semaphore(%arg19 : memref<!tpu.dma_semaphore, #tpu.memory_space<semaphore_mem>>) src(%dma_wait3A_732 : memref<80xf32, #tpu.memory_space<vmem>>) dst(%dma_wait3A_737 : memref<10240xf32, #tpu.memory_space<vmem_shared>>)
      %dma_wait3A_738 = arith.constant 8 : i32
      %dma_wait3A_739 = arith.constant 640 : i32
      %dma_wait3A_740 = arith.constant 0 : i32
      %dma_wait3A_741 = tpu.memref_slice %arg14[%dma_wait3A_739, %dma_wait3A_740] : memref<2000x32xf32, #tpu.memory_space<vmem>> -> memref<80x32xf32, #tpu.memory_space<vmem>>
      %dma_wait3A_742 = arith.constant 0 : i32
      %dma_wait3A_743 = tpu.memref_slice %arg12[%dma_wait3A_738, %dma_wait3A_742] : memref<25x80xi32, #tpu.memory_space<vmem>> -> memref<1x80xi32, #tpu.memory_space<vmem>>
      %dma_wait3A_744 = tpu.memref_squeeze %dma_wait3A_743 : memref<1x80xi32, #tpu.memory_space<vmem>> -> memref<80xi32, #tpu.memory_space<vmem>>
      %dma_wait3A_745 = arith.constant 0 : i32
      %dma_wait3A_746 = arith.constant 0 : i32
      %dma_wait3A_747 = tpu.memref_slice %arg16[%dma_wait3A_745, %dma_wait3A_746] : memref<10240x32xf32, #tpu.memory_space<vmem_shared>> -> memref<10240x32xf32, #tpu.memory_space<vmem_shared>>
      tpu.wait_indirect_dma semaphore(%arg19 : memref<!tpu.dma_semaphore, #tpu.memory_space<semaphore_mem>>) src(%dma_wait3A_741 : memref<80x32xf32, #tpu.memory_space<vmem>>) dst(%dma_wait3A_747 : memref<10240x32xf32, #tpu.memory_space<vmem_shared>>)
      %dma_wait3A_748 = arith.constant 8 : i32
      %dma_wait3A_749 = arith.constant 8 : i32
      %dma_wait3A_750 = arith.constant 0 : i32
      %dma_wait3A_751 = tpu.memref_slice %arg13[%dma_wait3A_748, %dma_wait3A_750] : memref<25x80xf32, #tpu.memory_space<vmem>> -> memref<1x80xf32, #tpu.memory_space<vmem>>
      %dma_wait3A_752 = tpu.memref_squeeze %dma_wait3A_751 : memref<1x80xf32, #tpu.memory_space<vmem>> -> memref<80xf32, #tpu.memory_space<vmem>>
      %dma_wait3A_753 = arith.constant 0 : i32
      %dma_wait3A_754 = tpu.memref_slice %arg12[%dma_wait3A_749, %dma_wait3A_753] : memref<25x80xi32, #tpu.memory_space<vmem>> -> memref<1x80xi32, #tpu.memory_space<vmem>>
      %dma_wait3A_755 = tpu.memref_squeeze %dma_wait3A_754 : memref<1x80xi32, #tpu.memory_space<vmem>> -> memref<80xi32, #tpu.memory_space<vmem>>
      %dma_wait3A_756 = arith.constant 0 : i32
      %dma_wait3A_757 = tpu.memref_slice %arg17[%dma_wait3A_756] : memref<10240xf32, #tpu.memory_space<vmem_shared>> -> memref<10240xf32, #tpu.memory_space<vmem_shared>>
      tpu.wait_indirect_dma semaphore(%arg19 : memref<!tpu.dma_semaphore, #tpu.memory_space<semaphore_mem>>) src(%dma_wait3A_752 : memref<80xf32, #tpu.memory_space<vmem>>) dst(%dma_wait3A_757 : memref<10240xf32, #tpu.memory_space<vmem_shared>>)
      %dma_wait3A_758 = arith.constant 9 : i32
      %dma_wait3A_759 = arith.constant 720 : i32
      %dma_wait3A_760 = arith.constant 0 : i32
      %dma_wait3A_761 = tpu.memref_slice %arg14[%dma_wait3A_759, %dma_wait3A_760] : memref<2000x32xf32, #tpu.memory_space<vmem>> -> memref<80x32xf32, #tpu.memory_space<vmem>>
      %dma_wait3A_762 = arith.constant 0 : i32
      %dma_wait3A_763 = tpu.memref_slice %arg12[%dma_wait3A_758, %dma_wait3A_762] : memref<25x80xi32, #tpu.memory_space<vmem>> -> memref<1x80xi32, #tpu.memory_space<vmem>>
      %dma_wait3A_764 = tpu.memref_squeeze %dma_wait3A_763 : memref<1x80xi32, #tpu.memory_space<vmem>> -> memref<80xi32, #tpu.memory_space<vmem>>
      %dma_wait3A_765 = arith.constant 0 : i32
      %dma_wait3A_766 = arith.constant 0 : i32
      %dma_wait3A_767 = tpu.memref_slice %arg16[%dma_wait3A_765, %dma_wait3A_766] : memref<10240x32xf32, #tpu.memory_space<vmem_shared>> -> memref<10240x32xf32, #tpu.memory_space<vmem_shared>>
      tpu.wait_indirect_dma semaphore(%arg19 : memref<!tpu.dma_semaphore, #tpu.memory_space<semaphore_mem>>) src(%dma_wait3A_761 : memref<80x32xf32, #tpu.memory_space<vmem>>) dst(%dma_wait3A_767 : memref<10240x32xf32, #tpu.memory_space<vmem_shared>>)
      %dma_wait3A_768 = arith.constant 9 : i32
      %dma_wait3A_769 = arith.constant 9 : i32
      %dma_wait3A_770 = arith.constant 0 : i32
      %dma_wait3A_771 = tpu.memref_slice %arg13[%dma_wait3A_768, %dma_wait3A_770] : memref<25x80xf32, #tpu.memory_space<vmem>> -> memref<1x80xf32, #tpu.memory_space<vmem>>
      %dma_wait3A_772 = tpu.memref_squeeze %dma_wait3A_771 : memref<1x80xf32, #tpu.memory_space<vmem>> -> memref<80xf32, #tpu.memory_space<vmem>>
      %dma_wait3A_773 = arith.constant 0 : i32
      %dma_wait3A_774 = tpu.memref_slice %arg12[%dma_wait3A_769, %dma_wait3A_773] : memref<25x80xi32, #tpu.memory_space<vmem>> -> memref<1x80xi32, #tpu.memory_space<vmem>>
      %dma_wait3A_775 = tpu.memref_squeeze %dma_wait3A_774 : memref<1x80xi32, #tpu.memory_space<vmem>> -> memref<80xi32, #tpu.memory_space<vmem>>
      %dma_wait3A_776 = arith.constant 0 : i32
      %dma_wait3A_777 = tpu.memref_slice %arg17[%dma_wait3A_776] : memref<10240xf32, #tpu.memory_space<vmem_shared>> -> memref<10240xf32, #tpu.memory_space<vmem_shared>>
      tpu.wait_indirect_dma semaphore(%arg19 : memref<!tpu.dma_semaphore, #tpu.memory_space<semaphore_mem>>) src(%dma_wait3A_772 : memref<80xf32, #tpu.memory_space<vmem>>) dst(%dma_wait3A_777 : memref<10240xf32, #tpu.memory_space<vmem_shared>>)
      %dma_wait3A_778 = arith.constant 10 : i32
      %dma_wait3A_779 = arith.constant 800 : i32
      %dma_wait3A_780 = arith.constant 0 : i32
      %dma_wait3A_781 = tpu.memref_slice %arg14[%dma_wait3A_779, %dma_wait3A_780] : memref<2000x32xf32, #tpu.memory_space<vmem>> -> memref<80x32xf32, #tpu.memory_space<vmem>>
      %dma_wait3A_782 = arith.constant 0 : i32
      %dma_wait3A_783 = tpu.memref_slice %arg12[%dma_wait3A_778, %dma_wait3A_782] : memref<25x80xi32, #tpu.memory_space<vmem>> -> memref<1x80xi32, #tpu.memory_space<vmem>>
      %dma_wait3A_784 = tpu.memref_squeeze %dma_wait3A_783 : memref<1x80xi32, #tpu.memory_space<vmem>> -> memref<80xi32, #tpu.memory_space<vmem>>
      %dma_wait3A_785 = arith.constant 0 : i32
      %dma_wait3A_786 = arith.constant 0 : i32
      %dma_wait3A_787 = tpu.memref_slice %arg16[%dma_wait3A_785, %dma_wait3A_786] : memref<10240x32xf32, #tpu.memory_space<vmem_shared>> -> memref<10240x32xf32, #tpu.memory_space<vmem_shared>>
      tpu.wait_indirect_dma semaphore(%arg19 : memref<!tpu.dma_semaphore, #tpu.memory_space<semaphore_mem>>) src(%dma_wait3A_781 : memref<80x32xf32, #tpu.memory_space<vmem>>) dst(%dma_wait3A_787 : memref<10240x32xf32, #tpu.memory_space<vmem_shared>>)
      %dma_wait3A_788 = arith.constant 10 : i32
      %dma_wait3A_789 = arith.constant 10 : i32
      %dma_wait3A_790 = arith.constant 0 : i32
      %dma_wait3A_791 = tpu.memref_slice %arg13[%dma_wait3A_788, %dma_wait3A_790] : memref<25x80xf32, #tpu.memory_space<vmem>> -> memref<1x80xf32, #tpu.memory_space<vmem>>
      %dma_wait3A_792 = tpu.memref_squeeze %dma_wait3A_791 : memref<1x80xf32, #tpu.memory_space<vmem>> -> memref<80xf32, #tpu.memory_space<vmem>>
      %dma_wait3A_793 = arith.constant 0 : i32
      %dma_wait3A_794 = tpu.memref_slice %arg12[%dma_wait3A_789, %dma_wait3A_793] : memref<25x80xi32, #tpu.memory_space<vmem>> -> memref<1x80xi32, #tpu.memory_space<vmem>>
      %dma_wait3A_795 = tpu.memref_squeeze %dma_wait3A_794 : memref<1x80xi32, #tpu.memory_space<vmem>> -> memref<80xi32, #tpu.memory_space<vmem>>
      %dma_wait3A_796 = arith.constant 0 : i32
      %dma_wait3A_797 = tpu.memref_slice %arg17[%dma_wait3A_796] : memref<10240xf32, #tpu.memory_space<vmem_shared>> -> memref<10240xf32, #tpu.memory_space<vmem_shared>>
      tpu.wait_indirect_dma semaphore(%arg19 : memref<!tpu.dma_semaphore, #tpu.memory_space<semaphore_mem>>) src(%dma_wait3A_792 : memref<80xf32, #tpu.memory_space<vmem>>) dst(%dma_wait3A_797 : memref<10240xf32, #tpu.memory_space<vmem_shared>>)
      %dma_wait3A_798 = arith.constant 11 : i32
      %dma_wait3A_799 = arith.constant 880 : i32
      %dma_wait3A_800 = arith.constant 0 : i32
      %dma_wait3A_801 = tpu.memref_slice %arg14[%dma_wait3A_799, %dma_wait3A_800] : memref<2000x32xf32, #tpu.memory_space<vmem>> -> memref<80x32xf32, #tpu.memory_space<vmem>>
      %dma_wait3A_802 = arith.constant 0 : i32
      %dma_wait3A_803 = tpu.memref_slice %arg12[%dma_wait3A_798, %dma_wait3A_802] : memref<25x80xi32, #tpu.memory_space<vmem>> -> memref<1x80xi32, #tpu.memory_space<vmem>>
      %dma_wait3A_804 = tpu.memref_squeeze %dma_wait3A_803 : memref<1x80xi32, #tpu.memory_space<vmem>> -> memref<80xi32, #tpu.memory_space<vmem>>
      %dma_wait3A_805 = arith.constant 0 : i32
      %dma_wait3A_806 = arith.constant 0 : i32
      %dma_wait3A_807 = tpu.memref_slice %arg16[%dma_wait3A_805, %dma_wait3A_806] : memref<10240x32xf32, #tpu.memory_space<vmem_shared>> -> memref<10240x32xf32, #tpu.memory_space<vmem_shared>>
      tpu.wait_indirect_dma semaphore(%arg19 : memref<!tpu.dma_semaphore, #tpu.memory_space<semaphore_mem>>) src(%dma_wait3A_801 : memref<80x32xf32, #tpu.memory_space<vmem>>) dst(%dma_wait3A_807 : memref<10240x32xf32, #tpu.memory_space<vmem_shared>>)
      %dma_wait3A_808 = arith.constant 11 : i32
      %dma_wait3A_809 = arith.constant 11 : i32
      %dma_wait3A_810 = arith.constant 0 : i32
      %dma_wait3A_811 = tpu.memref_slice %arg13[%dma_wait3A_808, %dma_wait3A_810] : memref<25x80xf32, #tpu.memory_space<vmem>> -> memref<1x80xf32, #tpu.memory_space<vmem>>
      %dma_wait3A_812 = tpu.memref_squeeze %dma_wait3A_811 : memref<1x80xf32, #tpu.memory_space<vmem>> -> memref<80xf32, #tpu.memory_space<vmem>>
      %dma_wait3A_813 = arith.constant 0 : i32
      %dma_wait3A_814 = tpu.memref_slice %arg12[%dma_wait3A_809, %dma_wait3A_813] : memref<25x80xi32, #tpu.memory_space<vmem>> -> memref<1x80xi32, #tpu.memory_space<vmem>>
      %dma_wait3A_815 = tpu.memref_squeeze %dma_wait3A_814 : memref<1x80xi32, #tpu.memory_space<vmem>> -> memref<80xi32, #tpu.memory_space<vmem>>
      %dma_wait3A_816 = arith.constant 0 : i32
      %dma_wait3A_817 = tpu.memref_slice %arg17[%dma_wait3A_816] : memref<10240xf32, #tpu.memory_space<vmem_shared>> -> memref<10240xf32, #tpu.memory_space<vmem_shared>>
      tpu.wait_indirect_dma semaphore(%arg19 : memref<!tpu.dma_semaphore, #tpu.memory_space<semaphore_mem>>) src(%dma_wait3A_812 : memref<80xf32, #tpu.memory_space<vmem>>) dst(%dma_wait3A_817 : memref<10240xf32, #tpu.memory_space<vmem_shared>>)
      %dma_wait3A_818 = arith.constant 12 : i32
      %dma_wait3A_819 = arith.constant 960 : i32
      %dma_wait3A_820 = arith.constant 0 : i32
      %dma_wait3A_821 = tpu.memref_slice %arg14[%dma_wait3A_819, %dma_wait3A_820] : memref<2000x32xf32, #tpu.memory_space<vmem>> -> memref<80x32xf32, #tpu.memory_space<vmem>>
      %dma_wait3A_822 = arith.constant 0 : i32
      %dma_wait3A_823 = tpu.memref_slice %arg12[%dma_wait3A_818, %dma_wait3A_822] : memref<25x80xi32, #tpu.memory_space<vmem>> -> memref<1x80xi32, #tpu.memory_space<vmem>>
      %dma_wait3A_824 = tpu.memref_squeeze %dma_wait3A_823 : memref<1x80xi32, #tpu.memory_space<vmem>> -> memref<80xi32, #tpu.memory_space<vmem>>
      %dma_wait3A_825 = arith.constant 0 : i32
      %dma_wait3A_826 = arith.constant 0 : i32
      %dma_wait3A_827 = tpu.memref_slice %arg16[%dma_wait3A_825, %dma_wait3A_826] : memref<10240x32xf32, #tpu.memory_space<vmem_shared>> -> memref<10240x32xf32, #tpu.memory_space<vmem_shared>>
      tpu.wait_indirect_dma semaphore(%arg19 : memref<!tpu.dma_semaphore, #tpu.memory_space<semaphore_mem>>) src(%dma_wait3A_821 : memref<80x32xf32, #tpu.memory_space<vmem>>) dst(%dma_wait3A_827 : memref<10240x32xf32, #tpu.memory_space<vmem_shared>>)
      %dma_wait3A_828 = arith.constant 12 : i32
      %dma_wait3A_829 = arith.constant 12 : i32
      %dma_wait3A_830 = arith.constant 0 : i32
      %dma_wait3A_831 = tpu.memref_slice %arg13[%dma_wait3A_828, %dma_wait3A_830] : memref<25x80xf32, #tpu.memory_space<vmem>> -> memref<1x80xf32, #tpu.memory_space<vmem>>
      %dma_wait3A_832 = tpu.memref_squeeze %dma_wait3A_831 : memref<1x80xf32, #tpu.memory_space<vmem>> -> memref<80xf32, #tpu.memory_space<vmem>>
      %dma_wait3A_833 = arith.constant 0 : i32
      %dma_wait3A_834 = tpu.memref_slice %arg12[%dma_wait3A_829, %dma_wait3A_833] : memref<25x80xi32, #tpu.memory_space<vmem>> -> memref<1x80xi32, #tpu.memory_space<vmem>>
      %dma_wait3A_835 = tpu.memref_squeeze %dma_wait3A_834 : memref<1x80xi32, #tpu.memory_space<vmem>> -> memref<80xi32, #tpu.memory_space<vmem>>
      %dma_wait3A_836 = arith.constant 0 : i32
      %dma_wait3A_837 = tpu.memref_slice %arg17[%dma_wait3A_836] : memref<10240xf32, #tpu.memory_space<vmem_shared>> -> memref<10240xf32, #tpu.memory_space<vmem_shared>>
      tpu.wait_indirect_dma semaphore(%arg19 : memref<!tpu.dma_semaphore, #tpu.memory_space<semaphore_mem>>) src(%dma_wait3A_832 : memref<80xf32, #tpu.memory_space<vmem>>) dst(%dma_wait3A_837 : memref<10240xf32, #tpu.memory_space<vmem_shared>>)
      %dma_wait3A_838 = arith.constant 13 : i32
      %dma_wait3A_839 = arith.constant 1040 : i32
      %dma_wait3A_840 = arith.constant 0 : i32
      %dma_wait3A_841 = tpu.memref_slice %arg14[%dma_wait3A_839, %dma_wait3A_840] : memref<2000x32xf32, #tpu.memory_space<vmem>> -> memref<80x32xf32, #tpu.memory_space<vmem>>
      %dma_wait3A_842 = arith.constant 0 : i32
      %dma_wait3A_843 = tpu.memref_slice %arg12[%dma_wait3A_838, %dma_wait3A_842] : memref<25x80xi32, #tpu.memory_space<vmem>> -> memref<1x80xi32, #tpu.memory_space<vmem>>
      %dma_wait3A_844 = tpu.memref_squeeze %dma_wait3A_843 : memref<1x80xi32, #tpu.memory_space<vmem>> -> memref<80xi32, #tpu.memory_space<vmem>>
      %dma_wait3A_845 = arith.constant 0 : i32
      %dma_wait3A_846 = arith.constant 0 : i32
      %dma_wait3A_847 = tpu.memref_slice %arg16[%dma_wait3A_845, %dma_wait3A_846] : memref<10240x32xf32, #tpu.memory_space<vmem_shared>> -> memref<10240x32xf32, #tpu.memory_space<vmem_shared>>
      tpu.wait_indirect_dma semaphore(%arg19 : memref<!tpu.dma_semaphore, #tpu.memory_space<semaphore_mem>>) src(%dma_wait3A_841 : memref<80x32xf32, #tpu.memory_space<vmem>>) dst(%dma_wait3A_847 : memref<10240x32xf32, #tpu.memory_space<vmem_shared>>)
      %dma_wait3A_848 = arith.constant 13 : i32
      %dma_wait3A_849 = arith.constant 13 : i32
      %dma_wait3A_850 = arith.constant 0 : i32
      %dma_wait3A_851 = tpu.memref_slice %arg13[%dma_wait3A_848, %dma_wait3A_850] : memref<25x80xf32, #tpu.memory_space<vmem>> -> memref<1x80xf32, #tpu.memory_space<vmem>>
      %dma_wait3A_852 = tpu.memref_squeeze %dma_wait3A_851 : memref<1x80xf32, #tpu.memory_space<vmem>> -> memref<80xf32, #tpu.memory_space<vmem>>
      %dma_wait3A_853 = arith.constant 0 : i32
      %dma_wait3A_854 = tpu.memref_slice %arg12[%dma_wait3A_849, %dma_wait3A_853] : memref<25x80xi32, #tpu.memory_space<vmem>> -> memref<1x80xi32, #tpu.memory_space<vmem>>
      %dma_wait3A_855 = tpu.memref_squeeze %dma_wait3A_854 : memref<1x80xi32, #tpu.memory_space<vmem>> -> memref<80xi32, #tpu.memory_space<vmem>>
      %dma_wait3A_856 = arith.constant 0 : i32
      %dma_wait3A_857 = tpu.memref_slice %arg17[%dma_wait3A_856] : memref<10240xf32, #tpu.memory_space<vmem_shared>> -> memref<10240xf32, #tpu.memory_space<vmem_shared>>
      tpu.wait_indirect_dma semaphore(%arg19 : memref<!tpu.dma_semaphore, #tpu.memory_space<semaphore_mem>>) src(%dma_wait3A_852 : memref<80xf32, #tpu.memory_space<vmem>>) dst(%dma_wait3A_857 : memref<10240xf32, #tpu.memory_space<vmem_shared>>)
      %dma_wait3A_858 = arith.constant 14 : i32
      %dma_wait3A_859 = arith.constant 1120 : i32
      %dma_wait3A_860 = arith.constant 0 : i32
      %dma_wait3A_861 = tpu.memref_slice %arg14[%dma_wait3A_859, %dma_wait3A_860] : memref<2000x32xf32, #tpu.memory_space<vmem>> -> memref<80x32xf32, #tpu.memory_space<vmem>>
      %dma_wait3A_862 = arith.constant 0 : i32
      %dma_wait3A_863 = tpu.memref_slice %arg12[%dma_wait3A_858, %dma_wait3A_862] : memref<25x80xi32, #tpu.memory_space<vmem>> -> memref<1x80xi32, #tpu.memory_space<vmem>>
      %dma_wait3A_864 = tpu.memref_squeeze %dma_wait3A_863 : memref<1x80xi32, #tpu.memory_space<vmem>> -> memref<80xi32, #tpu.memory_space<vmem>>
      %dma_wait3A_865 = arith.constant 0 : i32
      %dma_wait3A_866 = arith.constant 0 : i32
      %dma_wait3A_867 = tpu.memref_slice %arg16[%dma_wait3A_865, %dma_wait3A_866] : memref<10240x32xf32, #tpu.memory_space<vmem_shared>> -> memref<10240x32xf32, #tpu.memory_space<vmem_shared>>
      tpu.wait_indirect_dma semaphore(%arg19 : memref<!tpu.dma_semaphore, #tpu.memory_space<semaphore_mem>>) src(%dma_wait3A_861 : memref<80x32xf32, #tpu.memory_space<vmem>>) dst(%dma_wait3A_867 : memref<10240x32xf32, #tpu.memory_space<vmem_shared>>)
      %dma_wait3A_868 = arith.constant 14 : i32
      %dma_wait3A_869 = arith.constant 14 : i32
      %dma_wait3A_870 = arith.constant 0 : i32
      %dma_wait3A_871 = tpu.memref_slice %arg13[%dma_wait3A_868, %dma_wait3A_870] : memref<25x80xf32, #tpu.memory_space<vmem>> -> memref<1x80xf32, #tpu.memory_space<vmem>>
      %dma_wait3A_872 = tpu.memref_squeeze %dma_wait3A_871 : memref<1x80xf32, #tpu.memory_space<vmem>> -> memref<80xf32, #tpu.memory_space<vmem>>
      %dma_wait3A_873 = arith.constant 0 : i32
      %dma_wait3A_874 = tpu.memref_slice %arg12[%dma_wait3A_869, %dma_wait3A_873] : memref<25x80xi32, #tpu.memory_space<vmem>> -> memref<1x80xi32, #tpu.memory_space<vmem>>
      %dma_wait3A_875 = tpu.memref_squeeze %dma_wait3A_874 : memref<1x80xi32, #tpu.memory_space<vmem>> -> memref<80xi32, #tpu.memory_space<vmem>>
      %dma_wait3A_876 = arith.constant 0 : i32
      %dma_wait3A_877 = tpu.memref_slice %arg17[%dma_wait3A_876] : memref<10240xf32, #tpu.memory_space<vmem_shared>> -> memref<10240xf32, #tpu.memory_space<vmem_shared>>
      tpu.wait_indirect_dma semaphore(%arg19 : memref<!tpu.dma_semaphore, #tpu.memory_space<semaphore_mem>>) src(%dma_wait3A_872 : memref<80xf32, #tpu.memory_space<vmem>>) dst(%dma_wait3A_877 : memref<10240xf32, #tpu.memory_space<vmem_shared>>)
      %dma_wait3A_878 = arith.constant 15 : i32
      %dma_wait3A_879 = arith.constant 1200 : i32
      %dma_wait3A_880 = arith.constant 0 : i32
      %dma_wait3A_881 = tpu.memref_slice %arg14[%dma_wait3A_879, %dma_wait3A_880] : memref<2000x32xf32, #tpu.memory_space<vmem>> -> memref<80x32xf32, #tpu.memory_space<vmem>>
      %dma_wait3A_882 = arith.constant 0 : i32
      %dma_wait3A_883 = tpu.memref_slice %arg12[%dma_wait3A_878, %dma_wait3A_882] : memref<25x80xi32, #tpu.memory_space<vmem>> -> memref<1x80xi32, #tpu.memory_space<vmem>>
      %dma_wait3A_884 = tpu.memref_squeeze %dma_wait3A_883 : memref<1x80xi32, #tpu.memory_space<vmem>> -> memref<80xi32, #tpu.memory_space<vmem>>
      %dma_wait3A_885 = arith.constant 0 : i32
      %dma_wait3A_886 = arith.constant 0 : i32
      %dma_wait3A_887 = tpu.memref_slice %arg16[%dma_wait3A_885, %dma_wait3A_886] : memref<10240x32xf32, #tpu.memory_space<vmem_shared>> -> memref<10240x32xf32, #tpu.memory_space<vmem_shared>>
      tpu.wait_indirect_dma semaphore(%arg19 : memref<!tpu.dma_semaphore, #tpu.memory_space<semaphore_mem>>) src(%dma_wait3A_881 : memref<80x32xf32, #tpu.memory_space<vmem>>) dst(%dma_wait3A_887 : memref<10240x32xf32, #tpu.memory_space<vmem_shared>>)
      %dma_wait3A_888 = arith.constant 15 : i32
      %dma_wait3A_889 = arith.constant 15 : i32
      %dma_wait3A_890 = arith.constant 0 : i32
      %dma_wait3A_891 = tpu.memref_slice %arg13[%dma_wait3A_888, %dma_wait3A_890] : memref<25x80xf32, #tpu.memory_space<vmem>> -> memref<1x80xf32, #tpu.memory_space<vmem>>
      %dma_wait3A_892 = tpu.memref_squeeze %dma_wait3A_891 : memref<1x80xf32, #tpu.memory_space<vmem>> -> memref<80xf32, #tpu.memory_space<vmem>>
      %dma_wait3A_893 = arith.constant 0 : i32
      %dma_wait3A_894 = tpu.memref_slice %arg12[%dma_wait3A_889, %dma_wait3A_893] : memref<25x80xi32, #tpu.memory_space<vmem>> -> memref<1x80xi32, #tpu.memory_space<vmem>>
      %dma_wait3A_895 = tpu.memref_squeeze %dma_wait3A_894 : memref<1x80xi32, #tpu.memory_space<vmem>> -> memref<80xi32, #tpu.memory_space<vmem>>
      %dma_wait3A_896 = arith.constant 0 : i32
      %dma_wait3A_897 = tpu.memref_slice %arg17[%dma_wait3A_896] : memref<10240xf32, #tpu.memory_space<vmem_shared>> -> memref<10240xf32, #tpu.memory_space<vmem_shared>>
      tpu.wait_indirect_dma semaphore(%arg19 : memref<!tpu.dma_semaphore, #tpu.memory_space<semaphore_mem>>) src(%dma_wait3A_892 : memref<80xf32, #tpu.memory_space<vmem>>) dst(%dma_wait3A_897 : memref<10240xf32, #tpu.memory_space<vmem_shared>>)
      %dma_wait3A_898 = arith.constant 16 : i32
      %dma_wait3A_899 = arith.constant 1280 : i32
      %dma_wait3A_900 = arith.constant 0 : i32
      %dma_wait3A_901 = tpu.memref_slice %arg14[%dma_wait3A_899, %dma_wait3A_900] : memref<2000x32xf32, #tpu.memory_space<vmem>> -> memref<80x32xf32, #tpu.memory_space<vmem>>
      %dma_wait3A_902 = arith.constant 0 : i32
      %dma_wait3A_903 = tpu.memref_slice %arg12[%dma_wait3A_898, %dma_wait3A_902] : memref<25x80xi32, #tpu.memory_space<vmem>> -> memref<1x80xi32, #tpu.memory_space<vmem>>
      %dma_wait3A_904 = tpu.memref_squeeze %dma_wait3A_903 : memref<1x80xi32, #tpu.memory_space<vmem>> -> memref<80xi32, #tpu.memory_space<vmem>>
      %dma_wait3A_905 = arith.constant 0 : i32
      %dma_wait3A_906 = arith.constant 0 : i32
      %dma_wait3A_907 = tpu.memref_slice %arg16[%dma_wait3A_905, %dma_wait3A_906] : memref<10240x32xf32, #tpu.memory_space<vmem_shared>> -> memref<10240x32xf32, #tpu.memory_space<vmem_shared>>
      tpu.wait_indirect_dma semaphore(%arg19 : memref<!tpu.dma_semaphore, #tpu.memory_space<semaphore_mem>>) src(%dma_wait3A_901 : memref<80x32xf32, #tpu.memory_space<vmem>>) dst(%dma_wait3A_907 : memref<10240x32xf32, #tpu.memory_space<vmem_shared>>)
      %dma_wait3A_908 = arith.constant 16 : i32
      %dma_wait3A_909 = arith.constant 16 : i32
      %dma_wait3A_910 = arith.constant 0 : i32
      %dma_wait3A_911 = tpu.memref_slice %arg13[%dma_wait3A_908, %dma_wait3A_910] : memref<25x80xf32, #tpu.memory_space<vmem>> -> memref<1x80xf32, #tpu.memory_space<vmem>>
      %dma_wait3A_912 = tpu.memref_squeeze %dma_wait3A_911 : memref<1x80xf32, #tpu.memory_space<vmem>> -> memref<80xf32, #tpu.memory_space<vmem>>
      %dma_wait3A_913 = arith.constant 0 : i32
      %dma_wait3A_914 = tpu.memref_slice %arg12[%dma_wait3A_909, %dma_wait3A_913] : memref<25x80xi32, #tpu.memory_space<vmem>> -> memref<1x80xi32, #tpu.memory_space<vmem>>
      %dma_wait3A_915 = tpu.memref_squeeze %dma_wait3A_914 : memref<1x80xi32, #tpu.memory_space<vmem>> -> memref<80xi32, #tpu.memory_space<vmem>>
      %dma_wait3A_916 = arith.constant 0 : i32
      %dma_wait3A_917 = tpu.memref_slice %arg17[%dma_wait3A_916] : memref<10240xf32, #tpu.memory_space<vmem_shared>> -> memref<10240xf32, #tpu.memory_space<vmem_shared>>
      tpu.wait_indirect_dma semaphore(%arg19 : memref<!tpu.dma_semaphore, #tpu.memory_space<semaphore_mem>>) src(%dma_wait3A_912 : memref<80xf32, #tpu.memory_space<vmem>>) dst(%dma_wait3A_917 : memref<10240xf32, #tpu.memory_space<vmem_shared>>)
      %dma_wait3A_918 = arith.constant 17 : i32
      %dma_wait3A_919 = arith.constant 1360 : i32
      %dma_wait3A_920 = arith.constant 0 : i32
      %dma_wait3A_921 = tpu.memref_slice %arg14[%dma_wait3A_919, %dma_wait3A_920] : memref<2000x32xf32, #tpu.memory_space<vmem>> -> memref<80x32xf32, #tpu.memory_space<vmem>>
      %dma_wait3A_922 = arith.constant 0 : i32
      %dma_wait3A_923 = tpu.memref_slice %arg12[%dma_wait3A_918, %dma_wait3A_922] : memref<25x80xi32, #tpu.memory_space<vmem>> -> memref<1x80xi32, #tpu.memory_space<vmem>>
      %dma_wait3A_924 = tpu.memref_squeeze %dma_wait3A_923 : memref<1x80xi32, #tpu.memory_space<vmem>> -> memref<80xi32, #tpu.memory_space<vmem>>
      %dma_wait3A_925 = arith.constant 0 : i32
      %dma_wait3A_926 = arith.constant 0 : i32
      %dma_wait3A_927 = tpu.memref_slice %arg16[%dma_wait3A_925, %dma_wait3A_926] : memref<10240x32xf32, #tpu.memory_space<vmem_shared>> -> memref<10240x32xf32, #tpu.memory_space<vmem_shared>>
      tpu.wait_indirect_dma semaphore(%arg19 : memref<!tpu.dma_semaphore, #tpu.memory_space<semaphore_mem>>) src(%dma_wait3A_921 : memref<80x32xf32, #tpu.memory_space<vmem>>) dst(%dma_wait3A_927 : memref<10240x32xf32, #tpu.memory_space<vmem_shared>>)
      %dma_wait3A_928 = arith.constant 17 : i32
      %dma_wait3A_929 = arith.constant 17 : i32
      %dma_wait3A_930 = arith.constant 0 : i32
      %dma_wait3A_931 = tpu.memref_slice %arg13[%dma_wait3A_928, %dma_wait3A_930] : memref<25x80xf32, #tpu.memory_space<vmem>> -> memref<1x80xf32, #tpu.memory_space<vmem>>
      %dma_wait3A_932 = tpu.memref_squeeze %dma_wait3A_931 : memref<1x80xf32, #tpu.memory_space<vmem>> -> memref<80xf32, #tpu.memory_space<vmem>>
      %dma_wait3A_933 = arith.constant 0 : i32
      %dma_wait3A_934 = tpu.memref_slice %arg12[%dma_wait3A_929, %dma_wait3A_933] : memref<25x80xi32, #tpu.memory_space<vmem>> -> memref<1x80xi32, #tpu.memory_space<vmem>>
      %dma_wait3A_935 = tpu.memref_squeeze %dma_wait3A_934 : memref<1x80xi32, #tpu.memory_space<vmem>> -> memref<80xi32, #tpu.memory_space<vmem>>
      %dma_wait3A_936 = arith.constant 0 : i32
      %dma_wait3A_937 = tpu.memref_slice %arg17[%dma_wait3A_936] : memref<10240xf32, #tpu.memory_space<vmem_shared>> -> memref<10240xf32, #tpu.memory_space<vmem_shared>>
      tpu.wait_indirect_dma semaphore(%arg19 : memref<!tpu.dma_semaphore, #tpu.memory_space<semaphore_mem>>) src(%dma_wait3A_932 : memref<80xf32, #tpu.memory_space<vmem>>) dst(%dma_wait3A_937 : memref<10240xf32, #tpu.memory_space<vmem_shared>>)
      %dma_wait3A_938 = arith.constant 18 : i32
      %dma_wait3A_939 = arith.constant 1440 : i32
      %dma_wait3A_940 = arith.constant 0 : i32
      %dma_wait3A_941 = tpu.memref_slice %arg14[%dma_wait3A_939, %dma_wait3A_940] : memref<2000x32xf32, #tpu.memory_space<vmem>> -> memref<80x32xf32, #tpu.memory_space<vmem>>
      %dma_wait3A_942 = arith.constant 0 : i32
      %dma_wait3A_943 = tpu.memref_slice %arg12[%dma_wait3A_938, %dma_wait3A_942] : memref<25x80xi32, #tpu.memory_space<vmem>> -> memref<1x80xi32, #tpu.memory_space<vmem>>
      %dma_wait3A_944 = tpu.memref_squeeze %dma_wait3A_943 : memref<1x80xi32, #tpu.memory_space<vmem>> -> memref<80xi32, #tpu.memory_space<vmem>>
      %dma_wait3A_945 = arith.constant 0 : i32
      %dma_wait3A_946 = arith.constant 0 : i32
      %dma_wait3A_947 = tpu.memref_slice %arg16[%dma_wait3A_945, %dma_wait3A_946] : memref<10240x32xf32, #tpu.memory_space<vmem_shared>> -> memref<10240x32xf32, #tpu.memory_space<vmem_shared>>
      tpu.wait_indirect_dma semaphore(%arg19 : memref<!tpu.dma_semaphore, #tpu.memory_space<semaphore_mem>>) src(%dma_wait3A_941 : memref<80x32xf32, #tpu.memory_space<vmem>>) dst(%dma_wait3A_947 : memref<10240x32xf32, #tpu.memory_space<vmem_shared>>)
      %dma_wait3A_948 = arith.constant 18 : i32
      %dma_wait3A_949 = arith.constant 18 : i32
      %dma_wait3A_950 = arith.constant 0 : i32
      %dma_wait3A_951 = tpu.memref_slice %arg13[%dma_wait3A_948, %dma_wait3A_950] : memref<25x80xf32, #tpu.memory_space<vmem>> -> memref<1x80xf32, #tpu.memory_space<vmem>>
      %dma_wait3A_952 = tpu.memref_squeeze %dma_wait3A_951 : memref<1x80xf32, #tpu.memory_space<vmem>> -> memref<80xf32, #tpu.memory_space<vmem>>
      %dma_wait3A_953 = arith.constant 0 : i32
      %dma_wait3A_954 = tpu.memref_slice %arg12[%dma_wait3A_949, %dma_wait3A_953] : memref<25x80xi32, #tpu.memory_space<vmem>> -> memref<1x80xi32, #tpu.memory_space<vmem>>
      %dma_wait3A_955 = tpu.memref_squeeze %dma_wait3A_954 : memref<1x80xi32, #tpu.memory_space<vmem>> -> memref<80xi32, #tpu.memory_space<vmem>>
      %dma_wait3A_956 = arith.constant 0 : i32
      %dma_wait3A_957 = tpu.memref_slice %arg17[%dma_wait3A_956] : memref<10240xf32, #tpu.memory_space<vmem_shared>> -> memref<10240xf32, #tpu.memory_space<vmem_shared>>
      tpu.wait_indirect_dma semaphore(%arg19 : memref<!tpu.dma_semaphore, #tpu.memory_space<semaphore_mem>>) src(%dma_wait3A_952 : memref<80xf32, #tpu.memory_space<vmem>>) dst(%dma_wait3A_957 : memref<10240xf32, #tpu.memory_space<vmem_shared>>)
      %dma_wait3A_958 = arith.constant 19 : i32
      %dma_wait3A_959 = arith.constant 1520 : i32
      %dma_wait3A_960 = arith.constant 0 : i32
      %dma_wait3A_961 = tpu.memref_slice %arg14[%dma_wait3A_959, %dma_wait3A_960] : memref<2000x32xf32, #tpu.memory_space<vmem>> -> memref<80x32xf32, #tpu.memory_space<vmem>>
      %dma_wait3A_962 = arith.constant 0 : i32
      %dma_wait3A_963 = tpu.memref_slice %arg12[%dma_wait3A_958, %dma_wait3A_962] : memref<25x80xi32, #tpu.memory_space<vmem>> -> memref<1x80xi32, #tpu.memory_space<vmem>>
      %dma_wait3A_964 = tpu.memref_squeeze %dma_wait3A_963 : memref<1x80xi32, #tpu.memory_space<vmem>> -> memref<80xi32, #tpu.memory_space<vmem>>
      %dma_wait3A_965 = arith.constant 0 : i32
      %dma_wait3A_966 = arith.constant 0 : i32
      %dma_wait3A_967 = tpu.memref_slice %arg16[%dma_wait3A_965, %dma_wait3A_966] : memref<10240x32xf32, #tpu.memory_space<vmem_shared>> -> memref<10240x32xf32, #tpu.memory_space<vmem_shared>>
      tpu.wait_indirect_dma semaphore(%arg19 : memref<!tpu.dma_semaphore, #tpu.memory_space<semaphore_mem>>) src(%dma_wait3A_961 : memref<80x32xf32, #tpu.memory_space<vmem>>) dst(%dma_wait3A_967 : memref<10240x32xf32, #tpu.memory_space<vmem_shared>>)
      %dma_wait3A_968 = arith.constant 19 : i32
      %dma_wait3A_969 = arith.constant 19 : i32
      %dma_wait3A_970 = arith.constant 0 : i32
      %dma_wait3A_971 = tpu.memref_slice %arg13[%dma_wait3A_968, %dma_wait3A_970] : memref<25x80xf32, #tpu.memory_space<vmem>> -> memref<1x80xf32, #tpu.memory_space<vmem>>
      %dma_wait3A_972 = tpu.memref_squeeze %dma_wait3A_971 : memref<1x80xf32, #tpu.memory_space<vmem>> -> memref<80xf32, #tpu.memory_space<vmem>>
      %dma_wait3A_973 = arith.constant 0 : i32
      %dma_wait3A_974 = tpu.memref_slice %arg12[%dma_wait3A_969, %dma_wait3A_973] : memref<25x80xi32, #tpu.memory_space<vmem>> -> memref<1x80xi32, #tpu.memory_space<vmem>>
      %dma_wait3A_975 = tpu.memref_squeeze %dma_wait3A_974 : memref<1x80xi32, #tpu.memory_space<vmem>> -> memref<80xi32, #tpu.memory_space<vmem>>
      %dma_wait3A_976 = arith.constant 0 : i32
      %dma_wait3A_977 = tpu.memref_slice %arg17[%dma_wait3A_976] : memref<10240xf32, #tpu.memory_space<vmem_shared>> -> memref<10240xf32, #tpu.memory_space<vmem_shared>>
      tpu.wait_indirect_dma semaphore(%arg19 : memref<!tpu.dma_semaphore, #tpu.memory_space<semaphore_mem>>) src(%dma_wait3A_972 : memref<80xf32, #tpu.memory_space<vmem>>) dst(%dma_wait3A_977 : memref<10240xf32, #tpu.memory_space<vmem_shared>>)
      %dma_wait3A_978 = arith.constant 20 : i32
      %dma_wait3A_979 = arith.constant 1600 : i32
      %dma_wait3A_980 = arith.constant 0 : i32
      %dma_wait3A_981 = tpu.memref_slice %arg14[%dma_wait3A_979, %dma_wait3A_980] : memref<2000x32xf32, #tpu.memory_space<vmem>> -> memref<80x32xf32, #tpu.memory_space<vmem>>
      %dma_wait3A_982 = arith.constant 0 : i32
      %dma_wait3A_983 = tpu.memref_slice %arg12[%dma_wait3A_978, %dma_wait3A_982] : memref<25x80xi32, #tpu.memory_space<vmem>> -> memref<1x80xi32, #tpu.memory_space<vmem>>
      %dma_wait3A_984 = tpu.memref_squeeze %dma_wait3A_983 : memref<1x80xi32, #tpu.memory_space<vmem>> -> memref<80xi32, #tpu.memory_space<vmem>>
      %dma_wait3A_985 = arith.constant 0 : i32
      %dma_wait3A_986 = arith.constant 0 : i32
      %dma_wait3A_987 = tpu.memref_slice %arg16[%dma_wait3A_985, %dma_wait3A_986] : memref<10240x32xf32, #tpu.memory_space<vmem_shared>> -> memref<10240x32xf32, #tpu.memory_space<vmem_shared>>
      tpu.wait_indirect_dma semaphore(%arg19 : memref<!tpu.dma_semaphore, #tpu.memory_space<semaphore_mem>>) src(%dma_wait3A_981 : memref<80x32xf32, #tpu.memory_space<vmem>>) dst(%dma_wait3A_987 : memref<10240x32xf32, #tpu.memory_space<vmem_shared>>)
      %dma_wait3A_988 = arith.constant 20 : i32
      %dma_wait3A_989 = arith.constant 20 : i32
      %dma_wait3A_990 = arith.constant 0 : i32
      %dma_wait3A_991 = tpu.memref_slice %arg13[%dma_wait3A_988, %dma_wait3A_990] : memref<25x80xf32, #tpu.memory_space<vmem>> -> memref<1x80xf32, #tpu.memory_space<vmem>>
      %dma_wait3A_992 = tpu.memref_squeeze %dma_wait3A_991 : memref<1x80xf32, #tpu.memory_space<vmem>> -> memref<80xf32, #tpu.memory_space<vmem>>
      %dma_wait3A_993 = arith.constant 0 : i32
      %dma_wait3A_994 = tpu.memref_slice %arg12[%dma_wait3A_989, %dma_wait3A_993] : memref<25x80xi32, #tpu.memory_space<vmem>> -> memref<1x80xi32, #tpu.memory_space<vmem>>
      %dma_wait3A_995 = tpu.memref_squeeze %dma_wait3A_994 : memref<1x80xi32, #tpu.memory_space<vmem>> -> memref<80xi32, #tpu.memory_space<vmem>>
      %dma_wait3A_996 = arith.constant 0 : i32
      %dma_wait3A_997 = tpu.memref_slice %arg17[%dma_wait3A_996] : memref<10240xf32, #tpu.memory_space<vmem_shared>> -> memref<10240xf32, #tpu.memory_space<vmem_shared>>
      tpu.wait_indirect_dma semaphore(%arg19 : memref<!tpu.dma_semaphore, #tpu.memory_space<semaphore_mem>>) src(%dma_wait3A_992 : memref<80xf32, #tpu.memory_space<vmem>>) dst(%dma_wait3A_997 : memref<10240xf32, #tpu.memory_space<vmem_shared>>)
      %dma_wait3A_998 = arith.constant 21 : i32
      %dma_wait3A_999 = arith.constant 1680 : i32
      %dma_wait3A_1000 = arith.constant 0 : i32
      %dma_wait3A_1001 = tpu.memref_slice %arg14[%dma_wait3A_999, %dma_wait3A_1000] : memref<2000x32xf32, #tpu.memory_space<vmem>> -> memref<80x32xf32, #tpu.memory_space<vmem>>
      %dma_wait3A_1002 = arith.constant 0 : i32
      %dma_wait3A_1003 = tpu.memref_slice %arg12[%dma_wait3A_998, %dma_wait3A_1002] : memref<25x80xi32, #tpu.memory_space<vmem>> -> memref<1x80xi32, #tpu.memory_space<vmem>>
      %dma_wait3A_1004 = tpu.memref_squeeze %dma_wait3A_1003 : memref<1x80xi32, #tpu.memory_space<vmem>> -> memref<80xi32, #tpu.memory_space<vmem>>
      %dma_wait3A_1005 = arith.constant 0 : i32
      %dma_wait3A_1006 = arith.constant 0 : i32
      %dma_wait3A_1007 = tpu.memref_slice %arg16[%dma_wait3A_1005, %dma_wait3A_1006] : memref<10240x32xf32, #tpu.memory_space<vmem_shared>> -> memref<10240x32xf32, #tpu.memory_space<vmem_shared>>
      tpu.wait_indirect_dma semaphore(%arg19 : memref<!tpu.dma_semaphore, #tpu.memory_space<semaphore_mem>>) src(%dma_wait3A_1001 : memref<80x32xf32, #tpu.memory_space<vmem>>) dst(%dma_wait3A_1007 : memref<10240x32xf32, #tpu.memory_space<vmem_shared>>)
      %dma_wait3A_1008 = arith.constant 21 : i32
      %dma_wait3A_1009 = arith.constant 21 : i32
      %dma_wait3A_1010 = arith.constant 0 : i32
      %dma_wait3A_1011 = tpu.memref_slice %arg13[%dma_wait3A_1008, %dma_wait3A_1010] : memref<25x80xf32, #tpu.memory_space<vmem>> -> memref<1x80xf32, #tpu.memory_space<vmem>>
      %dma_wait3A_1012 = tpu.memref_squeeze %dma_wait3A_1011 : memref<1x80xf32, #tpu.memory_space<vmem>> -> memref<80xf32, #tpu.memory_space<vmem>>
      %dma_wait3A_1013 = arith.constant 0 : i32
      %dma_wait3A_1014 = tpu.memref_slice %arg12[%dma_wait3A_1009, %dma_wait3A_1013] : memref<25x80xi32, #tpu.memory_space<vmem>> -> memref<1x80xi32, #tpu.memory_space<vmem>>
      %dma_wait3A_1015 = tpu.memref_squeeze %dma_wait3A_1014 : memref<1x80xi32, #tpu.memory_space<vmem>> -> memref<80xi32, #tpu.memory_space<vmem>>
      %dma_wait3A_1016 = arith.constant 0 : i32
      %dma_wait3A_1017 = tpu.memref_slice %arg17[%dma_wait3A_1016] : memref<10240xf32, #tpu.memory_space<vmem_shared>> -> memref<10240xf32, #tpu.memory_space<vmem_shared>>
      tpu.wait_indirect_dma semaphore(%arg19 : memref<!tpu.dma_semaphore, #tpu.memory_space<semaphore_mem>>) src(%dma_wait3A_1012 : memref<80xf32, #tpu.memory_space<vmem>>) dst(%dma_wait3A_1017 : memref<10240xf32, #tpu.memory_space<vmem_shared>>)
      %dma_wait3A_1018 = arith.constant 22 : i32
      %dma_wait3A_1019 = arith.constant 1760 : i32
      %dma_wait3A_1020 = arith.constant 0 : i32
      %dma_wait3A_1021 = tpu.memref_slice %arg14[%dma_wait3A_1019, %dma_wait3A_1020] : memref<2000x32xf32, #tpu.memory_space<vmem>> -> memref<80x32xf32, #tpu.memory_space<vmem>>
      %dma_wait3A_1022 = arith.constant 0 : i32
      %dma_wait3A_1023 = tpu.memref_slice %arg12[%dma_wait3A_1018, %dma_wait3A_1022] : memref<25x80xi32, #tpu.memory_space<vmem>> -> memref<1x80xi32, #tpu.memory_space<vmem>>
      %dma_wait3A_1024 = tpu.memref_squeeze %dma_wait3A_1023 : memref<1x80xi32, #tpu.memory_space<vmem>> -> memref<80xi32, #tpu.memory_space<vmem>>
      %dma_wait3A_1025 = arith.constant 0 : i32
      %dma_wait3A_1026 = arith.constant 0 : i32
      %dma_wait3A_1027 = tpu.memref_slice %arg16[%dma_wait3A_1025, %dma_wait3A_1026] : memref<10240x32xf32, #tpu.memory_space<vmem_shared>> -> memref<10240x32xf32, #tpu.memory_space<vmem_shared>>
      tpu.wait_indirect_dma semaphore(%arg19 : memref<!tpu.dma_semaphore, #tpu.memory_space<semaphore_mem>>) src(%dma_wait3A_1021 : memref<80x32xf32, #tpu.memory_space<vmem>>) dst(%dma_wait3A_1027 : memref<10240x32xf32, #tpu.memory_space<vmem_shared>>)
      %dma_wait3A_1028 = arith.constant 22 : i32
      %dma_wait3A_1029 = arith.constant 22 : i32
      %dma_wait3A_1030 = arith.constant 0 : i32
      %dma_wait3A_1031 = tpu.memref_slice %arg13[%dma_wait3A_1028, %dma_wait3A_1030] : memref<25x80xf32, #tpu.memory_space<vmem>> -> memref<1x80xf32, #tpu.memory_space<vmem>>
      %dma_wait3A_1032 = tpu.memref_squeeze %dma_wait3A_1031 : memref<1x80xf32, #tpu.memory_space<vmem>> -> memref<80xf32, #tpu.memory_space<vmem>>
      %dma_wait3A_1033 = arith.constant 0 : i32
      %dma_wait3A_1034 = tpu.memref_slice %arg12[%dma_wait3A_1029, %dma_wait3A_1033] : memref<25x80xi32, #tpu.memory_space<vmem>> -> memref<1x80xi32, #tpu.memory_space<vmem>>
      %dma_wait3A_1035 = tpu.memref_squeeze %dma_wait3A_1034 : memref<1x80xi32, #tpu.memory_space<vmem>> -> memref<80xi32, #tpu.memory_space<vmem>>
      %dma_wait3A_1036 = arith.constant 0 : i32
      %dma_wait3A_1037 = tpu.memref_slice %arg17[%dma_wait3A_1036] : memref<10240xf32, #tpu.memory_space<vmem_shared>> -> memref<10240xf32, #tpu.memory_space<vmem_shared>>
      tpu.wait_indirect_dma semaphore(%arg19 : memref<!tpu.dma_semaphore, #tpu.memory_space<semaphore_mem>>) src(%dma_wait3A_1032 : memref<80xf32, #tpu.memory_space<vmem>>) dst(%dma_wait3A_1037 : memref<10240xf32, #tpu.memory_space<vmem_shared>>)
      %dma_wait3A_1038 = arith.constant 23 : i32
      %dma_wait3A_1039 = arith.constant 1840 : i32
      %dma_wait3A_1040 = arith.constant 0 : i32
      %dma_wait3A_1041 = tpu.memref_slice %arg14[%dma_wait3A_1039, %dma_wait3A_1040] : memref<2000x32xf32, #tpu.memory_space<vmem>> -> memref<80x32xf32, #tpu.memory_space<vmem>>
      %dma_wait3A_1042 = arith.constant 0 : i32
      %dma_wait3A_1043 = tpu.memref_slice %arg12[%dma_wait3A_1038, %dma_wait3A_1042] : memref<25x80xi32, #tpu.memory_space<vmem>> -> memref<1x80xi32, #tpu.memory_space<vmem>>
      %dma_wait3A_1044 = tpu.memref_squeeze %dma_wait3A_1043 : memref<1x80xi32, #tpu.memory_space<vmem>> -> memref<80xi32, #tpu.memory_space<vmem>>
      %dma_wait3A_1045 = arith.constant 0 : i32
      %dma_wait3A_1046 = arith.constant 0 : i32
      %dma_wait3A_1047 = tpu.memref_slice %arg16[%dma_wait3A_1045, %dma_wait3A_1046] : memref<10240x32xf32, #tpu.memory_space<vmem_shared>> -> memref<10240x32xf32, #tpu.memory_space<vmem_shared>>
      tpu.wait_indirect_dma semaphore(%arg19 : memref<!tpu.dma_semaphore, #tpu.memory_space<semaphore_mem>>) src(%dma_wait3A_1041 : memref<80x32xf32, #tpu.memory_space<vmem>>) dst(%dma_wait3A_1047 : memref<10240x32xf32, #tpu.memory_space<vmem_shared>>)
      %dma_wait3A_1048 = arith.constant 23 : i32
      %dma_wait3A_1049 = arith.constant 23 : i32
      %dma_wait3A_1050 = arith.constant 0 : i32
      %dma_wait3A_1051 = tpu.memref_slice %arg13[%dma_wait3A_1048, %dma_wait3A_1050] : memref<25x80xf32, #tpu.memory_space<vmem>> -> memref<1x80xf32, #tpu.memory_space<vmem>>
      %dma_wait3A_1052 = tpu.memref_squeeze %dma_wait3A_1051 : memref<1x80xf32, #tpu.memory_space<vmem>> -> memref<80xf32, #tpu.memory_space<vmem>>
      %dma_wait3A_1053 = arith.constant 0 : i32
      %dma_wait3A_1054 = tpu.memref_slice %arg12[%dma_wait3A_1049, %dma_wait3A_1053] : memref<25x80xi32, #tpu.memory_space<vmem>> -> memref<1x80xi32, #tpu.memory_space<vmem>>
      %dma_wait3A_1055 = tpu.memref_squeeze %dma_wait3A_1054 : memref<1x80xi32, #tpu.memory_space<vmem>> -> memref<80xi32, #tpu.memory_space<vmem>>
      %dma_wait3A_1056 = arith.constant 0 : i32
      %dma_wait3A_1057 = tpu.memref_slice %arg17[%dma_wait3A_1056] : memref<10240xf32, #tpu.memory_space<vmem_shared>> -> memref<10240xf32, #tpu.memory_space<vmem_shared>>
      tpu.wait_indirect_dma semaphore(%arg19 : memref<!tpu.dma_semaphore, #tpu.memory_space<semaphore_mem>>) src(%dma_wait3A_1052 : memref<80xf32, #tpu.memory_space<vmem>>) dst(%dma_wait3A_1057 : memref<10240xf32, #tpu.memory_space<vmem_shared>>)
      %dma_wait3A_1058 = arith.constant 24 : i32
      %dma_wait3A_1059 = arith.constant 1920 : i32
      %dma_wait3A_1060 = arith.constant 0 : i32
      %dma_wait3A_1061 = tpu.memref_slice %arg14[%dma_wait3A_1059, %dma_wait3A_1060] : memref<2000x32xf32, #tpu.memory_space<vmem>> -> memref<80x32xf32, #tpu.memory_space<vmem>>
      %dma_wait3A_1062 = arith.constant 0 : i32
      %dma_wait3A_1063 = tpu.memref_slice %arg12[%dma_wait3A_1058, %dma_wait3A_1062] : memref<25x80xi32, #tpu.memory_space<vmem>> -> memref<1x80xi32, #tpu.memory_space<vmem>>
      %dma_wait3A_1064 = tpu.memref_squeeze %dma_wait3A_1063 : memref<1x80xi32, #tpu.memory_space<vmem>> -> memref<80xi32, #tpu.memory_space<vmem>>
      %dma_wait3A_1065 = arith.constant 0 : i32
      %dma_wait3A_1066 = arith.constant 0 : i32
      %dma_wait3A_1067 = tpu.memref_slice %arg16[%dma_wait3A_1065, %dma_wait3A_1066] : memref<10240x32xf32, #tpu.memory_space<vmem_shared>> -> memref<10240x32xf32, #tpu.memory_space<vmem_shared>>
      tpu.wait_indirect_dma semaphore(%arg19 : memref<!tpu.dma_semaphore, #tpu.memory_space<semaphore_mem>>) src(%dma_wait3A_1061 : memref<80x32xf32, #tpu.memory_space<vmem>>) dst(%dma_wait3A_1067 : memref<10240x32xf32, #tpu.memory_space<vmem_shared>>)
      %dma_wait3A_1068 = arith.constant 24 : i32
      %dma_wait3A_1069 = arith.constant 24 : i32
      %dma_wait3A_1070 = arith.constant 0 : i32
      %dma_wait3A_1071 = tpu.memref_slice %arg13[%dma_wait3A_1068, %dma_wait3A_1070] : memref<25x80xf32, #tpu.memory_space<vmem>> -> memref<1x80xf32, #tpu.memory_space<vmem>>
      %dma_wait3A_1072 = tpu.memref_squeeze %dma_wait3A_1071 : memref<1x80xf32, #tpu.memory_space<vmem>> -> memref<80xf32, #tpu.memory_space<vmem>>
      %dma_wait3A_1073 = arith.constant 0 : i32
      %dma_wait3A_1074 = tpu.memref_slice %arg12[%dma_wait3A_1069, %dma_wait3A_1073] : memref<25x80xi32, #tpu.memory_space<vmem>> -> memref<1x80xi32, #tpu.memory_space<vmem>>
      %dma_wait3A_1075 = tpu.memref_squeeze %dma_wait3A_1074 : memref<1x80xi32, #tpu.memory_space<vmem>> -> memref<80xi32, #tpu.memory_space<vmem>>
      %dma_wait3A_1076 = arith.constant 0 : i32
      %dma_wait3A_1077 = tpu.memref_slice %arg17[%dma_wait3A_1076] : memref<10240xf32, #tpu.memory_space<vmem_shared>> -> memref<10240xf32, #tpu.memory_space<vmem_shared>>
      tpu.wait_indirect_dma semaphore(%arg19 : memref<!tpu.dma_semaphore, #tpu.memory_space<semaphore_mem>>) src(%dma_wait3A_1072 : memref<80xf32, #tpu.memory_space<vmem>>) dst(%dma_wait3A_1077 : memref<10240xf32, #tpu.memory_space<vmem_shared>>)
    }
    %scan3A_22 = arith.constant 5 : i32
    %barrier3A_23 = arith.constant 0 : index
    tpu.barrier barrier_id(%barrier3A_23)
    %mul3A_24 = arith.constant 640 : i32
    %mul3A_25 = arith.muli %arg1, %mul3A_24 : i32
    "tpu.region"() ({
      %run_scoped3A = tpu.sem_alloc : memref<!tpu.dma_semaphore, #tpu.memory_space<semaphore_mem>>
      %dma_start3A = arith.constant 0 : i32
      %dma_start3A_32 = arith.constant 0 : i32
      %dma_start3A_33 = tpu.memref_slice %arg14[%dma_start3A, %dma_start3A_32] : memref<2000x32xf32, #tpu.memory_space<vmem>> -> memref<640x32xf32, #tpu.memory_space<vmem>>
      %dma_start3A_34 = arith.constant 0 : i32
      %dma_start3A_35 = tpu.memref_slice %arg16[%mul3A_25, %dma_start3A_34] : memref<10240x32xf32, #tpu.memory_space<vmem_shared>> -> memref<640x32xf32, #tpu.memory_space<vmem_shared>>
      %dma_start3A_36 = arith.constant 0 : i32
      %dma_start3A_37 = arith.constant 0 : i32
      %dma_start3A_38 = tpu.memref_slice %arg14[%dma_start3A_36, %dma_start3A_37] : memref<2000x32xf32, #tpu.memory_space<vmem>> -> memref<640x32xf32, #tpu.memory_space<vmem>>
      %dma_start3A_39 = arith.constant 0 : i32
      %dma_start3A_40 = tpu.memref_slice %arg16[%mul3A_25, %dma_start3A_39] : memref<10240x32xf32, #tpu.memory_space<vmem_shared>> -> memref<640x32xf32, #tpu.memory_space<vmem_shared>>
      tpu.enqueue_dma source(%dma_start3A_40 : memref<640x32xf32, #tpu.memory_space<vmem_shared>>) target(%dma_start3A_38 : memref<640x32xf32, #tpu.memory_space<vmem>>) target_semaphore(%run_scoped3A : memref<!tpu.dma_semaphore, #tpu.memory_space<semaphore_mem>>)
      %dma_wait3A = arith.constant 0 : i32
      %dma_wait3A_41 = arith.constant 0 : i32
      %dma_wait3A_42 = tpu.memref_slice %arg14[%dma_wait3A, %dma_wait3A_41] : memref<2000x32xf32, #tpu.memory_space<vmem>> -> memref<640x32xf32, #tpu.memory_space<vmem>>
      %dma_wait3A_43 = arith.constant 0 : i32
      %dma_wait3A_44 = tpu.memref_slice %arg16[%mul3A_25, %dma_wait3A_43] : memref<10240x32xf32, #tpu.memory_space<vmem_shared>> -> memref<640x32xf32, #tpu.memory_space<vmem_shared>>
      %dma_wait3A_45 = arith.constant 0 : i32
      %dma_wait3A_46 = arith.constant 0 : i32
      %dma_wait3A_47 = tpu.memref_slice %arg14[%dma_wait3A_45, %dma_wait3A_46] : memref<2000x32xf32, #tpu.memory_space<vmem>> -> memref<640x32xf32, #tpu.memory_space<vmem>>
      %dma_wait3A_48 = arith.constant 0 : i32
      %dma_wait3A_49 = tpu.memref_slice %arg16[%mul3A_25, %dma_wait3A_48] : memref<10240x32xf32, #tpu.memory_space<vmem_shared>> -> memref<640x32xf32, #tpu.memory_space<vmem_shared>>
      tpu.wait_dma2 semaphore(%run_scoped3A : memref<!tpu.dma_semaphore, #tpu.memory_space<semaphore_mem>>) src(%dma_wait3A_49 : memref<640x32xf32, #tpu.memory_space<vmem_shared>>) dst(%dma_wait3A_47 : memref<640x32xf32, #tpu.memory_space<vmem>>)
      tpu.yield
    }) : () -> ()
    %mul3A_26 = arith.constant 640 : i32
    %mul3A_27 = arith.muli %arg1, %mul3A_26 : i32
    "tpu.region"() ({
      %run_scoped3A = tpu.sem_alloc : memref<!tpu.dma_semaphore, #tpu.memory_space<semaphore_mem>>
      %dma_start3A = arith.constant 0 : i32
      %dma_start3A_32 = arith.constant 0 : i32
      %dma_start3A_33 = tpu.memref_slice %arg14[%dma_start3A, %dma_start3A_32] : memref<2000x32xf32, #tpu.memory_space<vmem>> -> memref<640x32xf32, #tpu.memory_space<vmem>>
      %dma_start3A_34 = arith.constant 0 : i32
      %dma_start3A_35 = tpu.memref_slice %arg7[%arg0, %mul3A_27, %dma_start3A_34] : memref<2x10240x32xf32, #tpu.memory_space<hbm>> -> memref<1x640x32xf32, #tpu.memory_space<hbm>>
      %dma_start3A_36 = tpu.memref_squeeze %dma_start3A_35 : memref<1x640x32xf32, #tpu.memory_space<hbm>> -> memref<640x32xf32, #tpu.memory_space<hbm>>
      %dma_start3A_37 = arith.constant 0 : i32
      %dma_start3A_38 = tpu.memref_slice %arg7[%arg0, %mul3A_27, %dma_start3A_37] : memref<2x10240x32xf32, #tpu.memory_space<hbm>> -> memref<1x640x32xf32, #tpu.memory_space<hbm>>
      %dma_start3A_39 = tpu.memref_squeeze %dma_start3A_38 : memref<1x640x32xf32, #tpu.memory_space<hbm>> -> memref<640x32xf32, #tpu.memory_space<hbm>>
      %dma_start3A_40 = arith.constant 0 : i32
      %dma_start3A_41 = arith.constant 0 : i32
      %dma_start3A_42 = tpu.memref_slice %arg14[%dma_start3A_40, %dma_start3A_41] : memref<2000x32xf32, #tpu.memory_space<vmem>> -> memref<640x32xf32, #tpu.memory_space<vmem>>
      tpu.enqueue_dma source(%dma_start3A_42 : memref<640x32xf32, #tpu.memory_space<vmem>>) target(%dma_start3A_39 : memref<640x32xf32, #tpu.memory_space<hbm>>) target_semaphore(%run_scoped3A : memref<!tpu.dma_semaphore, #tpu.memory_space<semaphore_mem>>)
      %dma_wait3A = arith.constant 0 : i32
      %dma_wait3A_43 = arith.constant 0 : i32
      %dma_wait3A_44 = tpu.memref_slice %arg14[%dma_wait3A, %dma_wait3A_43] : memref<2000x32xf32, #tpu.memory_space<vmem>> -> memref<640x32xf32, #tpu.memory_space<vmem>>
      %dma_wait3A_45 = arith.constant 0 : i32
      %dma_wait3A_46 = tpu.memref_slice %arg7[%arg0, %mul3A_27, %dma_wait3A_45] : memref<2x10240x32xf32, #tpu.memory_space<hbm>> -> memref<1x640x32xf32, #tpu.memory_space<hbm>>
      %dma_wait3A_47 = tpu.memref_squeeze %dma_wait3A_46 : memref<1x640x32xf32, #tpu.memory_space<hbm>> -> memref<640x32xf32, #tpu.memory_space<hbm>>
      %dma_wait3A_48 = arith.constant 0 : i32
      %dma_wait3A_49 = tpu.memref_slice %arg7[%arg0, %mul3A_27, %dma_wait3A_48] : memref<2x10240x32xf32, #tpu.memory_space<hbm>> -> memref<1x640x32xf32, #tpu.memory_space<hbm>>
      %dma_wait3A_50 = tpu.memref_squeeze %dma_wait3A_49 : memref<1x640x32xf32, #tpu.memory_space<hbm>> -> memref<640x32xf32, #tpu.memory_space<hbm>>
      %dma_wait3A_51 = arith.constant 0 : i32
      %dma_wait3A_52 = arith.constant 0 : i32
      %dma_wait3A_53 = tpu.memref_slice %arg14[%dma_wait3A_51, %dma_wait3A_52] : memref<2000x32xf32, #tpu.memory_space<vmem>> -> memref<640x32xf32, #tpu.memory_space<vmem>>
      tpu.wait_dma2 semaphore(%run_scoped3A : memref<!tpu.dma_semaphore, #tpu.memory_space<semaphore_mem>>) src(%dma_wait3A_53 : memref<640x32xf32, #tpu.memory_space<vmem>>) dst(%dma_wait3A_50 : memref<640x32xf32, #tpu.memory_space<hbm>>)
      tpu.yield
    }) : () -> ()
    %mul3A_28 = arith.constant 640 : i32
    %mul3A_29 = arith.muli %arg1, %mul3A_28 : i32
    "tpu.region"() ({
      %run_scoped3A = tpu.sem_alloc : memref<!tpu.dma_semaphore, #tpu.memory_space<semaphore_mem>>
      %dma_start3A = tpu.memref_slice %arg17[%mul3A_29] : memref<10240xf32, #tpu.memory_space<vmem_shared>> -> memref<640xf32, #tpu.memory_space<vmem_shared>>
      %dma_start3A_32 = tpu.memref_slice %arg17[%mul3A_29] : memref<10240xf32, #tpu.memory_space<vmem_shared>> -> memref<640xf32, #tpu.memory_space<vmem_shared>>
      tpu.enqueue_dma source(%dma_start3A_32 : memref<640xf32, #tpu.memory_space<vmem_shared>>) target(%arg15 : memref<640xf32, #tpu.memory_space<vmem>>) target_semaphore(%run_scoped3A : memref<!tpu.dma_semaphore, #tpu.memory_space<semaphore_mem>>)
      %dma_wait3A = tpu.memref_slice %arg17[%mul3A_29] : memref<10240xf32, #tpu.memory_space<vmem_shared>> -> memref<640xf32, #tpu.memory_space<vmem_shared>>
      %dma_wait3A_33 = tpu.memref_slice %arg17[%mul3A_29] : memref<10240xf32, #tpu.memory_space<vmem_shared>> -> memref<640xf32, #tpu.memory_space<vmem_shared>>
      tpu.wait_dma2 semaphore(%run_scoped3A : memref<!tpu.dma_semaphore, #tpu.memory_space<semaphore_mem>>) src(%dma_wait3A_33 : memref<640xf32, #tpu.memory_space<vmem_shared>>) dst(%arg15 : memref<640xf32, #tpu.memory_space<vmem>>)
      tpu.yield
    }) : () -> ()
    %mul3A_30 = arith.constant 640 : i32
    %mul3A_31 = arith.muli %arg1, %mul3A_30 : i32
    "tpu.region"() ({
      %run_scoped3A = tpu.sem_alloc : memref<!tpu.dma_semaphore, #tpu.memory_space<semaphore_mem>>
      %dma_start3A = tpu.memref_slice %arg8[%arg0, %mul3A_31] : memref<2x10240xf32, #tpu.memory_space<hbm>> -> memref<1x640xf32, #tpu.memory_space<hbm>>
      %dma_start3A_32 = tpu.memref_squeeze %dma_start3A : memref<1x640xf32, #tpu.memory_space<hbm>> -> memref<640xf32, #tpu.memory_space<hbm>>
      %dma_start3A_33 = tpu.memref_slice %arg8[%arg0, %mul3A_31] : memref<2x10240xf32, #tpu.memory_space<hbm>> -> memref<1x640xf32, #tpu.memory_space<hbm>>
      %dma_start3A_34 = tpu.memref_squeeze %dma_start3A_33 : memref<1x640xf32, #tpu.memory_space<hbm>> -> memref<640xf32, #tpu.memory_space<hbm>>
      tpu.enqueue_dma source(%arg15 : memref<640xf32, #tpu.memory_space<vmem>>) target(%dma_start3A_34 : memref<640xf32, #tpu.memory_space<hbm>>) target_semaphore(%run_scoped3A : memref<!tpu.dma_semaphore, #tpu.memory_space<semaphore_mem>>)
      %dma_wait3A = tpu.memref_slice %arg8[%arg0, %mul3A_31] : memref<2x10240xf32, #tpu.memory_space<hbm>> -> memref<1x640xf32, #tpu.memory_space<hbm>>
      %dma_wait3A_35 = tpu.memref_squeeze %dma_wait3A : memref<1x640xf32, #tpu.memory_space<hbm>> -> memref<640xf32, #tpu.memory_space<hbm>>
      %dma_wait3A_36 = tpu.memref_slice %arg8[%arg0, %mul3A_31] : memref<2x10240xf32, #tpu.memory_space<hbm>> -> memref<1x640xf32, #tpu.memory_space<hbm>>
      %dma_wait3A_37 = tpu.memref_squeeze %dma_wait3A_36 : memref<1x640xf32, #tpu.memory_space<hbm>> -> memref<640xf32, #tpu.memory_space<hbm>>
      tpu.wait_dma2 semaphore(%run_scoped3A : memref<!tpu.dma_semaphore, #tpu.memory_space<semaphore_mem>>) src(%arg15 : memref<640xf32, #tpu.memory_space<vmem>>) dst(%dma_wait3A_37 : memref<640xf32, #tpu.memory_space<hbm>>)
      tpu.yield
    }) : () -> ()
    return
  }
}

module attributes {stable_mosaic.version = 14 : i64} {
  func.func @_tc_pre_body(%arg0: memref<10000x128xf32, #tpu.memory_space<vmem>>, %arg1: memref<128x128xf32, #tpu.memory_space<vmem>>, %arg2: memref<128xf32, #tpu.memory_space<vmem>>, %arg3: memref<128x32xf32, #tpu.memory_space<vmem>>, %arg4: memref<32xf32, #tpu.memory_space<vmem>>, %arg5: memref<128x32xf32, #tpu.memory_space<vmem>>, %arg6: memref<32x2xf32, #tpu.memory_space<vmem>>, %arg7: memref<10000x32xf32, #tpu.memory_space<vmem>>, %arg8: memref<10000x32xf32, #tpu.memory_space<vmem>>, %arg9: memref<10000x2xf32, #tpu.memory_space<vmem>>) attributes {dimension_semantics = [], scalar_prefetch = 0 : i64, scratch_operands = 0 : i64, tpu.core_type = #tpu.core_type<tc>} {
    %get3A = arith.constant 0 : index
    %get3A_0 = arith.constant 0 : index
    %get3A_1 = vector.load %arg0[%get3A, %get3A_0] : memref<10000x128xf32, #tpu.memory_space<vmem>>, vector<10000x128xf32>
    %get3A_2 = arith.constant 0 : index
    %get3A_3 = arith.constant 0 : index
    %get3A_4 = vector.load %arg1[%get3A_2, %get3A_3] : memref<128x128xf32, #tpu.memory_space<vmem>>, vector<128x128xf32>
    %dot_general3A = arith.constant dense<0.000000e+00> : vector<10000x128xf32>
    %dot_general3A_5 = tpu.matmul %get3A_1, %get3A_4, %dot_general3A {dimension_numbers = #tpu.dot_dimension_numbers<[1], [0], [0], [1], [0, 0, 1, 1], [], []>, transpose_lhs_hint = false} : vector<10000x128xf32>, vector<128x128xf32>, vector<10000x128xf32> -> vector<10000x128xf32>
    %get3A_6 = arith.constant 0 : index
    %get3A_7 = vector.load %arg2[%get3A_6] : memref<128xf32, #tpu.memory_space<vmem>>, vector<128xf32>
    %broadcast_in_dim3A = vector.shape_cast %get3A_7 : vector<128xf32> to vector<1x128xf32>
    %add3A = vector.broadcast %broadcast_in_dim3A : vector<1x128xf32> to vector<10000x128xf32>
    %add3A_8 = arith.addf %dot_general3A_5, %add3A : vector<10000x128xf32>
    %max3A = arith.constant 0.000000e+00 : f32
    %max3A_9 = vector.broadcast %max3A : f32 to vector<10000x128xf32>
    %max3A_10 = arith.maximumf %add3A_8, %max3A_9 : vector<10000x128xf32>
    %get3A_11 = arith.constant 0 : index
    %get3A_12 = arith.constant 0 : index
    %get3A_13 = vector.load %arg3[%get3A_11, %get3A_12] : memref<128x32xf32, #tpu.memory_space<vmem>>, vector<128x32xf32>
    %dot_general3A_14 = arith.constant dense<0.000000e+00> : vector<10000x32xf32>
    %dot_general3A_15 = tpu.matmul %max3A_10, %get3A_13, %dot_general3A_14 {dimension_numbers = #tpu.dot_dimension_numbers<[1], [0], [0], [1], [0, 0, 1, 1], [], []>, transpose_lhs_hint = false} : vector<10000x128xf32>, vector<128x32xf32>, vector<10000x32xf32> -> vector<10000x32xf32>
    %get3A_16 = arith.constant 0 : index
    %get3A_17 = vector.load %arg4[%get3A_16] : memref<32xf32, #tpu.memory_space<vmem>>, vector<32xf32>
    %broadcast_in_dim3A_18 = vector.shape_cast %get3A_17 : vector<32xf32> to vector<1x32xf32>
    %add3A_19 = vector.broadcast %broadcast_in_dim3A_18 : vector<1x32xf32> to vector<10000x32xf32>
    %add3A_20 = arith.addf %dot_general3A_15, %add3A_19 : vector<10000x32xf32>
    %swap3A = arith.constant 0 : index
    %swap3A_21 = arith.constant 0 : index
    %swap3A_22 = vector.load %arg7[%swap3A, %swap3A_21] : memref<10000x32xf32, #tpu.memory_space<vmem>>, vector<10000x32xf32>
    tpu.vector_store %arg7[%swap3A, %swap3A_21], %add3A_20 {strides = array<i32>} : memref<10000x32xf32, #tpu.memory_space<vmem>>, vector<10000x32xf32>,
    %get3A_23 = arith.constant 0 : index
    %get3A_24 = arith.constant 0 : index
    %get3A_25 = vector.load %arg5[%get3A_23, %get3A_24] : memref<128x32xf32, #tpu.memory_space<vmem>>, vector<128x32xf32>
    %dot_general3A_26 = arith.constant dense<0.000000e+00> : vector<10000x32xf32>
    %dot_general3A_27 = tpu.matmul %get3A_1, %get3A_25, %dot_general3A_26 {dimension_numbers = #tpu.dot_dimension_numbers<[1], [0], [0], [1], [0, 0, 1, 1], [], []>, transpose_lhs_hint = false} : vector<10000x128xf32>, vector<128x32xf32>, vector<10000x32xf32> -> vector<10000x32xf32>
    %swap3A_28 = arith.constant 0 : index
    %swap3A_29 = arith.constant 0 : index
    %swap3A_30 = vector.load %arg8[%swap3A_28, %swap3A_29] : memref<10000x32xf32, #tpu.memory_space<vmem>>, vector<10000x32xf32>
    tpu.vector_store %arg8[%swap3A_28, %swap3A_29], %dot_general3A_27 {strides = array<i32>} : memref<10000x32xf32, #tpu.memory_space<vmem>>, vector<10000x32xf32>,
    %get3A_31 = arith.constant 0 : index
    %get3A_32 = arith.constant 0 : index
    %get3A_33 = vector.load %arg6[%get3A_31, %get3A_32] : memref<32x2xf32, #tpu.memory_space<vmem>>, vector<32x2xf32>
    %dot_general3A_34 = arith.constant dense<0.000000e+00> : vector<10000x2xf32>
    %dot_general3A_35 = tpu.matmul %dot_general3A_27, %get3A_33, %dot_general3A_34 {dimension_numbers = #tpu.dot_dimension_numbers<[1], [0], [0], [1], [0, 0, 1, 1], [], []>, transpose_lhs_hint = false} : vector<10000x32xf32>, vector<32x2xf32>, vector<10000x2xf32> -> vector<10000x2xf32>
    %swap3A_36 = arith.constant 0 : index
    %swap3A_37 = arith.constant 0 : index
    %swap3A_38 = vector.load %arg9[%swap3A_36, %swap3A_37] : memref<10000x2xf32, #tpu.memory_space<vmem>>, vector<10000x2xf32>
    tpu.vector_store %arg9[%swap3A_36, %swap3A_37], %dot_general3A_35 {strides = array<i32>} : memref<10000x2xf32, #tpu.memory_space<vmem>>, vector<10000x2xf32>,
    return
  }
}

module attributes {stable_mosaic.version = 14 : i64} {
  func.func @_tc_post_body(%arg0: memref<10000x32xf32, #tpu.memory_space<vmem>>, %arg1: memref<2x10000x32xf32, #tpu.memory_space<vmem>>, %arg2: memref<10000x2xf32, #tpu.memory_space<vmem>>, %arg3: memref<32xf32, #tpu.memory_space<vmem>>, %arg4: memref<32x128xf32, #tpu.memory_space<vmem>>, %arg5: memref<128xf32, #tpu.memory_space<vmem>>, %arg6: memref<10000x128xf32, #tpu.memory_space<vmem>>) attributes {dimension_semantics = [], scalar_prefetch = 0 : i64, scratch_operands = 0 : i64, tpu.core_type = #tpu.core_type<tc>} {
    %get3A = arith.constant 0 : index
    %get3A_0 = arith.constant 0 : index
    %get3A_1 = arith.constant 0 : index
    %get3A_2 = vector.load %arg1[%get3A, %get3A_0, %get3A_1] : memref<2x10000x32xf32, #tpu.memory_space<vmem>>, vector<1x10000x32xf32>
    %get3A_3 = vector.shape_cast %get3A_2 : vector<1x10000x32xf32> to vector<10000x32xf32>
    %get3A_4 = arith.constant 1 : index
    %get3A_5 = arith.constant 0 : index
    %get3A_6 = arith.constant 0 : index
    %get3A_7 = vector.load %arg1[%get3A_4, %get3A_5, %get3A_6] : memref<2x10000x32xf32, #tpu.memory_space<vmem>>, vector<1x10000x32xf32>
    %get3A_8 = vector.shape_cast %get3A_7 : vector<1x10000x32xf32> to vector<10000x32xf32>
    %add3A = arith.addf %get3A_3, %get3A_8 : vector<10000x32xf32>
    %get3A_9 = arith.constant 0 : index
    %get3A_10 = arith.constant 0 : index
    %get3A_11 = vector.load %arg2[%get3A_9, %get3A_10] : memref<10000x2xf32, #tpu.memory_space<vmem>>, vector<10000x2xf32>
    %slice3A = vector.extract_strided_slice %get3A_11 {offsets = [0, 0], sizes = [10000, 1], strides = [1, 1]} : vector<10000x2xf32> to vector<10000x1xf32>
    %slice3A_12 = vector.extract_strided_slice %get3A_11 {offsets = [0, 1], sizes = [10000, 1], strides = [1, 1]} : vector<10000x2xf32> to vector<10000x1xf32>
    %add3A_13 = arith.addf %slice3A, %slice3A_12 : vector<10000x1xf32>
    %add3A_14 = arith.constant 1.000000e-16 : f32
    %add3A_15 = vector.broadcast %add3A_14 : f32 to vector<10000x1xf32>
    %add3A_16 = arith.addf %add3A_13, %add3A_15 : vector<10000x1xf32>
    %div3A = vector.broadcast %add3A_16 : vector<10000x1xf32> to vector<10000x32xf32>
    %div3A_17 = arith.divf %add3A, %div3A : vector<10000x32xf32>
    %get3A_18 = arith.constant 0 : index
    %get3A_19 = vector.load %arg3[%get3A_18] : memref<32xf32, #tpu.memory_space<vmem>>, vector<32xf32>
    %broadcast_in_dim3A = vector.shape_cast %get3A_19 : vector<32xf32> to vector<1x32xf32>
    %get3A_20 = arith.constant 0 : index
    %get3A_21 = arith.constant 0 : index
    %get3A_22 = vector.load %arg0[%get3A_20, %get3A_21] : memref<10000x32xf32, #tpu.memory_space<vmem>>, vector<10000x32xf32>
    %mul3A = vector.broadcast %broadcast_in_dim3A : vector<1x32xf32> to vector<10000x32xf32>
    %mul3A_23 = arith.mulf %get3A_22, %mul3A : vector<10000x32xf32>
    %sub3A = arith.constant 1.000000e+00 : f32
    %sub3A_24 = vector.broadcast %sub3A : f32 to vector<1x32xf32>
    %sub3A_25 = arith.subf %sub3A_24, %broadcast_in_dim3A : vector<1x32xf32>
    %mul3A_26 = vector.broadcast %sub3A_25 : vector<1x32xf32> to vector<10000x32xf32>
    %mul3A_27 = arith.mulf %div3A_17, %mul3A_26 : vector<10000x32xf32>
    %add3A_28 = arith.addf %mul3A_23, %mul3A_27 : vector<10000x32xf32>
    %get3A_29 = arith.constant 0 : index
    %get3A_30 = arith.constant 0 : index
    %get3A_31 = vector.load %arg4[%get3A_29, %get3A_30] : memref<32x128xf32, #tpu.memory_space<vmem>>, vector<32x128xf32>
    %dot_general3A = arith.constant dense<0.000000e+00> : vector<10000x128xf32>
    %dot_general3A_32 = tpu.matmul %add3A_28, %get3A_31, %dot_general3A {dimension_numbers = #tpu.dot_dimension_numbers<[1], [0], [0], [1], [0, 0, 1, 1], [], []>, transpose_lhs_hint = false} : vector<10000x32xf32>, vector<32x128xf32>, vector<10000x128xf32> -> vector<10000x128xf32>
    %get3A_33 = arith.constant 0 : index
    %get3A_34 = vector.load %arg5[%get3A_33] : memref<128xf32, #tpu.memory_space<vmem>>, vector<128xf32>
    %broadcast_in_dim3A_35 = vector.shape_cast %get3A_34 : vector<128xf32> to vector<1x128xf32>
    %add3A_36 = vector.broadcast %broadcast_in_dim3A_35 : vector<1x128xf32> to vector<10000x128xf32>
    %add3A_37 = arith.addf %dot_general3A_32, %add3A_36 : vector<10000x128xf32>
    %max3A = arith.constant 0.000000e+00 : f32
    %max3A_38 = vector.broadcast %max3A : f32 to vector<10000x128xf32>
    %max3A_39 = arith.maximumf %add3A_37, %max3A_38 : vector<10000x128xf32>
    %swap3A = arith.constant 0 : index
    %swap3A_40 = arith.constant 0 : index
    %swap3A_41 = vector.load %arg6[%swap3A, %swap3A_40] : memref<10000x128xf32, #tpu.memory_space<vmem>>, vector<10000x128xf32>
    tpu.vector_store %arg6[%swap3A, %swap3A_40], %max3A_39 {strides = array<i32>} : memref<10000x128xf32, #tpu.memory_space<vmem>>, vector<10000x128xf32>,
    return
  }
}

</mosaic_0001>

<sc_bundles>
// kernel: kernel.5.cloned.1.call-start
scs
__scs_entry_jumppad:
0x0: {  	(pc) =	sbr.rel $0x88, $3  }
0x1: {  	(tag) =	ssettag $0x0;
	lr =	simm.s32 $0x1  }
0x2: {  	[smem:$0x3F95] =	sst lr;
	_ =	strace $0xD0000000  }
0x3: {  	_ = 	snop  }
0x4: {  	_ = 	snop  }
0x5: {  	_ = 	snop  }
0x6: {  	_ = 	snop  }
0x7: {  	_ = 	snop  }
__scs_overlays_trampoline_lowered:
0x8: {  	[smem:$0x3FA4] =	sst s0  }
0x9: {  	[smem:$0x3FA5] =	sst s1  }
0xa: {  	[smem:$0x3FA6] =	sst s2  }
0xb: {  	[smem:$0x3FA7] =	sst s3  }
0xc: {  	[smem:$0x3FA8] =	sst s4  }
0xd: {  	[smem:$0x3FA9] =	sst s5  }
0xe: {  	[smem:$0x3FAA] =	sst s6  }
0xf: {  	[smem:$0x3FAB] =	sst s7  }
0x10: {  	[smem:$0x3FAC] =	sst s8  }
0x11: {  	[smem:$0x3FAD] =	sst s9;
	s0 =	simm.s32 @!p0 $0x0  }
0x12: {  	s1 =	sld [smem:$0x3F93];
	s0 =	simm.s32 @p0 $0x1  }
0x13: {  	[smem:$0x3FAE] =	sst s0;
	s0 =	simm.s32 @!p1 $0x0  }
0x14: {  	s2 =	sld [smem:$0x3F92];
	s0 =	simm.s32 @p1 $0x1  }
0x15: {  	[smem:$0x3FAF] =	sst s0;
	s0 =	simm.s32 @!p2 $0x0  }
0x16: {  	s3 =	sld [smem:$0x3FDB];
	s0 =	simm.s32 @p2 $0x1  }
0x17: {  	s4 =	simm.s32 $0x1BF5;
	[smem:$0x3FB1] =	sst s0  }
0x18: {  	s0 =	sld [smem:$0x3F94];
	_ =	swait.ge [sflag:s4], $0x0  }
0x19: {  	s7 =	sld [smem:$0x3F95]  }
0x1a: {  	s8 =	sadd.s32 $0xFFFFE003, lr  }
0x1b: {  	s9 =	sadd.s32 $0xFFFFFEF7, lr;
	s5 =	simm.s32 $0xFFFFFFFF;
	p2 =	slt.u32 s8, $0xFFFFF086  }
0x1c: {  	p1 =	slt.u32 s9, $0xF7A;
	s5 =	simm.s32 @!p2 $0x0  }
0x1d: {  	s5 =	simm.s32 @p1 $0x1;
	p0 =	seq.s32 s7, s2  }
0x1e: {  	s7 =	smul.u32 @!p0 $0xF7A, s2;
	p2 =	seq.s32 @!p0 s5, $0x0  }
0x1f: {  	s9 =	smul.u32 $0xF7A, s1;
	s8 =	simm.s32 @!p0 $0x1BF5;
	p2 =	por !p2, p0  }
0x20: {  	[sflag:s8] =	ssyncset.s32 @!p0 $0xFFFFF086;
	s6 =	sadd.s32 @!p0 s3, s7;
	s7 =	simm.s32 @!p0 $0x108  }
0x21: {  	s3 =	sadd.s32 s3, s9;
	s6 =	sadd.s32 @!p0 $0x88, s6;
	s7 =	simm.s32 @p2 $0x1082  }
0x22: {  	[simem:s7], [sflag:s8] =	dma.local @!p0 [hbm:s6], $0xF7A  }
0x23: {  	s9 =	sor.u32 $0xD0000000, s2;
	s6 =	simm.s32 $0x108;
	_ =	swait.ge @!p0 [sflag:s8], $0x0  }
0x24: {  	s3 =	sadd.s32 $0x88, s3;
	s6 =	simm.s32 @!p1 $0x1082;
	[sflag:s4] =	ssyncset.s32 $0xFFFFF086  }
0x25: {  	[simem:s6], [sflag:s4] =	dma.local [hbm:s3], $0xF7A  }
0x26: {  	[smem:$0x3F95] =	sst s1;
	(tag) =	ssettag s2;
	_ =	strace s9  }
0x27: {  	s1 =	sld [smem:$0x3FA5]  }
0x28: {  	s2 =	sld [smem:$0x3FA6]  }
0x29: {  	s4 =	sld [smem:$0x3FA8]  }
0x2a: {  	p0 =	seq.s32 s5, $0x0;
	s5 =	sld [smem:$0x3FA9]  }
0x2b: {  	s6 =	sld [smem:$0x3FAA]  }
0x2c: {  	s7 =	sld [smem:$0x3FAB]  }
0x2d: {  	s3 =	simm.s32 $0x108;
	s8 =	sld [smem:$0x3FAC]  }
0x2e: {  	s3 =	simm.s32 @!p0 $0x1082;
	s9 =	sld [smem:$0x3FAD]  }
0x2f: {  	lr =	sadd.s32 s0, s3;
	s0 =	sld [smem:$0x3FA4]  }
0x30: {  	s3 =	sld [smem:$0x3FA7]  }
0x31: {  	[smem:$0x3FB0] =	sst s10  }
0x32: {  	s10 =	sld [smem:$0x3FAE];
	_ =	sdelay $0x3  }
0x33: {  	p0 =	seq.s32 s10, $0x1;
	s10 =	sld [smem:$0x3FB0];
	_ =	sdelay $0x3  }
0x34: {  	[smem:$0x3FB0] =	sst s10  }
0x35: {  	s10 =	sld [smem:$0x3FAF];
	_ =	sdelay $0x3  }
0x36: {  	p1 =	seq.s32 s10, $0x1;
	s10 =	sld [smem:$0x3FB0];
	_ =	sdelay $0x3  }
0x37: {  	[smem:$0x3FB0] =	sst s10  }
0x38: {  	s10 =	sld [smem:$0x3FB1]  }
0x39: {  	_ = 	snop;
	(pc) =	sbr.ind lr, $3  }
0x3a: {  	_ = 	snop  }
0x3b: {  	_ = 	snop  }
0x3c: {  	p2 =	seq.s32 s10, $0x1;
	s10 =	sld [smem:$0x3FB0]  }
0x3d: {  	_ =	shalt  }
0x3e: {  	_ =	shalt  }
0x3f: {  	_ =	shalt  }
0x40: {  	_ =	shalt  }
0x41: {  	_ =	shalt  }
0x42: {  	_ =	shalt  }
0x43: {  	_ =	shalt  }
0x44: {  	_ =	shalt  }
0x45: {  	_ =	shalt  }
0x46: {  	_ =	shalt  }
0x47: {  	_ =	shalt  }
0x48: {  	_ =	shalt  }
0x49: {  	_ =	shalt  }
0x4a: {  	_ =	shalt  }
0x4b: {  	_ =	shalt  }
0x4c: {  	_ =	shalt  }
0x4d: {  	_ =	shalt  }
0x4e: {  	_ =	shalt  }
0x4f: {  	_ =	shalt  }
0x50: {  	_ =	shalt  }
0x51: {  	_ =	shalt  }
0x52: {  	_ =	shalt  }
0x53: {  	_ =	shalt  }
0x54: {  	_ =	shalt  }
0x55: {  	_ =	shalt  }
0x56: {  	_ =	shalt  }
0x57: {  	_ =	shalt  }
0x58: {  	_ =	shalt  }
0x59: {  	_ =	shalt  }
0x5a: {  	_ =	shalt  }
0x5b: {  	_ =	shalt  }
0x5c: {  	_ =	shalt  }
0x5d: {  	_ =	shalt  }
0x5e: {  	_ =	shalt  }
0x5f: {  	_ =	shalt  }
0x60: {  	_ =	shalt  }
0x61: {  	_ =	shalt  }
0x62: {  	_ =	shalt  }
0x63: {  	_ =	shalt  }
0x64: {  	_ =	shalt  }
0x65: {  	_ =	shalt  }
0x66: {  	_ =	shalt  }
0x67: {  	_ =	shalt  }
0x68: {  	_ =	shalt  }
0x69: {  	_ =	shalt  }
0x6a: {  	_ =	shalt  }
0x6b: {  	_ =	shalt  }
0x6c: {  	_ =	shalt  }
0x6d: {  	_ =	shalt  }
0x6e: {  	_ =	shalt  }
0x6f: {  	_ =	shalt  }
0x70: {  	_ =	shalt  }
0x71: {  	_ =	shalt  }
0x72: {  	_ =	shalt  }
0x73: {  	_ =	shalt  }
0x74: {  	_ =	shalt  }
0x75: {  	_ =	shalt  }
0x76: {  	_ =	shalt  }
0x77: {  	_ =	shalt  }
0x78: {  	_ =	shalt  }
0x79: {  	_ =	shalt  }
0x7a: {  	_ =	shalt  }
0x7b: {  	_ =	shalt  }
0x7c: {  	_ =	shalt  }
0x7d: {  	_ =	shalt  }
0x7e: {  	_ =	shalt  }
0x7f: {  	_ =	shalt  }
0x80: {  	_ =	shalt  }
0x81: {  	_ =	shalt  }
0x82: {  	_ =	shalt  }
0x83: {  	_ =	shalt  }
0x84: {  	_ =	shalt  }
0x85: {  	_ =	shalt  }
0x86: {  	_ =	shalt  }
0x87: {  	_ =	shalt  }
.Lfunc_end0:
.L_simem_size_0:
called_computation_lowered:
.L_overlay_start_0:
0x88: {  	s2 =	sld [smem:$0x3FD9]  }
0x89: {  	s3 =	sld [smem:$0x3FFE];
	_ =	sdelay $0x1  }
0x8a: {  	s1 =	srdreg.scid  }
0x8b: {  	s0 =	sand.u32 $0x1, s1  }
0x8c: {  	s17 =	sshll.u32 s0, $0xA;
	s2 =	sadd.s32 s3, s2  }
0x8d: {  	s2 =	sadd.s32 s2, s17  }
0x8e: {  	[smem:$0x3FBC] =	sst s2  }
0x8f: {  	_ = 	snop  }
0x90: {  	s2 =	sld [smem:$0x3FD0];
	(tm) =	ssettm $0x1  }
0x91: {  	s18 =	sld [smem:$0x3FFB];
	_ =	sdelay $0x3  }
0x92: {  	_ =	strace s18  }
0x93: {  	s3 =	sld [smem:$0x3FFC];
	_ =	sdelay $0x3  }
0x94: {  	_ =	strace s3  }
0x95: {  	s3 =	sld [smem:$0x3FFD];
	_ =	sdelay $0x3  }
0x96: {  	_ =	strace s3  }
0x97: {  	_ =	strace $0x8FFFFFFF  }
0x98: {  	s19 =	sld [smem:$0x3FDB];
	_ =	sdelay $0x1  }
0x99: {  	s4 =	simm.s32 $_scs_section_size  }
0x9a: {  	s5 =	simm.s32 $_size__tile_overlayer_lowered;
	s6 =	simm.s32 $_tile_overlayer_lowered  }
0x9b: {  	s22 =	simm.s32 $0x1BFF;
	s21 =	sshll.u32 s6, $0x1;
	s3 =	sadd.s32 s4, s19  }
0x9c: {  	s7 =	simm.s32 $0x0;
	s20 =	sshll.u32 s5, $0x1;
	s5 =	sadd.s32 s21, s3  }
0x9d: {  	[timem:s7], [sflag:s22] =	dma.local [hbm:s5], s20  }
0x9e: {  	_ =	swait.ge [sflag:s22], s20  }
0x9f: {  	s4 =	ssub.s32 $0x0, s20;
	[sflag:s22] =	ssyncset.done $0x0  }
0xa0: {  	[sflag:s22] =	ssyncadd.s32 s4;
	_ =	sdelay $0x1  }
0xa1: {  	s23 =	simm.s32 $0x1B8B  }
0xa2: {  	_ =	swait.ge [sflag:s23], $0x1  }
0xa3: {  	[sflag:s23] =	ssyncset.done $0x0  }
0xa4: {  	s25 =	simm.s32 $0x1B8E;
	s24 =	sld [smem:$0x3FFE];
	[sflag:s23] =	ssyncadd.s32 $0xFFFFFFFF  }
0xa5: {  	s26 =	simm.s32 $execute0_lowered;
	[smem:$0x3FD2] =	sst s25  }
0xa6: {  	s5 =	sshll.u32 s26, $0x1;
	_ =	strace $0x80000046;
	[dreg:$0x1] =	wrdreg $0xFFFFFFFF  }
0xa7: {  	s28 =	simm.s32 $_size_execute0_lowered;
	s3 =	sadd.s32 s3, s5;
	[dreg:$0x0] =	wrdreg $0x0  }
0xa8: {  	s5 =	sshll.u32 s28, $0x1;
	[dreg:$0x2] =	wrdreg s3  }
0xa9: {  	[dreg:$0x3] =	wrdreg s5  }
0xaa: {  	[dreg:$0x4] =	wrdreg $0xC0  }
0xab: {  	_ =	task [dreg:s7], $0x5FFFF  }
0xac: {  	[dreg:$0x1] =	wrdreg $0xFFFFFFFF  }
0xad: {  	[dreg:$0x0] =	wrdreg $0x60  }
0xae: {  	[dreg:$0x2] =	wrdreg s24  }
0xaf: {  	[dreg:$0x3] =	wrdreg s2  }
0xb0: {  	[dreg:$0x4] =	wrdreg $0x162100  }
0xb1: {  	[dreg:$0x5] =	wrdreg $0x1B2100  }
0xb2: {  	[dreg:$0x6] =	wrdreg $0x9  }
0xb3: {  	_ =	task.clear_ibuf [dreg:s7], $0x7FFFF;
	_ =	strace $0x90000046  }
0xb4: {  	s29 =	simm.s32 $0x9;
	_ =	strace $0x80000048  }
0xb5: {  	_ =	swait.ge [sflag:s29], $0x1  }
0xb6: {  	[sflag:s29] =	ssyncadd.s32 $0xFFFFFFFF  }
0xb7: {  	_ =	strace $0x90000048  }
0xb8: {  	_ =	sfence  }
0xb9: {  	s30 =	sld [smem:$0x0];
	_ =	sdelay $0x2  }
0xba: {  	s31 =	sshll.u32 s1, $0xD;
	s1 =	sshrl.u32 s1, $0x2  }
0xbb: {  	s3 =	sand.u32 $0x4000, s31;
	s1 =	sadd.s32 s1, s30  }
0xbc: {  	s0 =	sor.u32 s3, s0;
	s1 =	sshll.u32 s1, $0x11  }
0xbd: {  	s0 =	sor.u32 s1, s0  }
0xbe: {  	s0 =	sadd.s32 $0x8F2B, s0  }
0xbf: {  	[sflag:s0] =	ssyncadd.remote.s32 $0x1  }
0xc0: {  	_ =	sfence.sel $0xFFFF  }
0xc1: {  	[dreg:$0x0] =	wrdreg $0xFFFFFFFF;
	(pc) =	sbr.abs _section_cstart, $3  }
0xc2: {  	[dreg:$0x1] =	wrdreg $0xFFFFFFFF  }
0xc3: {  	_ =	task.clear_ibuf [dreg:s7], $0x2FFFF;
	_ =	strace $0x9FFFFFFF  }
0xc4: {  	(tm) =	ssettm $0x7FFFFFFF  }
0xc5: {  	_ =	shalt  }
tec
execute0_lowered:
.L_overlay_start_1:
0x0: {  	(tag) =	ssettag $0x1  }
0x1: {  	s0 =	rddreg [dreg:$0x0]  }
0x2: {  	s2 =	rddreg [dreg:$0x1]  }
0x3: {  	s1 =	rddreg [dreg:$0x2]  }
0x4: {  	s3 =	rddreg [dreg:$0x3]  }
0x5: {  	s13 =	simm.s32 $0x0;
	s4 =	srdreg.scid;
	s10 =	stileid.u32  }
0x6: {  	s28 =	simm.s32 $0x3;
	s16 =	simm.s32 $0x2710;
	s17 =	simm.s32 $0x6590  }
0x7: {  	s31 =	simm.s32 $0x15F90;
	s30 =	simm.s32 $0x58C0;
	s29 =	simm.s32 $0x5A00  }
0x8: {  	s12 =	simm.s32 $0x5A50;
	s14 =	simm.s32 $0x5C30;
	s11 =	simm.s32 $0x5D70  }
0x9: {  	[smem:$0x7FF] =	sst s13;
	s4 =	sand.u32 $0x1, s4;
	s7 =	sadd.s32 $0xA600, s0  }
0xa: {  	s18 =	sadd.s32 $0x800, s0;
	_ =	strace $0x80000047;
	[dreg:$0x5] =	wrdreg s7  }
0xb: {  	s5 =	smul.u32 $0x280, s10;
	s19 =	sadd.s32 $0x14A00, s0;
	[dreg:$0x6] =	wrdreg s18  }
0xc: {  	s20 =	sadd.s32 $0x14400, s0;
	s21 =	smul.u32 $0x5000, s10;
	[dreg:$0x7] =	wrdreg s19  }
0xd: {  	s6 =	smul.u32 $0x2800, s4;
	[dreg:$0x8] =	wrdreg s20;
	s8 =	ssub.s32 $0x2, s4  }
0xe: {  	s9 =	smul.u32 $0x50000, s4;
	s4 =	sshll.u32 s4, $0x4;
	s20 =	simm.s32 $0x55F0  }
0xf: {  	s18 =	simm.s32 $0x5960;
	s19 =	simm.s32 $0x59B0;
	s7 =	simm.s32 $0x0  }
0x10: {  	s22 =	sshrl.u32 s8, $0x1;
	s4 =	sor.u32 s10, s4;
	s15 =	sadd.s32 s21, s1  }
0x11: {  	s25 =	sadd.s32 s5, s3;
	s10 =	simm.s32 $0x5AA0;
	s6 =	sadd.s32 s5, s6  }
0x12: {  	s23 =	sadd.s32 s21, s9;
	s4 =	smul.u32 $0x5, s4;
	s21 =	simm.s32 $0x1  }
0x13: {  	s9 =	simm.s32 $0x5B40;
	s5 =	simm.s32 $0x5CD0;
	[dreg:$0x9] =	wrdreg s15  }
0x14: {  	[dreg:$0xa] =	wrdreg s25;
	s6 =	sshrl.u32 s6, $0x3;
	s24 =	sshrl.u32 s23, $0x3  }
0x15: {  	s23 =	simm.s32 $0x5C80;
	s0 =	sadd.s32 s6, s0;
	s6 =	ssub.s32 s8, s22  }
.Ltmp0:
0x16: {  	[dreg:$0xb] =	wrdreg s4;
	s2 =	sadd.s32 s2, s24;
	(pc) =	sbr.rel .LBB2_1-.Ltmp0, $4  }
0x17: {  	s22 =	simm.s32 $0x50;
	s8 =	simm.s32 $0x5910;
	s24 =	simm.s32 $0x2  }
0x18: {  	[dreg:$0xc] =	wrdreg s2;
	s0 =	sadd.s32 $0x1EE00, s0;
	s26 =	smax.u32 s6, $0x1  }
0x19: {  	v1 =	vlaneseq.u32;
	s2 =	simm.s32 $0x5B90;
	s6 =	simm.s32 $0x5D20;
	[dreg:$0xd] =	wrdreg s0  }
0x1a: {  	v0 =	vimm.f32 $0.0e+00;
	v1 =	vmul.u32 $0x20, v1;
	[dreg:$0xe] =	wrdreg s26;
	s0 =	simm.s32 $0x5AF0;
	s26 =	simm.s32 $0x5BE0  }
.LBB2_11:
0x1b: {  	[bflag:$0x0] =	sbarrier.arrive $0xFFFF  }
0x1c: {  	s28 =	simm.s32 $0x3;
	s15 =	rddreg [dreg:$0x9]  }
0x1d: {  	[tilespmem:s17], [sflag:$0x3] =	stream.linear.gather [spmem:s15], $0x5000, $0x38;
	[tilespmem:$0x1B490] =	vst v63  }
0x1e: {  	_ =	swait.ge [sflag:s28], $0x5000  }
0x1f: {  	[sflag:s28] =	ssyncset.done $0x0  }
0x20: {  	s13 =	simm.s32 $0x0;
	s4 =	rddreg [dreg:$0xc];
	[sflag:s28] =	ssyncadd.s32 $0xFFFFB000  }
0x21: {  	[hbm4b:s4+s13] =	stream.linear.scatter [tilespmem:s17], [sflag:$0x3], $0x5000, $0x38;
	[tilespmem:$0x1B490] =	vst v63  }
0x22: {  	_ =	swait.ge [sflag:s28], $0x5000  }
0x23: {  	[sflag:s28] =	ssyncset.done $0x0  }
0x24: {  	s31 =	simm.s32 $0x15F90;
	s25 =	rddreg [dreg:$0xa];
	[sflag:s28] =	ssyncadd.s32 $0xFFFFB000  }
0x25: {  	[tilespmem:s31], [sflag:$0x3] =	stream.linear.gather [spmem:s25], $0x280, $0x38;
	[tilespmem:$0x1B490] =	vst v63  }
0x26: {  	_ =	swait.ge [sflag:s28], $0x280  }
0x27: {  	[sflag:s28] =	ssyncset.done $0x0  }
0x28: {  	s7 =	rddreg [dreg:$0xd];
	[sflag:s28] =	ssyncadd.s32 $0xFFFFFD80  }
0x29: {  	[hbm4b:s7+s13] =	stream.linear.scatter [tilespmem:s31], [sflag:$0x3], $0x280, $0x38;
	[tilespmem:$0x1B490] =	vst v63  }
0x2a: {  	_ =	swait.ge [sflag:s28], $0x280  }
0x2b: {  	s7 =	rddreg [dreg:$0xf]  }
0x2c: {  	s4 =	rddreg [dreg:$0xe];
	s7 =	sadd.s32 $0x1, s7  }
0x2d: {  	p0 =	sne.s32 s7, s4  }
.Ltmp1:
0x2e: {  	_ = 	snop;
	(pc) =	sbr.rel @!p0 .LBB2_12-.Ltmp1, $3  }
0x2f: {  	_ =	sdelay $0x1  }
0x30: {  	[sflag:s28] =	ssyncset.done $0x0  }
0x31: {  	[sflag:s28] =	ssyncadd.s32 $0xFFFFFD80  }
.LBB2_1:
0x32: {  	[dreg:$0xf] =	wrdreg s7  }
0x33: {  	s4 =	rddreg [dreg:$0x7]  }
0x34: {  	[tilespmem:s13], [sflag:$0x3] =	stream.linear.gather [hbm4b:s4+s13], $0x2710, $0x38;
	[tilespmem:$0x1B490] =	vst v63  }
0x35: {  	_ =	swait.ge [sflag:s28], $0x2710  }
0x36: {  	[sflag:s28] =	ssyncset.done $0x0  }
0x37: {  	s7 =	rddreg [dreg:$0x8];
	[sflag:s28] =	ssyncadd.s32 $0xFFFFD8F0  }
0x38: {  	[tilespmem:s16], [sflag:$0x3] =	stream.linear.gather [hbm4b:s7+s13], $0x2710, $0x38;
	[tilespmem:$0x1B490] =	vst v63  }
0x39: {  	_ =	swait.ge [sflag:s28], $0x2710  }
0x3a: {  	[sflag:s28] =	ssyncset.done $0x0  }
0x3b: {  	[sflag:s28] =	ssyncadd.s32 $0xFFFFD8F0  }
0x3c: {  	[tilespmem:$0x15F90] =	vst v0  }
0x3d: {  	[tilespmem:$0x15FA0] =	vst v0  }
0x3e: {  	[tilespmem:$0x15FB0] =	vst v0  }
0x3f: {  	[tilespmem:$0x15FC0] =	vst v0  }
0x40: {  	[tilespmem:$0x15FD0] =	vst v0  }
0x41: {  	[tilespmem:$0x15FE0] =	vst v0  }
0x42: {  	[tilespmem:$0x15FF0] =	vst v0  }
0x43: {  	[tilespmem:$0x16000] =	vst v0  }
0x44: {  	[tilespmem:$0x16010] =	vst v0  }
0x45: {  	[tilespmem:$0x16020] =	vst v0  }
0x46: {  	[tilespmem:$0x16030] =	vst v0  }
0x47: {  	[tilespmem:$0x16040] =	vst v0  }
0x48: {  	[tilespmem:$0x16050] =	vst v0  }
0x49: {  	[tilespmem:$0x16060] =	vst v0  }
0x4a: {  	[tilespmem:$0x16070] =	vst v0  }
0x4b: {  	[tilespmem:$0x16080] =	vst v0  }
0x4c: {  	[tilespmem:$0x16090] =	vst v0  }
0x4d: {  	[tilespmem:$0x160A0] =	vst v0  }
0x4e: {  	[tilespmem:$0x160B0] =	vst v0  }
0x4f: {  	[tilespmem:$0x160C0] =	vst v0  }
0x50: {  	[tilespmem:$0x160D0] =	vst v0  }
0x51: {  	[tilespmem:$0x160E0] =	vst v0  }
0x52: {  	[tilespmem:$0x160F0] =	vst v0  }
0x53: {  	[tilespmem:$0x16100] =	vst v0  }
0x54: {  	[tilespmem:$0x16110] =	vst v0  }
0x55: {  	[tilespmem:$0x16120] =	vst v0  }
0x56: {  	[tilespmem:$0x16130] =	vst v0  }
0x57: {  	[tilespmem:$0x16140] =	vst v0  }
0x58: {  	[tilespmem:$0x16150] =	vst v0  }
0x59: {  	[tilespmem:$0x16160] =	vst v0  }
0x5a: {  	[tilespmem:$0x16170] =	vst v0  }
0x5b: {  	[tilespmem:$0x16180] =	vst v0  }
0x5c: {  	[tilespmem:$0x16190] =	vst v0  }
0x5d: {  	[tilespmem:$0x161A0] =	vst v0  }
0x5e: {  	[tilespmem:$0x161B0] =	vst v0  }
0x5f: {  	[tilespmem:$0x161C0] =	vst v0  }
0x60: {  	[tilespmem:$0x161D0] =	vst v0  }
0x61: {  	[tilespmem:$0x161E0] =	vst v0  }
0x62: {  	[tilespmem:$0x161F0] =	vst v0  }
0x63: {  	s4 =	simm.s32 $0x80;
	s7 =	simm.s32 $0x0;
	[tilespmem:$0x16200] =	vst v0  }
.LBB2_2:
0x64: {  	p0 =	sne.s32 s4, $0x13F80;
	[tilespmem:s7+$0x6590] =	vst v0;
	s13 =	smov.u32 s4;
	s4 =	sadd.s32 $0x80, s4  }
.Ltmp2:
0x65: {  	[tilespmem:s7+$0x65A0] =	vst v0;
	(pc) =	sbr.rel @p0 .LBB2_2-.Ltmp2, $2  }
0x66: {  	_ =	sdelay $0x2  }
0x67: {  	s7 =	sshra.s32 s13, $0x2  }
0x68: {  	[tilespmem:s7+$0x6590] =	vst v0  }
0x69: {  	[tilespmem:s7+$0x65A0] =	vst v0  }
0x6a: {  	[spmem:s15] =	stream.linear.scatter [tilespmem:s17], [sflag:$0x3], $0x5000, $0x38;
	[tilespmem:$0x1B490] =	vst v63  }
0x6b: {  	_ =	swait.ge [sflag:s28], $0x5000  }
0x6c: {  	[sflag:s28] =	ssyncset.done $0x0  }
0x6d: {  	[sflag:s28] =	ssyncadd.s32 $0xFFFFB000  }
0x6e: {  	[spmem:s25] =	stream.linear.scatter [tilespmem:s31], [sflag:$0x3], $0x280, $0x38;
	[tilespmem:$0x1B490] =	vst v63  }
0x6f: {  	_ =	swait.ge [sflag:s28], $0x280  }
0x70: {  	[sflag:s28] =	ssyncset.done $0x0  }
0x71: {  	[sflag:s28] =	ssyncadd.s32 $0xFFFFFD80  }
0x72: {  	s31 =	simm.s32 $0x0;
	s28 =	simm.s32 $0x0;
	[bflag:$0x0] =	sbarrier.arrive $0xFFFF  }
.LBB2_4:
0x73: {  	s4 =	rddreg [dreg:$0xb]  }
0x74: {  	s4 =	sadd.s32 s4, s31  }
0x75: {  	s4 =	smul.u32 $0xFA, s4  }
0x76: {  	s7 =	rddreg [dreg:$0x5]  }
0x77: {  	s13 =	simm.s32 $0x4E20;
	s25 =	rddreg [dreg:$0x6];
	s7 =	sadd.s32 s7, s4  }
0x78: {  	[tilespmem:s13], [sflag:$0x1] =	stream.linear.gather [hbm4b:s7+s28], $0x7D0, $0x38;
	[tilespmem:$0x1B490] =	vst v63  }
0x79: {  	s4 =	sadd.s32 s25, s4  }
0x7a: {  	[tilespmem:s20], [sflag:$0x1] =	stream.linear.gather [hbm4b:s4+s28], $0x7D0, $0x38;
	[tilespmem:$0x1B490] =	vst v63  }
0x7b: {  	_ =	swait.ge [sflag:s21], $0x7D0  }
0x7c: {  	[sflag:s21] =	ssyncset.done $0x0  }
0x7d: {  	[sflag:s21] =	ssyncadd.s32 $0xFFFFF830  }
0x7e: {  	_ =	swait.ge [sflag:s21], $0x7D0  }
0x7f: {  	[sflag:s21] =	ssyncset.done $0x0  }
0x80: {  	s4 =	simm.s32 $0x0;
	[sflag:s21] =	ssyncadd.s32 $0xFFFFF830  }
0x81: {  	v2 =	vld [tilespmem:s4+$0x4E20]  }
0x82: {  	v3 =	vld [tilespmem:s4+$0x55F0];
	_ =	sdelay $0x6  }
0x83: {  	v2 =	vld.idx.msk [tilespmem:v2+s28+$0x0], $0xffff  }
0x84: {  	v3 =	vld.idx.msk [tilespmem:v3+s16+$0x0], $0xffff;
	_ =	sdelay $0x4  }
0x85: {  	v2 =	vadd.f32 v3, v2;
	_ =	sdelay $0x1  }
0x86: {  	v3 =	vmul.f32 $2.000000030e-01, v2  }
0x87: {  	vm0 =	vge.f32 v2, $0.0e+00  }
0x88: {  	v2 =	vsel vm0, v2, v3  }
0x89: {  	v2 =	vmul.f32 $1.442695020e+00, v2;
	_ =	sdelay $0x1  }
0x8a: {  	(erf) = vpow2.f32 v2;
	_ =	sdelay $0x2  }
0x8b: {  	v2 =	vld [tilespmem:s4+$0x4E30]  }
0x8c: {  	v3 =	vld [tilespmem:s4+$0x5600];
	_ =	sdelay $0x4  }
0x8d: {  	v4 =	vpop (erf)  }
0x8e: {  	[tilespmem:s4+$0x5DC0] =	vst v4  }
0x8f: {  	v2 =	vld.idx.msk [tilespmem:v2+s28+$0x0], $0xffff  }
0x90: {  	v3 =	vld.idx.msk [tilespmem:v3+s16+$0x0], $0xffff;
	_ =	sdelay $0x4  }
0x91: {  	v2 =	vadd.f32 v3, v2;
	_ =	sdelay $0x1  }
0x92: {  	v3 =	vmul.f32 $2.000000030e-01, v2  }
0x93: {  	vm12 =	vge.f32 v2, $0.0e+00  }
0x94: {  	v2 =	vsel vm12, v2, v3  }
0x95: {  	v2 =	vmul.f32 $1.442695020e+00, v2;
	_ =	sdelay $0x1  }
0x96: {  	(erf) = vpow2.f32 v2;
	_ =	sdelay $0x2  }
0x97: {  	v2 =	vld [tilespmem:s4+$0x4E40]  }
0x98: {  	v3 =	vld [tilespmem:s4+$0x5610];
	_ =	sdelay $0x4  }
0x99: {  	v4 =	vpop (erf)  }
0x9a: {  	[tilespmem:s4+$0x5DD0] =	vst v4  }
0x9b: {  	v2 =	vld.idx.msk [tilespmem:v2+s28+$0x0], $0xffff  }
0x9c: {  	v3 =	vld.idx.msk [tilespmem:v3+s16+$0x0], $0xffff;
	_ =	sdelay $0x4  }
0x9d: {  	v2 =	vadd.f32 v3, v2;
	_ =	sdelay $0x1  }
0x9e: {  	v3 =	vmul.f32 $2.000000030e-01, v2  }
0x9f: {  	vm13 =	vge.f32 v2, $0.0e+00  }
0xa0: {  	v2 =	vsel vm13, v2, v3  }
0xa1: {  	v2 =	vmul.f32 $1.442695020e+00, v2;
	_ =	sdelay $0x1  }
0xa2: {  	(erf) = vpow2.f32 v2;
	_ =	sdelay $0x2  }
0xa3: {  	v2 =	vld [tilespmem:s4+$0x4E50]  }
0xa4: {  	v3 =	vld [tilespmem:s4+$0x5620];
	_ =	sdelay $0x4  }
0xa5: {  	v4 =	vpop (erf)  }
0xa6: {  	[tilespmem:s4+$0x5DE0] =	vst v4  }
0xa7: {  	v2 =	vld.idx.msk [tilespmem:v2+s28+$0x0], $0xffff  }
0xa8: {  	v3 =	vld.idx.msk [tilespmem:v3+s16+$0x0], $0xffff;
	_ =	sdelay $0x4  }
0xa9: {  	v2 =	vadd.f32 v3, v2;
	_ =	sdelay $0x1  }
0xaa: {  	v3 =	vmul.f32 $2.000000030e-01, v2  }
0xab: {  	vm14 =	vge.f32 v2, $0.0e+00  }
0xac: {  	v2 =	vsel vm14, v2, v3  }
0xad: {  	v2 =	vmul.f32 $1.442695020e+00, v2;
	_ =	sdelay $0x1  }
0xae: {  	(erf) = vpow2.f32 v2;
	_ =	sdelay $0x2  }
0xaf: {  	v2 =	vld [tilespmem:s4+$0x4E60]  }
0xb0: {  	v3 =	vld [tilespmem:s4+$0x5630];
	_ =	sdelay $0x4  }
0xb1: {  	v4 =	vpop (erf)  }
0xb2: {  	[tilespmem:s4+$0x5DF0] =	vst v4  }
0xb3: {  	v2 =	vld.idx.msk [tilespmem:v2+s28+$0x0], $0xffff  }
0xb4: {  	v3 =	vld.idx.msk [tilespmem:v3+s16+$0x0], $0xffff;
	_ =	sdelay $0x4  }
0xb5: {  	v2 =	vadd.f32 v3, v2;
	_ =	sdelay $0x1  }
0xb6: {  	v3 =	vmul.f32 $2.000000030e-01, v2  }
0xb7: {  	vm15 =	vge.f32 v2, $0.0e+00  }
0xb8: {  	v2 =	vsel vm15, v2, v3  }
0xb9: {  	v3 =	vmul.f32 $1.442695020e+00, v2;
	_ =	sdelay $0x1  }
0xba: {  	(erf) = vpow2.f32 v3;
	_ =	sdelay $0x1  }
0xbb: {  	s25 =	simm.s32 $0x50  }
0xbc: {  	v2 =	vld [tilespmem:s25+$0x4E20]  }
0xbd: {  	s13 =	simm.s32 $0x280;
	v3 =	vld [tilespmem:s25+$0x55F0]  }
.LBB2_5:
0xbe: {  	p0 =	sne.s32 s13, $0x1E00;
	s15 =	smov.u32 s13;
	s13 =	sadd.s32 $0x140, s13  }
0xbf: {  	_ =	sdelay $0x2  }
0xc0: {  	v4 =	vpop (erf)  }
0xc1: {  	s7 =	simm.s32 $0x0;
	[tilespmem:s4+$0x5E00] =	vst v4;
	s4 =	smov.u32 s25  }
0xc2: {  	v2 =	vld.idx.msk [tilespmem:v2+s7+$0x0], $0xffff  }
0xc3: {  	v3 =	vld.idx.msk [tilespmem:v3+s16+$0x0], $0xffff;
	_ =	sdelay $0x5  }
0xc4: {  	v2 =	vadd.f32 v3, v2;
	_ =	sdelay $0x1  }
0xc5: {  	vm0 =	vge.f32 v2, $0.0e+00;
	v3 =	vmul.f32 $2.000000030e-01, v2;
	_ =	sdelay $0x1  }
0xc6: {  	v2 =	vsel vm0, v2, v3  }
0xc7: {  	v2 =	vmul.f32 $1.442695020e+00, v2;
	_ =	sdelay $0x1  }
0xc8: {  	(erf) = vpow2.f32 v2;
	_ =	sdelay $0x1  }
0xc9: {  	v2 =	vld [tilespmem:s4+$0x5600]  }
0xca: {  	v3 =	vld [tilespmem:s4+$0x4E30];
	_ =	sdelay $0x5  }
0xcb: {  	v4 =	vpop (erf)  }
0xcc: {  	[tilespmem:s4+$0x5DC0] =	vst v4  }
0xcd: {  	v3 =	vld.idx.msk [tilespmem:v3+s7+$0x0], $0xffff  }
0xce: {  	v2 =	vld.idx.msk [tilespmem:v2+s16+$0x0], $0xffff;
	_ =	sdelay $0x5  }
0xcf: {  	v2 =	vadd.f32 v2, v3;
	_ =	sdelay $0x1  }
0xd0: {  	vm0 =	vge.f32 v2, $0.0e+00;
	v3 =	vmul.f32 $2.000000030e-01, v2;
	_ =	sdelay $0x1  }
0xd1: {  	v2 =	vsel vm0, v2, v3  }
0xd2: {  	v2 =	vmul.f32 $1.442695020e+00, v2;
	_ =	sdelay $0x1  }
0xd3: {  	(erf) = vpow2.f32 v2;
	_ =	sdelay $0x1  }
0xd4: {  	v2 =	vld [tilespmem:s4+$0x5610]  }
0xd5: {  	v3 =	vld [tilespmem:s4+$0x4E40];
	_ =	sdelay $0x5  }
0xd6: {  	v4 =	vpop (erf)  }
0xd7: {  	[tilespmem:s4+$0x5DD0] =	vst v4  }
0xd8: {  	v3 =	vld.idx.msk [tilespmem:v3+s7+$0x0], $0xffff  }
0xd9: {  	v2 =	vld.idx.msk [tilespmem:v2+s16+$0x0], $0xffff;
	_ =	sdelay $0x5  }
0xda: {  	v2 =	vadd.f32 v2, v3;
	_ =	sdelay $0x1  }
0xdb: {  	vm0 =	vge.f32 v2, $0.0e+00;
	v3 =	vmul.f32 $2.000000030e-01, v2;
	_ =	sdelay $0x1  }
0xdc: {  	v2 =	vsel vm0, v2, v3  }
0xdd: {  	v2 =	vmul.f32 $1.442695020e+00, v2;
	_ =	sdelay $0x1  }
0xde: {  	(erf) = vpow2.f32 v2;
	_ =	sdelay $0x1  }
0xdf: {  	v2 =	vld [tilespmem:s4+$0x5620]  }
0xe0: {  	v3 =	vld [tilespmem:s4+$0x4E50];
	_ =	sdelay $0x5  }
0xe1: {  	v4 =	vpop (erf)  }
0xe2: {  	[tilespmem:s4+$0x5DE0] =	vst v4  }
0xe3: {  	v3 =	vld.idx.msk [tilespmem:v3+s7+$0x0], $0xffff  }
0xe4: {  	v2 =	vld.idx.msk [tilespmem:v2+s16+$0x0], $0xffff;
	_ =	sdelay $0x5  }
0xe5: {  	v2 =	vadd.f32 v2, v3;
	_ =	sdelay $0x1  }
0xe6: {  	vm0 =	vge.f32 v2, $0.0e+00;
	v3 =	vmul.f32 $2.000000030e-01, v2;
	_ =	sdelay $0x1  }
0xe7: {  	v2 =	vsel vm0, v2, v3  }
0xe8: {  	v2 =	vmul.f32 $1.442695020e+00, v2;
	_ =	sdelay $0x1  }
0xe9: {  	(erf) = vpow2.f32 v2;
	_ =	sdelay $0x1  }
0xea: {  	v2 =	vld [tilespmem:s4+$0x5630]  }
0xeb: {  	v3 =	vld [tilespmem:s4+$0x4E60];
	_ =	sdelay $0x5  }
0xec: {  	v4 =	vpop (erf)  }
0xed: {  	[tilespmem:s4+$0x5DF0] =	vst v4  }
0xee: {  	v3 =	vld.idx.msk [tilespmem:v3+s7+$0x0], $0xffff  }
0xef: {  	v2 =	vld.idx.msk [tilespmem:v2+s16+$0x0], $0xffff;
	_ =	sdelay $0x5  }
0xf0: {  	v2 =	vadd.f32 v2, v3;
	_ =	sdelay $0x1  }
0xf1: {  	vm0 =	vge.f32 v2, $0.0e+00;
	v3 =	vmul.f32 $2.000000030e-01, v2;
	_ =	sdelay $0x1  }
0xf2: {  	v2 =	vsel vm0, v2, v3  }
0xf3: {  	v2 =	vmul.f32 $1.442695020e+00, v2;
	_ =	sdelay $0x1  }
.Ltmp3:
0xf4: {  	(erf) = vpow2.f32 v2;
	(pc) =	sbr.rel @p0 .LBB2_5-.Ltmp3, $4  }
0xf5: {  	_ = 	snop  }
0xf6: {  	s25 =	sshra.s32 s15, $0x2  }
0xf7: {  	v2 =	vld [tilespmem:s25+$0x4E20]  }
0xf8: {  	v3 =	vld [tilespmem:s25+$0x55F0]  }
0xf9: {  	_ =	sdelay $0x4  }
0xfa: {  	v4 =	vpop (erf)  }
0xfb: {  	[tilespmem:s4+$0x5E00] =	vst v4  }
0xfc: {  	v2 =	vld.idx.msk [tilespmem:v2+s7+$0x0], $0xffff  }
0xfd: {  	v3 =	vld.idx.msk [tilespmem:v3+s16+$0x0], $0xffff;
	_ =	sdelay $0x4  }
0xfe: {  	v2 =	vadd.f32 v3, v2;
	_ =	sdelay $0x1  }
0xff: {  	v3 =	vmul.f32 $2.000000030e-01, v2  }
0x100: {  	vm0 =	vge.f32 v2, $0.0e+00  }
0x101: {  	v2 =	vsel vm0, v2, v3  }
0x102: {  	v2 =	vmul.f32 $1.442695020e+00, v2;
	_ =	sdelay $0x1  }
0x103: {  	(erf) = vpow2.f32 v2;
	_ =	sdelay $0x2  }
0x104: {  	v2 =	vld [tilespmem:s25+$0x4E30]  }
0x105: {  	v3 =	vld [tilespmem:s25+$0x5600];
	_ =	sdelay $0x4  }
0x106: {  	v60 =	vpop (erf)  }
0x107: {  	[tilespmem:s25+$0x5DC0] =	vst v60  }
0x108: {  	v2 =	vld.idx.msk [tilespmem:v2+s7+$0x0], $0xffff  }
0x109: {  	v3 =	vld.idx.msk [tilespmem:v3+s16+$0x0], $0xffff;
	_ =	sdelay $0x4  }
0x10a: {  	v2 =	vadd.f32 v3, v2;
	_ =	sdelay $0x1  }
0x10b: {  	v3 =	vmul.f32 $2.000000030e-01, v2  }
0x10c: {  	vm12 =	vge.f32 v2, $0.0e+00  }
0x10d: {  	v2 =	vsel vm12, v2, v3  }
0x10e: {  	v2 =	vmul.f32 $1.442695020e+00, v2;
	_ =	sdelay $0x1  }
0x10f: {  	(erf) = vpow2.f32 v2;
	_ =	sdelay $0x2  }
0x110: {  	v2 =	vld [tilespmem:s25+$0x4E40]  }
0x111: {  	v3 =	vld [tilespmem:s25+$0x5610];
	_ =	sdelay $0x4  }
0x112: {  	v61 =	vpop (erf)  }
0x113: {  	[tilespmem:s25+$0x5DD0] =	vst v61  }
0x114: {  	v2 =	vld.idx.msk [tilespmem:v2+s7+$0x0], $0xffff  }
0x115: {  	v3 =	vld.idx.msk [tilespmem:v3+s16+$0x0], $0xffff;
	_ =	sdelay $0x4  }
0x116: {  	v2 =	vadd.f32 v3, v2;
	_ =	sdelay $0x1  }
0x117: {  	v3 =	vmul.f32 $2.000000030e-01, v2  }
0x118: {  	vm13 =	vge.f32 v2, $0.0e+00  }
0x119: {  	v2 =	vsel vm13, v2, v3  }
0x11a: {  	v2 =	vmul.f32 $1.442695020e+00, v2;
	_ =	sdelay $0x1  }
0x11b: {  	(erf) = vpow2.f32 v2;
	_ =	sdelay $0x2  }
0x11c: {  	v2 =	vld [tilespmem:s25+$0x4E50]  }
0x11d: {  	v3 =	vld [tilespmem:s25+$0x5620];
	_ =	sdelay $0x4  }
0x11e: {  	v62 =	vpop (erf)  }
0x11f: {  	[tilespmem:s25+$0x5DE0] =	vst v62  }
0x120: {  	v2 =	vld.idx.msk [tilespmem:v2+s7+$0x0], $0xffff  }
0x121: {  	v3 =	vld.idx.msk [tilespmem:v3+s16+$0x0], $0xffff;
	_ =	sdelay $0x4  }
0x122: {  	v2 =	vadd.f32 v3, v2;
	_ =	sdelay $0x1  }
0x123: {  	v3 =	vmul.f32 $2.000000030e-01, v2  }
0x124: {  	vm14 =	vge.f32 v2, $0.0e+00  }
0x125: {  	v2 =	vsel vm14, v2, v3  }
0x126: {  	v2 =	vmul.f32 $1.442695020e+00, v2;
	_ =	sdelay $0x1  }
0x127: {  	(erf) = vpow2.f32 v2;
	_ =	sdelay $0x2  }
0x128: {  	v2 =	vld [tilespmem:s25+$0x4E60]  }
0x129: {  	v3 =	vld [tilespmem:s25+$0x5630];
	_ =	sdelay $0x4  }
0x12a: {  	v63 =	vpop (erf)  }
0x12b: {  	[tilespmem:s25+$0x5DF0] =	vst v63  }
0x12c: {  	v2 =	vld.idx.msk [tilespmem:v2+s7+$0x0], $0xffff  }
0x12d: {  	v3 =	vld.idx.msk [tilespmem:v3+s16+$0x0], $0xffff;
	_ =	sdelay $0x4  }
0x12e: {  	v2 =	vadd.f32 v3, v2;
	_ =	sdelay $0x1  }
0x12f: {  	v3 =	vmul.f32 $2.000000030e-01, v2  }
0x130: {  	vm15 =	vge.f32 v2, $0.0e+00  }
0x131: {  	v2 =	vsel vm15, v2, v3  }
0x132: {  	v2 =	vmul.f32 $1.442695020e+00, v2;
	_ =	sdelay $0x1  }
0x133: {  	(erf) = vpow2.f32 v2;
	_ =	sdelay $0x2  }
0x134: {  	s13 =	smul.u32 $0xCD, s7;
	_ =	sdelay $0x1  }
0x135: {  	p1 =	por $0x1, $0x1;
	s4 =	sshrl.u32 s13, $0xA  }
.Ltmp4:
0x136: {  	s4 =	sand.u32 $0x3F, s4;
	(pc) =	sbr.rel @!p1 .LBB2_7-.Ltmp4, $4  }
0x137: {  	s13 =	smul.u32 $0x5, s4  }
0x138: {  	s15 =	smul.u32 $0x140, s4;
	v2 =	vmov s7  }
0x139: {  	p0 =	por $0x0, $0x0;
	s13 =	ssub.s32 $0x0, s13;
	v2 =	vshll.u32 v2, $0x5;
	v3 =	vpop (erf)  }
0x13a: {  	s4 =	simm.s32 $0x1;
	s15 =	sshrl.u32 s15, $0x2;
	v2 =	vor.u32 v1, v2;
	[tilespmem:s25+$0x5E00] =	vst v3;
	s25 =	sand.u32 $0xFF, s13  }
0x13b: {  	_ =	sdelay $0x2  }
0x13c: {  	s7 =	sshll.u32 s25, $0x4  }
0x13d: {  	v4 =	vld.idx.msk [tilespmem:v2+s17+$0x0], $0xffff;
	s7 =	sadd.s32 s7, s15  }
0x13e: {  	v3 =	vld [tilespmem:s7+$0x5DC0];
	_ =	sdelay $0x2  }
0x13f: {  	v5 =	vor.u32 $0x1, v2;
	_ =	sdelay $0x1  }
0x140: {  	v4 =	vmul.f32 v4, v3;
	_ =	sdelay $0x1  }
0x141: {  	[tilespmem:v2+s17+$0x0] =	vst.idx.msk $0xffff, v4  }
0x142: {  	v4 =	vld.idx.msk [tilespmem:v5+s17+$0x0], $0xffff;
	_ =	sdelay $0x2  }
0x143: {  	v6 =	vor.u32 $0x2, v2;
	_ =	sdelay $0x1  }
0x144: {  	v4 =	vmul.f32 v4, v3;
	_ =	sdelay $0x1  }
0x145: {  	[tilespmem:v5+s17+$0x0] =	vst.idx.msk $0xffff, v4  }
0x146: {  	v4 =	vld.idx.msk [tilespmem:v6+s17+$0x0], $0xffff;
	_ =	sdelay $0x2  }
0x147: {  	v5 =	vor.u32 $0x3, v2;
	_ =	sdelay $0x1  }
0x148: {  	v4 =	vmul.f32 v4, v3;
	_ =	sdelay $0x1  }
0x149: {  	[tilespmem:v6+s17+$0x0] =	vst.idx.msk $0xffff, v4  }
0x14a: {  	v4 =	vld.idx.msk [tilespmem:v5+s17+$0x0], $0xffff;
	_ =	sdelay $0x2  }
0x14b: {  	v6 =	vor.u32 $0x4, v2;
	_ =	sdelay $0x1  }
0x14c: {  	v4 =	vmul.f32 v4, v3;
	_ =	sdelay $0x1  }
0x14d: {  	[tilespmem:v5+s17+$0x0] =	vst.idx.msk $0xffff, v4  }
0x14e: {  	v4 =	vld.idx.msk [tilespmem:v6+s17+$0x0], $0xffff;
	_ =	sdelay $0x2  }
0x14f: {  	v5 =	vor.u32 $0x5, v2;
	_ =	sdelay $0x1  }
0x150: {  	v4 =	vmul.f32 v4, v3;
	_ =	sdelay $0x1  }
0x151: {  	[tilespmem:v6+s17+$0x0] =	vst.idx.msk $0xffff, v4  }
0x152: {  	v4 =	vld.idx.msk [tilespmem:v5+s17+$0x0], $0xffff;
	_ =	sdelay $0x2  }
0x153: {  	v6 =	vor.u32 $0x6, v2;
	_ =	sdelay $0x1  }
0x154: {  	v4 =	vmul.f32 v4, v3;
	_ =	sdelay $0x1  }
0x155: {  	[tilespmem:v5+s17+$0x0] =	vst.idx.msk $0xffff, v4  }
0x156: {  	v4 =	vld.idx.msk [tilespmem:v6+s17+$0x0], $0xffff;
	_ =	sdelay $0x2  }
0x157: {  	v5 =	vor.u32 $0x7, v2;
	_ =	sdelay $0x1  }
0x158: {  	v4 =	vmul.f32 v4, v3;
	_ =	sdelay $0x1  }
0x159: {  	[tilespmem:v6+s17+$0x0] =	vst.idx.msk $0xffff, v4  }
0x15a: {  	v4 =	vld.idx.msk [tilespmem:v5+s17+$0x0], $0xffff;
	_ =	sdelay $0x2  }
0x15b: {  	v6 =	vor.u32 $0x8, v2;
	_ =	sdelay $0x1  }
0x15c: {  	v4 =	vmul.f32 v4, v3;
	_ =	sdelay $0x1  }
0x15d: {  	[tilespmem:v5+s17+$0x0] =	vst.idx.msk $0xffff, v4  }
0x15e: {  	v4 =	vld.idx.msk [tilespmem:v6+s17+$0x0], $0xffff;
	_ =	sdelay $0x2  }
0x15f: {  	v5 =	vor.u32 $0x9, v2;
	_ =	sdelay $0x1  }
0x160: {  	v4 =	vmul.f32 v4, v3;
	_ =	sdelay $0x1  }
0x161: {  	[tilespmem:v6+s17+$0x0] =	vst.idx.msk $0xffff, v4  }
0x162: {  	v4 =	vld.idx.msk [tilespmem:v5+s17+$0x0], $0xffff;
	_ =	sdelay $0x2  }
0x163: {  	v6 =	vor.u32 $0xA, v2;
	_ =	sdelay $0x1  }
0x164: {  	v4 =	vmul.f32 v4, v3;
	_ =	sdelay $0x1  }
0x165: {  	[tilespmem:v5+s17+$0x0] =	vst.idx.msk $0xffff, v4  }
0x166: {  	v4 =	vld.idx.msk [tilespmem:v6+s17+$0x0], $0xffff;
	_ =	sdelay $0x2  }
0x167: {  	v5 =	vor.u32 $0xB, v2;
	_ =	sdelay $0x1  }
0x168: {  	v4 =	vmul.f32 v4, v3;
	_ =	sdelay $0x1  }
0x169: {  	[tilespmem:v6+s17+$0x0] =	vst.idx.msk $0xffff, v4  }
0x16a: {  	v4 =	vld.idx.msk [tilespmem:v5+s17+$0x0], $0xffff;
	_ =	sdelay $0x2  }
0x16b: {  	v6 =	vor.u32 $0xC, v2;
	_ =	sdelay $0x1  }
0x16c: {  	v4 =	vmul.f32 v4, v3;
	_ =	sdelay $0x1  }
0x16d: {  	[tilespmem:v5+s17+$0x0] =	vst.idx.msk $0xffff, v4  }
0x16e: {  	v4 =	vld.idx.msk [tilespmem:v6+s17+$0x0], $0xffff;
	_ =	sdelay $0x2  }
0x16f: {  	v5 =	vor.u32 $0xD, v2;
	_ =	sdelay $0x1  }
0x170: {  	v4 =	vmul.f32 v4, v3;
	_ =	sdelay $0x1  }
0x171: {  	[tilespmem:v6+s17+$0x0] =	vst.idx.msk $0xffff, v4  }
0x172: {  	v4 =	vld.idx.msk [tilespmem:v5+s17+$0x0], $0xffff;
	_ =	sdelay $0x2  }
0x173: {  	v6 =	vor.u32 $0xE, v2;
	_ =	sdelay $0x1  }
0x174: {  	v4 =	vmul.f32 v4, v3;
	_ =	sdelay $0x1  }
0x175: {  	[tilespmem:v5+s17+$0x0] =	vst.idx.msk $0xffff, v4  }
0x176: {  	v4 =	vld.idx.msk [tilespmem:v6+s17+$0x0], $0xffff;
	_ =	sdelay $0x2  }
0x177: {  	v5 =	vor.u32 $0xF, v2;
	_ =	sdelay $0x1  }
0x178: {  	v4 =	vmul.f32 v4, v3;
	_ =	sdelay $0x1  }
0x179: {  	[tilespmem:v6+s17+$0x0] =	vst.idx.msk $0xffff, v4  }
0x17a: {  	v4 =	vld.idx.msk [tilespmem:v5+s17+$0x0], $0xffff;
	_ =	sdelay $0x2  }
0x17b: {  	v6 =	vor.u32 $0x10, v2;
	_ =	sdelay $0x1  }
0x17c: {  	v4 =	vmul.f32 v4, v3;
	_ =	sdelay $0x1  }
0x17d: {  	[tilespmem:v5+s17+$0x0] =	vst.idx.msk $0xffff, v4  }
0x17e: {  	v4 =	vld.idx.msk [tilespmem:v6+s17+$0x0], $0xffff;
	_ =	sdelay $0x2  }
0x17f: {  	v5 =	vor.u32 $0x11, v2;
	_ =	sdelay $0x1  }
0x180: {  	v4 =	vmul.f32 v4, v3;
	_ =	sdelay $0x1  }
0x181: {  	[tilespmem:v6+s17+$0x0] =	vst.idx.msk $0xffff, v4  }
0x182: {  	v4 =	vld.idx.msk [tilespmem:v5+s17+$0x0], $0xffff;
	_ =	sdelay $0x2  }
0x183: {  	v6 =	vor.u32 $0x12, v2;
	_ =	sdelay $0x1  }
0x184: {  	v4 =	vmul.f32 v4, v3;
	_ =	sdelay $0x1  }
0x185: {  	[tilespmem:v5+s17+$0x0] =	vst.idx.msk $0xffff, v4  }
0x186: {  	v4 =	vld.idx.msk [tilespmem:v6+s17+$0x0], $0xffff;
	_ =	sdelay $0x2  }
0x187: {  	v5 =	vor.u32 $0x13, v2;
	_ =	sdelay $0x1  }
0x188: {  	v4 =	vmul.f32 v4, v3;
	_ =	sdelay $0x1  }
0x189: {  	[tilespmem:v6+s17+$0x0] =	vst.idx.msk $0xffff, v4  }
0x18a: {  	v4 =	vld.idx.msk [tilespmem:v5+s17+$0x0], $0xffff;
	_ =	sdelay $0x2  }
0x18b: {  	v6 =	vor.u32 $0x14, v2;
	_ =	sdelay $0x1  }
0x18c: {  	v4 =	vmul.f32 v4, v3;
	_ =	sdelay $0x1  }
0x18d: {  	[tilespmem:v5+s17+$0x0] =	vst.idx.msk $0xffff, v4  }
0x18e: {  	v4 =	vld.idx.msk [tilespmem:v6+s17+$0x0], $0xffff;
	_ =	sdelay $0x2  }
0x18f: {  	v5 =	vor.u32 $0x15, v2;
	_ =	sdelay $0x1  }
0x190: {  	v4 =	vmul.f32 v4, v3;
	_ =	sdelay $0x1  }
0x191: {  	[tilespmem:v6+s17+$0x0] =	vst.idx.msk $0xffff, v4  }
0x192: {  	v4 =	vld.idx.msk [tilespmem:v5+s17+$0x0], $0xffff;
	_ =	sdelay $0x2  }
0x193: {  	v6 =	vor.u32 $0x16, v2;
	_ =	sdelay $0x1  }
0x194: {  	v4 =	vmul.f32 v4, v3;
	_ =	sdelay $0x1  }
0x195: {  	[tilespmem:v5+s17+$0x0] =	vst.idx.msk $0xffff, v4  }
0x196: {  	v4 =	vld.idx.msk [tilespmem:v6+s17+$0x0], $0xffff;
	_ =	sdelay $0x2  }
0x197: {  	v5 =	vor.u32 $0x17, v2;
	_ =	sdelay $0x1  }
0x198: {  	v4 =	vmul.f32 v4, v3;
	_ =	sdelay $0x1  }
0x199: {  	[tilespmem:v6+s17+$0x0] =	vst.idx.msk $0xffff, v4  }
0x19a: {  	v4 =	vld.idx.msk [tilespmem:v5+s17+$0x0], $0xffff;
	_ =	sdelay $0x2  }
0x19b: {  	v6 =	vor.u32 $0x18, v2;
	_ =	sdelay $0x1  }
0x19c: {  	v4 =	vmul.f32 v4, v3;
	_ =	sdelay $0x1  }
0x19d: {  	[tilespmem:v5+s17+$0x0] =	vst.idx.msk $0xffff, v4  }
0x19e: {  	v4 =	vld.idx.msk [tilespmem:v6+s17+$0x0], $0xffff;
	_ =	sdelay $0x2  }
0x19f: {  	v5 =	vor.u32 $0x19, v2;
	_ =	sdelay $0x1  }
0x1a0: {  	v4 =	vmul.f32 v4, v3;
	_ =	sdelay $0x1  }
0x1a1: {  	[tilespmem:v6+s17+$0x0] =	vst.idx.msk $0xffff, v4  }
0x1a2: {  	v4 =	vld.idx.msk [tilespmem:v5+s17+$0x0], $0xffff;
	_ =	sdelay $0x2  }
0x1a3: {  	v6 =	vor.u32 $0x1A, v2;
	_ =	sdelay $0x1  }
0x1a4: {  	v4 =	vmul.f32 v4, v3;
	_ =	sdelay $0x1  }
0x1a5: {  	[tilespmem:v5+s17+$0x0] =	vst.idx.msk $0xffff, v4  }
0x1a6: {  	v4 =	vld.idx.msk [tilespmem:v6+s17+$0x0], $0xffff;
	_ =	sdelay $0x2  }
0x1a7: {  	v5 =	vor.u32 $0x1B, v2;
	_ =	sdelay $0x1  }
0x1a8: {  	v4 =	vmul.f32 v4, v3;
	_ =	sdelay $0x1  }
0x1a9: {  	[tilespmem:v6+s17+$0x0] =	vst.idx.msk $0xffff, v4  }
0x1aa: {  	v4 =	vld.idx.msk [tilespmem:v5+s17+$0x0], $0xffff;
	_ =	sdelay $0x2  }
0x1ab: {  	v6 =	vor.u32 $0x1C, v2;
	_ =	sdelay $0x1  }
0x1ac: {  	v4 =	vmul.f32 v4, v3;
	_ =	sdelay $0x1  }
0x1ad: {  	[tilespmem:v5+s17+$0x0] =	vst.idx.msk $0xffff, v4  }
0x1ae: {  	v4 =	vld.idx.msk [tilespmem:v6+s17+$0x0], $0xffff;
	_ =	sdelay $0x2  }
0x1af: {  	v5 =	vor.u32 $0x1D, v2;
	_ =	sdelay $0x1  }
0x1b0: {  	v4 =	vmul.f32 v4, v3;
	_ =	sdelay $0x1  }
0x1b1: {  	[tilespmem:v6+s17+$0x0] =	vst.idx.msk $0xffff, v4  }
0x1b2: {  	v4 =	vld.idx.msk [tilespmem:v5+s17+$0x0], $0xffff;
	_ =	sdelay $0x2  }
0x1b3: {  	v6 =	vor.u32 $0x1E, v2;
	_ =	sdelay $0x1  }
0x1b4: {  	v4 =	vmul.f32 v4, v3;
	_ =	sdelay $0x1  }
0x1b5: {  	[tilespmem:v5+s17+$0x0] =	vst.idx.msk $0xffff, v4  }
0x1b6: {  	v5 =	vld.idx.msk [tilespmem:v6+s17+$0x0], $0xffff;
	_ =	sdelay $0x2  }
0x1b7: {  	v4 =	vor.u32 $0x1F, v2;
	_ =	sdelay $0x1  }
0x1b8: {  	v2 =	vmul.f32 v5, v3  }
0x1b9: {  	s4 =	smul.u32 $0xCD, s4  }
0x1ba: {  	[tilespmem:v6+s17+$0x0] =	vst.idx.msk $0xffff, v2  }
0x1bb: {  	p1 =	por $0x1, $0x1;
	s4 =	sshrl.u32 s4, $0xA;
	s7 =	simm.s32 $0x10;
	v5 =	vld.idx.msk [tilespmem:v4+s17+$0x0], $0xffff  }
.Ltmp5:
0x1bc: {  	s4 =	sand.u32 $0x3F, s4;
	v2 =	vmov s7;
	(pc) =	sbr.rel @!p1 .LBB2_10-.Ltmp5, $4  }
0x1bd: {  	s25 =	smul.u32 $0x5, s4;
	v2 =	vshll.u32 v2, $0x5  }
0x1be: {  	s4 =	smul.u32 $0x140, s4;
	v2 =	vor.u32 v1, v2  }
0x1bf: {  	s13 =	simm.s32 $0x2;
	s15 =	ssub.s32 $0x1, s25  }
0x1c0: {  	p0 =	por $0x1, $0x1;
	s25 =	sand.u32 $0xFF, s15;
	s15 =	sshrl.u32 s4, $0x2;
	v3 =	vmul.f32 v5, v3  }
.LBB2_9:
0x1c1: {  	p1 =	sne.s32 s13, $0x7C  }
0x1c2: {  	s25 =	sshll.u32 s25, $0x4;
	[tilespmem:v4+s17+$0x0] =	vst.idx.msk $0xffff, v3;
	s4 =	smov.u32 s13;
	s13 =	sadd.s32 $0x1, s13  }
0x1c3: {  	s15 =	sadd.s32 s25, s15;
	v4 =	vld.idx.msk [tilespmem:v2+s17+$0x0], $0xffff  }
0x1c4: {  	v3 =	vld [tilespmem:s15+$0x5DC0];
	_ =	sdelay $0x2  }
0x1c5: {  	v5 =	vor.u32 $0x1, v2;
	_ =	sdelay $0x1  }
0x1c6: {  	v4 =	vmul.f32 v4, v3;
	_ =	sdelay $0x1  }
0x1c7: {  	[tilespmem:v2+s17+$0x0] =	vst.idx.msk $0xffff, v4  }
0x1c8: {  	v4 =	vld.idx.msk [tilespmem:v5+s17+$0x0], $0xffff;
	_ =	sdelay $0x3  }
0x1c9: {  	v6 =	vor.u32 $0x2, v2;
	_ =	sdelay $0x1  }
0x1ca: {  	v4 =	vmul.f32 v4, v3;
	_ =	sdelay $0x1  }
0x1cb: {  	[tilespmem:v5+s17+$0x0] =	vst.idx.msk $0xffff, v4  }
0x1cc: {  	v4 =	vld.idx.msk [tilespmem:v6+s17+$0x0], $0xffff;
	_ =	sdelay $0x3  }
0x1cd: {  	v5 =	vor.u32 $0x3, v2;
	_ =	sdelay $0x1  }
0x1ce: {  	v4 =	vmul.f32 v4, v3;
	_ =	sdelay $0x1  }
0x1cf: {  	[tilespmem:v6+s17+$0x0] =	vst.idx.msk $0xffff, v4  }
0x1d0: {  	v4 =	vld.idx.msk [tilespmem:v5+s17+$0x0], $0xffff;
	_ =	sdelay $0x3  }
0x1d1: {  	v6 =	vor.u32 $0x4, v2;
	_ =	sdelay $0x1  }
0x1d2: {  	v4 =	vmul.f32 v4, v3;
	_ =	sdelay $0x1  }
0x1d3: {  	[tilespmem:v5+s17+$0x0] =	vst.idx.msk $0xffff, v4  }
0x1d4: {  	v4 =	vld.idx.msk [tilespmem:v6+s17+$0x0], $0xffff;
	_ =	sdelay $0x3  }
0x1d5: {  	v5 =	vor.u32 $0x5, v2;
	_ =	sdelay $0x1  }
0x1d6: {  	v4 =	vmul.f32 v4, v3;
	_ =	sdelay $0x1  }
0x1d7: {  	[tilespmem:v6+s17+$0x0] =	vst.idx.msk $0xffff, v4  }
0x1d8: {  	v4 =	vld.idx.msk [tilespmem:v5+s17+$0x0], $0xffff;
	_ =	sdelay $0x3  }
0x1d9: {  	v6 =	vor.u32 $0x6, v2;
	_ =	sdelay $0x1  }
0x1da: {  	v4 =	vmul.f32 v4, v3;
	_ =	sdelay $0x1  }
0x1db: {  	[tilespmem:v5+s17+$0x0] =	vst.idx.msk $0xffff, v4  }
0x1dc: {  	v4 =	vld.idx.msk [tilespmem:v6+s17+$0x0], $0xffff;
	_ =	sdelay $0x3  }
0x1dd: {  	v5 =	vor.u32 $0x7, v2;
	_ =	sdelay $0x1  }
0x1de: {  	v4 =	vmul.f32 v4, v3;
	_ =	sdelay $0x1  }
0x1df: {  	[tilespmem:v6+s17+$0x0] =	vst.idx.msk $0xffff, v4  }
0x1e0: {  	v4 =	vld.idx.msk [tilespmem:v5+s17+$0x0], $0xffff;
	_ =	sdelay $0x3  }
0x1e1: {  	v6 =	vor.u32 $0x8, v2;
	_ =	sdelay $0x1  }
0x1e2: {  	v4 =	vmul.f32 v4, v3;
	_ =	sdelay $0x1  }
0x1e3: {  	[tilespmem:v5+s17+$0x0] =	vst.idx.msk $0xffff, v4  }
0x1e4: {  	v4 =	vld.idx.msk [tilespmem:v6+s17+$0x0], $0xffff;
	_ =	sdelay $0x3  }
0x1e5: {  	v5 =	vor.u32 $0x9, v2;
	_ =	sdelay $0x1  }
0x1e6: {  	v4 =	vmul.f32 v4, v3;
	_ =	sdelay $0x1  }
0x1e7: {  	[tilespmem:v6+s17+$0x0] =	vst.idx.msk $0xffff, v4  }
0x1e8: {  	v4 =	vld.idx.msk [tilespmem:v5+s17+$0x0], $0xffff;
	_ =	sdelay $0x3  }
0x1e9: {  	v6 =	vor.u32 $0xA, v2;
	_ =	sdelay $0x1  }
0x1ea: {  	v4 =	vmul.f32 v4, v3;
	_ =	sdelay $0x1  }
0x1eb: {  	[tilespmem:v5+s17+$0x0] =	vst.idx.msk $0xffff, v4  }
0x1ec: {  	v4 =	vld.idx.msk [tilespmem:v6+s17+$0x0], $0xffff;
	_ =	sdelay $0x3  }
0x1ed: {  	v5 =	vor.u32 $0xB, v2;
	_ =	sdelay $0x1  }
0x1ee: {  	v4 =	vmul.f32 v4, v3;
	_ =	sdelay $0x1  }
0x1ef: {  	[tilespmem:v6+s17+$0x0] =	vst.idx.msk $0xffff, v4  }
0x1f0: {  	v4 =	vld.idx.msk [tilespmem:v5+s17+$0x0], $0xffff;
	_ =	sdelay $0x3  }
0x1f1: {  	v6 =	vor.u32 $0xC, v2;
	_ =	sdelay $0x1  }
0x1f2: {  	v4 =	vmul.f32 v4, v3;
	_ =	sdelay $0x1  }
0x1f3: {  	[tilespmem:v5+s17+$0x0] =	vst.idx.msk $0xffff, v4  }
0x1f4: {  	v4 =	vld.idx.msk [tilespmem:v6+s17+$0x0], $0xffff;
	_ =	sdelay $0x3  }
0x1f5: {  	v5 =	vor.u32 $0xD, v2;
	_ =	sdelay $0x1  }
0x1f6: {  	v4 =	vmul.f32 v4, v3;
	_ =	sdelay $0x1  }
0x1f7: {  	[tilespmem:v6+s17+$0x0] =	vst.idx.msk $0xffff, v4  }
0x1f8: {  	v4 =	vld.idx.msk [tilespmem:v5+s17+$0x0], $0xffff;
	_ =	sdelay $0x3  }
0x1f9: {  	v6 =	vor.u32 $0xE, v2;
	_ =	sdelay $0x1  }
0x1fa: {  	v4 =	vmul.f32 v4, v3;
	_ =	sdelay $0x1  }
0x1fb: {  	[tilespmem:v5+s17+$0x0] =	vst.idx.msk $0xffff, v4  }
0x1fc: {  	v4 =	vld.idx.msk [tilespmem:v6+s17+$0x0], $0xffff;
	_ =	sdelay $0x3  }
0x1fd: {  	v5 =	vor.u32 $0xF, v2;
	_ =	sdelay $0x1  }
0x1fe: {  	v4 =	vmul.f32 v4, v3;
	_ =	sdelay $0x1  }
0x1ff: {  	[tilespmem:v6+s17+$0x0] =	vst.idx.msk $0xffff, v4  }
0x200: {  	v4 =	vld.idx.msk [tilespmem:v5+s17+$0x0], $0xffff;
	_ =	sdelay $0x3  }
0x201: {  	v6 =	vor.u32 $0x10, v2;
	_ =	sdelay $0x1  }
0x202: {  	v4 =	vmul.f32 v4, v3;
	_ =	sdelay $0x1  }
0x203: {  	[tilespmem:v5+s17+$0x0] =	vst.idx.msk $0xffff, v4  }
0x204: {  	v4 =	vld.idx.msk [tilespmem:v6+s17+$0x0], $0xffff;
	_ =	sdelay $0x3  }
0x205: {  	v5 =	vor.u32 $0x11, v2;
	_ =	sdelay $0x1  }
0x206: {  	v4 =	vmul.f32 v4, v3;
	_ =	sdelay $0x1  }
0x207: {  	[tilespmem:v6+s17+$0x0] =	vst.idx.msk $0xffff, v4  }
0x208: {  	v4 =	vld.idx.msk [tilespmem:v5+s17+$0x0], $0xffff;
	_ =	sdelay $0x3  }
0x209: {  	v6 =	vor.u32 $0x12, v2;
	_ =	sdelay $0x1  }
0x20a: {  	v4 =	vmul.f32 v4, v3;
	_ =	sdelay $0x1  }
0x20b: {  	[tilespmem:v5+s17+$0x0] =	vst.idx.msk $0xffff, v4  }
0x20c: {  	v4 =	vld.idx.msk [tilespmem:v6+s17+$0x0], $0xffff;
	_ =	sdelay $0x3  }
0x20d: {  	v5 =	vor.u32 $0x13, v2;
	_ =	sdelay $0x1  }
0x20e: {  	v4 =	vmul.f32 v4, v3;
	_ =	sdelay $0x1  }
0x20f: {  	[tilespmem:v6+s17+$0x0] =	vst.idx.msk $0xffff, v4  }
0x210: {  	v4 =	vld.idx.msk [tilespmem:v5+s17+$0x0], $0xffff;
	_ =	sdelay $0x3  }
0x211: {  	v6 =	vor.u32 $0x14, v2;
	_ =	sdelay $0x1  }
0x212: {  	v4 =	vmul.f32 v4, v3;
	_ =	sdelay $0x1  }
0x213: {  	[tilespmem:v5+s17+$0x0] =	vst.idx.msk $0xffff, v4  }
0x214: {  	v4 =	vld.idx.msk [tilespmem:v6+s17+$0x0], $0xffff;
	_ =	sdelay $0x3  }
0x215: {  	v5 =	vor.u32 $0x15, v2;
	_ =	sdelay $0x1  }
0x216: {  	v4 =	vmul.f32 v4, v3;
	_ =	sdelay $0x1  }
0x217: {  	[tilespmem:v6+s17+$0x0] =	vst.idx.msk $0xffff, v4  }
0x218: {  	v4 =	vld.idx.msk [tilespmem:v5+s17+$0x0], $0xffff;
	_ =	sdelay $0x3  }
0x219: {  	v6 =	vor.u32 $0x16, v2;
	_ =	sdelay $0x1  }
0x21a: {  	v4 =	vmul.f32 v4, v3;
	_ =	sdelay $0x1  }
0x21b: {  	[tilespmem:v5+s17+$0x0] =	vst.idx.msk $0xffff, v4  }
0x21c: {  	v4 =	vld.idx.msk [tilespmem:v6+s17+$0x0], $0xffff;
	_ =	sdelay $0x3  }
0x21d: {  	v5 =	vor.u32 $0x17, v2;
	_ =	sdelay $0x1  }
0x21e: {  	v4 =	vmul.f32 v4, v3;
	_ =	sdelay $0x1  }
0x21f: {  	[tilespmem:v6+s17+$0x0] =	vst.idx.msk $0xffff, v4  }
0x220: {  	v4 =	vld.idx.msk [tilespmem:v5+s17+$0x0], $0xffff;
	_ =	sdelay $0x3  }
0x221: {  	v6 =	vor.u32 $0x18, v2;
	_ =	sdelay $0x1  }
0x222: {  	v4 =	vmul.f32 v4, v3;
	_ =	sdelay $0x1  }
0x223: {  	[tilespmem:v5+s17+$0x0] =	vst.idx.msk $0xffff, v4  }
0x224: {  	v4 =	vld.idx.msk [tilespmem:v6+s17+$0x0], $0xffff;
	_ =	sdelay $0x3  }
0x225: {  	v5 =	vor.u32 $0x19, v2;
	_ =	sdelay $0x1  }
0x226: {  	v4 =	vmul.f32 v4, v3;
	_ =	sdelay $0x1  }
0x227: {  	[tilespmem:v6+s17+$0x0] =	vst.idx.msk $0xffff, v4  }
0x228: {  	v4 =	vld.idx.msk [tilespmem:v5+s17+$0x0], $0xffff;
	_ =	sdelay $0x3  }
0x229: {  	v6 =	vor.u32 $0x1A, v2;
	_ =	sdelay $0x1  }
0x22a: {  	v4 =	vmul.f32 v4, v3;
	_ =	sdelay $0x1  }
0x22b: {  	[tilespmem:v5+s17+$0x0] =	vst.idx.msk $0xffff, v4  }
0x22c: {  	v4 =	vld.idx.msk [tilespmem:v6+s17+$0x0], $0xffff;
	_ =	sdelay $0x3  }
0x22d: {  	v5 =	vor.u32 $0x1B, v2;
	_ =	sdelay $0x1  }
0x22e: {  	v4 =	vmul.f32 v4, v3;
	_ =	sdelay $0x1  }
0x22f: {  	[tilespmem:v6+s17+$0x0] =	vst.idx.msk $0xffff, v4  }
0x230: {  	v4 =	vld.idx.msk [tilespmem:v5+s17+$0x0], $0xffff;
	_ =	sdelay $0x3  }
0x231: {  	v6 =	vor.u32 $0x1C, v2;
	_ =	sdelay $0x1  }
0x232: {  	v4 =	vmul.f32 v4, v3;
	_ =	sdelay $0x1  }
0x233: {  	[tilespmem:v5+s17+$0x0] =	vst.idx.msk $0xffff, v4  }
0x234: {  	v4 =	vld.idx.msk [tilespmem:v6+s17+$0x0], $0xffff;
	_ =	sdelay $0x3  }
0x235: {  	v5 =	vor.u32 $0x1D, v2;
	_ =	sdelay $0x1  }
0x236: {  	v4 =	vmul.f32 v4, v3;
	_ =	sdelay $0x1  }
0x237: {  	[tilespmem:v6+s17+$0x0] =	vst.idx.msk $0xffff, v4  }
0x238: {  	v4 =	vld.idx.msk [tilespmem:v5+s17+$0x0], $0xffff;
	_ =	sdelay $0x3  }
0x239: {  	v6 =	vor.u32 $0x1E, v2;
	_ =	sdelay $0x1  }
0x23a: {  	v4 =	vmul.f32 v4, v3;
	_ =	sdelay $0x1  }
0x23b: {  	[tilespmem:v5+s17+$0x0] =	vst.idx.msk $0xffff, v4  }
0x23c: {  	v5 =	vld.idx.msk [tilespmem:v6+s17+$0x0], $0xffff;
	_ =	sdelay $0x3  }
0x23d: {  	v4 =	vor.u32 $0x1F, v2;
	_ =	sdelay $0x1  }
0x23e: {  	v2 =	vmul.f32 v5, v3;
	_ =	sdelay $0x1  }
0x23f: {  	[tilespmem:v6+s17+$0x0] =	vst.idx.msk $0xffff, v2  }
0x240: {  	s15 =	smul.u32 $0xCD, s4;
	v5 =	vld.idx.msk [tilespmem:v4+s17+$0x0], $0xffff  }
0x241: {  	s7 =	sadd.s32 $0x10, s7  }
0x242: {  	s15 =	sshrl.u32 s15, $0xA;
	v2 =	vmov s7  }
.Ltmp6:
0x243: {  	s15 =	sand.u32 $0x3F, s15;
	v2 =	vshll.u32 v2, $0x5;
	(pc) =	sbr.rel @p1 .LBB2_9-.Ltmp6, $4  }
0x244: {  	s25 =	smul.u32 $0x5, s15;
	v2 =	vor.u32 v1, v2  }
0x245: {  	s15 =	smul.u32 $0x140, s15  }
0x246: {  	s4 =	ssub.s32 s4, s25;
	v3 =	vmul.f32 v5, v3  }
0x247: {  	s15 =	sshrl.u32 s15, $0x2;
	s25 =	sand.u32 $0xFF, s4  }
.LBB2_10:
0x248: {  	_ =	sdelay $0x2  }
0x249: {  	s4 =	sshll.u32 s25, $0x4  }
0x24a: {  	s4 =	sadd.s32 s4, s15;
	[tilespmem:v4+s17+$0x0] =	vst.idx.msk @p0 $0xffff, v3  }
0x24b: {  	v3 =	vld [tilespmem:s4+$0x5DC0]  }
0x24c: {  	v4 =	vld.idx.msk [tilespmem:v2+s17+$0x0], $0xffff;
	_ =	sdelay $0x2  }
0x24d: {  	v5 =	vor.u32 $0x1, v2;
	_ =	sdelay $0x1  }
0x24e: {  	v4 =	vmul.f32 v4, v3;
	_ =	sdelay $0x1  }
0x24f: {  	[tilespmem:v2+s17+$0x0] =	vst.idx.msk $0xffff, v4  }
0x250: {  	v4 =	vld.idx.msk [tilespmem:v5+s17+$0x0], $0xffff;
	_ =	sdelay $0x2  }
0x251: {  	v6 =	vor.u32 $0x2, v2;
	_ =	sdelay $0x1  }
0x252: {  	v4 =	vmul.f32 v4, v3;
	_ =	sdelay $0x1  }
0x253: {  	[tilespmem:v5+s17+$0x0] =	vst.idx.msk $0xffff, v4  }
0x254: {  	v4 =	vld.idx.msk [tilespmem:v6+s17+$0x0], $0xffff;
	_ =	sdelay $0x2  }
0x255: {  	v36 =	vor.u32 $0x3, v2;
	_ =	sdelay $0x1  }
0x256: {  	v4 =	vmul.f32 v4, v3;
	_ =	sdelay $0x1  }
0x257: {  	[tilespmem:v6+s17+$0x0] =	vst.idx.msk $0xffff, v4  }
0x258: {  	v4 =	vld.idx.msk [tilespmem:v36+s17+$0x0], $0xffff;
	_ =	sdelay $0x2  }
0x259: {  	v37 =	vor.u32 $0x4, v2;
	_ =	sdelay $0x1  }
0x25a: {  	v4 =	vmul.f32 v4, v3;
	_ =	sdelay $0x1  }
0x25b: {  	[tilespmem:v36+s17+$0x0] =	vst.idx.msk $0xffff, v4  }
0x25c: {  	v4 =	vld.idx.msk [tilespmem:v37+s17+$0x0], $0xffff;
	_ =	sdelay $0x2  }
0x25d: {  	v38 =	vor.u32 $0x5, v2;
	_ =	sdelay $0x1  }
0x25e: {  	v4 =	vmul.f32 v4, v3;
	_ =	sdelay $0x1  }
0x25f: {  	[tilespmem:v37+s17+$0x0] =	vst.idx.msk $0xffff, v4  }
0x260: {  	v4 =	vld.idx.msk [tilespmem:v38+s17+$0x0], $0xffff;
	_ =	sdelay $0x2  }
0x261: {  	v39 =	vor.u32 $0x6, v2;
	_ =	sdelay $0x1  }
0x262: {  	v4 =	vmul.f32 v4, v3;
	_ =	sdelay $0x1  }
0x263: {  	[tilespmem:v38+s17+$0x0] =	vst.idx.msk $0xffff, v4  }
0x264: {  	v4 =	vld.idx.msk [tilespmem:v39+s17+$0x0], $0xffff;
	_ =	sdelay $0x2  }
0x265: {  	v40 =	vor.u32 $0x7, v2;
	_ =	sdelay $0x1  }
0x266: {  	v4 =	vmul.f32 v4, v3;
	_ =	sdelay $0x1  }
0x267: {  	[tilespmem:v39+s17+$0x0] =	vst.idx.msk $0xffff, v4  }
0x268: {  	v4 =	vld.idx.msk [tilespmem:v40+s17+$0x0], $0xffff;
	_ =	sdelay $0x2  }
0x269: {  	v41 =	vor.u32 $0x8, v2;
	_ =	sdelay $0x1  }
0x26a: {  	v4 =	vmul.f32 v4, v3;
	_ =	sdelay $0x1  }
0x26b: {  	[tilespmem:v40+s17+$0x0] =	vst.idx.msk $0xffff, v4  }
0x26c: {  	v4 =	vld.idx.msk [tilespmem:v41+s17+$0x0], $0xffff;
	_ =	sdelay $0x2  }
0x26d: {  	v42 =	vor.u32 $0x9, v2;
	_ =	sdelay $0x1  }
0x26e: {  	v4 =	vmul.f32 v4, v3;
	_ =	sdelay $0x1  }
0x26f: {  	[tilespmem:v41+s17+$0x0] =	vst.idx.msk $0xffff, v4  }
0x270: {  	v4 =	vld.idx.msk [tilespmem:v42+s17+$0x0], $0xffff;
	_ =	sdelay $0x2  }
0x271: {  	v43 =	vor.u32 $0xA, v2;
	_ =	sdelay $0x1  }
0x272: {  	v4 =	vmul.f32 v4, v3;
	_ =	sdelay $0x1  }
0x273: {  	[tilespmem:v42+s17+$0x0] =	vst.idx.msk $0xffff, v4  }
0x274: {  	v4 =	vld.idx.msk [tilespmem:v43+s17+$0x0], $0xffff;
	_ =	sdelay $0x2  }
0x275: {  	v44 =	vor.u32 $0xB, v2;
	_ =	sdelay $0x1  }
0x276: {  	v4 =	vmul.f32 v4, v3;
	_ =	sdelay $0x1  }
0x277: {  	[tilespmem:v43+s17+$0x0] =	vst.idx.msk $0xffff, v4  }
0x278: {  	v4 =	vld.idx.msk [tilespmem:v44+s17+$0x0], $0xffff;
	_ =	sdelay $0x2  }
0x279: {  	v45 =	vor.u32 $0xC, v2;
	_ =	sdelay $0x1  }
0x27a: {  	v4 =	vmul.f32 v4, v3;
	_ =	sdelay $0x1  }
0x27b: {  	[tilespmem:v44+s17+$0x0] =	vst.idx.msk $0xffff, v4  }
0x27c: {  	v4 =	vld.idx.msk [tilespmem:v45+s17+$0x0], $0xffff;
	_ =	sdelay $0x2  }
0x27d: {  	v46 =	vor.u32 $0xD, v2;
	_ =	sdelay $0x1  }
0x27e: {  	v4 =	vmul.f32 v4, v3;
	_ =	sdelay $0x1  }
0x27f: {  	[tilespmem:v45+s17+$0x0] =	vst.idx.msk $0xffff, v4  }
0x280: {  	v4 =	vld.idx.msk [tilespmem:v46+s17+$0x0], $0xffff;
	_ =	sdelay $0x2  }
0x281: {  	v47 =	vor.u32 $0xE, v2;
	_ =	sdelay $0x1  }
0x282: {  	v4 =	vmul.f32 v4, v3;
	_ =	sdelay $0x1  }
0x283: {  	[tilespmem:v46+s17+$0x0] =	vst.idx.msk $0xffff, v4  }
0x284: {  	v4 =	vld.idx.msk [tilespmem:v47+s17+$0x0], $0xffff;
	_ =	sdelay $0x2  }
0x285: {  	v48 =	vor.u32 $0xF, v2;
	_ =	sdelay $0x1  }
0x286: {  	v4 =	vmul.f32 v4, v3;
	_ =	sdelay $0x1  }
0x287: {  	[tilespmem:v47+s17+$0x0] =	vst.idx.msk $0xffff, v4  }
0x288: {  	v4 =	vld.idx.msk [tilespmem:v48+s17+$0x0], $0xffff;
	_ =	sdelay $0x2  }
0x289: {  	v49 =	vor.u32 $0x10, v2;
	_ =	sdelay $0x1  }
0x28a: {  	v4 =	vmul.f32 v4, v3;
	_ =	sdelay $0x1  }
0x28b: {  	[tilespmem:v48+s17+$0x0] =	vst.idx.msk $0xffff, v4  }
0x28c: {  	v4 =	vld.idx.msk [tilespmem:v49+s17+$0x0], $0xffff;
	_ =	sdelay $0x2  }
0x28d: {  	v50 =	vor.u32 $0x11, v2;
	_ =	sdelay $0x1  }
0x28e: {  	v4 =	vmul.f32 v4, v3;
	_ =	sdelay $0x1  }
0x28f: {  	[tilespmem:v49+s17+$0x0] =	vst.idx.msk $0xffff, v4  }
0x290: {  	v4 =	vld.idx.msk [tilespmem:v50+s17+$0x0], $0xffff;
	_ =	sdelay $0x2  }
0x291: {  	v51 =	vor.u32 $0x12, v2;
	_ =	sdelay $0x1  }
0x292: {  	v4 =	vmul.f32 v4, v3;
	_ =	sdelay $0x1  }
0x293: {  	[tilespmem:v50+s17+$0x0] =	vst.idx.msk $0xffff, v4  }
0x294: {  	v4 =	vld.idx.msk [tilespmem:v51+s17+$0x0], $0xffff;
	_ =	sdelay $0x2  }
0x295: {  	v52 =	vor.u32 $0x13, v2;
	_ =	sdelay $0x1  }
0x296: {  	v4 =	vmul.f32 v4, v3;
	_ =	sdelay $0x1  }
0x297: {  	[tilespmem:v51+s17+$0x0] =	vst.idx.msk $0xffff, v4  }
0x298: {  	v4 =	vld.idx.msk [tilespmem:v52+s17+$0x0], $0xffff;
	_ =	sdelay $0x2  }
0x299: {  	v53 =	vor.u32 $0x14, v2;
	_ =	sdelay $0x1  }
0x29a: {  	v4 =	vmul.f32 v4, v3;
	_ =	sdelay $0x1  }
0x29b: {  	[tilespmem:v52+s17+$0x0] =	vst.idx.msk $0xffff, v4  }
0x29c: {  	v4 =	vld.idx.msk [tilespmem:v53+s17+$0x0], $0xffff;
	_ =	sdelay $0x2  }
0x29d: {  	v54 =	vor.u32 $0x15, v2;
	_ =	sdelay $0x1  }
0x29e: {  	v4 =	vmul.f32 v4, v3;
	_ =	sdelay $0x1  }
0x29f: {  	[tilespmem:v53+s17+$0x0] =	vst.idx.msk $0xffff, v4  }
0x2a0: {  	v4 =	vld.idx.msk [tilespmem:v54+s17+$0x0], $0xffff;
	_ =	sdelay $0x2  }
0x2a1: {  	v55 =	vor.u32 $0x16, v2;
	_ =	sdelay $0x1  }
0x2a2: {  	v4 =	vmul.f32 v4, v3;
	_ =	sdelay $0x1  }
0x2a3: {  	[tilespmem:v54+s17+$0x0] =	vst.idx.msk $0xffff, v4  }
0x2a4: {  	v4 =	vld.idx.msk [tilespmem:v55+s17+$0x0], $0xffff;
	_ =	sdelay $0x2  }
0x2a5: {  	v56 =	vor.u32 $0x17, v2;
	_ =	sdelay $0x1  }
0x2a6: {  	v4 =	vmul.f32 v4, v3;
	_ =	sdelay $0x1  }
0x2a7: {  	[tilespmem:v55+s17+$0x0] =	vst.idx.msk $0xffff, v4  }
0x2a8: {  	v4 =	vld.idx.msk [tilespmem:v56+s17+$0x0], $0xffff;
	_ =	sdelay $0x2  }
0x2a9: {  	v57 =	vor.u32 $0x18, v2;
	_ =	sdelay $0x1  }
0x2aa: {  	v4 =	vmul.f32 v4, v3;
	_ =	sdelay $0x1  }
0x2ab: {  	[tilespmem:v56+s17+$0x0] =	vst.idx.msk $0xffff, v4  }
0x2ac: {  	v4 =	vld.idx.msk [tilespmem:v57+s17+$0x0], $0xffff;
	_ =	sdelay $0x2  }
0x2ad: {  	v58 =	vor.u32 $0x19, v2;
	_ =	sdelay $0x1  }
0x2ae: {  	v4 =	vmul.f32 v4, v3;
	_ =	sdelay $0x1  }
0x2af: {  	[tilespmem:v57+s17+$0x0] =	vst.idx.msk $0xffff, v4  }
0x2b0: {  	v4 =	vld.idx.msk [tilespmem:v58+s17+$0x0], $0xffff;
	_ =	sdelay $0x2  }
0x2b1: {  	v59 =	vor.u32 $0x1A, v2;
	_ =	sdelay $0x1  }
0x2b2: {  	v4 =	vmul.f32 v4, v3;
	_ =	sdelay $0x1  }
0x2b3: {  	[tilespmem:v58+s17+$0x0] =	vst.idx.msk $0xffff, v4  }
0x2b4: {  	v4 =	vld.idx.msk [tilespmem:v59+s17+$0x0], $0xffff;
	_ =	sdelay $0x2  }
0x2b5: {  	v60 =	vor.u32 $0x1B, v2;
	_ =	sdelay $0x1  }
0x2b6: {  	v4 =	vmul.f32 v4, v3;
	_ =	sdelay $0x1  }
0x2b7: {  	[tilespmem:v59+s17+$0x0] =	vst.idx.msk $0xffff, v4  }
0x2b8: {  	v4 =	vld.idx.msk [tilespmem:v60+s17+$0x0], $0xffff;
	_ =	sdelay $0x2  }
0x2b9: {  	v61 =	vor.u32 $0x1C, v2;
	_ =	sdelay $0x1  }
0x2ba: {  	v4 =	vmul.f32 v4, v3;
	_ =	sdelay $0x1  }
0x2bb: {  	[tilespmem:v60+s17+$0x0] =	vst.idx.msk $0xffff, v4  }
0x2bc: {  	v4 =	vld.idx.msk [tilespmem:v61+s17+$0x0], $0xffff;
	_ =	sdelay $0x2  }
0x2bd: {  	v62 =	vor.u32 $0x1D, v2;
	_ =	sdelay $0x1  }
0x2be: {  	v4 =	vmul.f32 v4, v3;
	_ =	sdelay $0x1  }
0x2bf: {  	[tilespmem:v61+s17+$0x0] =	vst.idx.msk $0xffff, v4  }
0x2c0: {  	v4 =	vld.idx.msk [tilespmem:v62+s17+$0x0], $0xffff;
	_ =	sdelay $0x2  }
0x2c1: {  	v63 =	vor.u32 $0x1E, v2;
	_ =	sdelay $0x1  }
0x2c2: {  	v4 =	vmul.f32 v4, v3;
	_ =	sdelay $0x1  }
0x2c3: {  	[tilespmem:v62+s17+$0x0] =	vst.idx.msk $0xffff, v4  }
0x2c4: {  	v4 =	vld.idx.msk [tilespmem:v63+s17+$0x0], $0xffff;
	_ =	sdelay $0x2  }
0x2c5: {  	v2 =	vor.u32 $0x1F, v2;
	_ =	sdelay $0x1  }
0x2c6: {  	v4 =	vmul.f32 v4, v3;
	_ =	sdelay $0x1  }
0x2c7: {  	[tilespmem:v63+s17+$0x0] =	vst.idx.msk $0xffff, v4  }
0x2c8: {  	v4 =	vld.idx.msk [tilespmem:v2+s17+$0x0], $0xffff;
	_ =	sdelay $0x4  }
0x2c9: {  	v3 =	vmul.f32 v4, v3;
	_ =	sdelay $0x1  }
0x2ca: {  	[tilespmem:v2+s17+$0x0] =	vst.idx.msk $0xffff, v3  }
0x2cb: {  	[spmem:s1] =	stream.indirect.scatter.add.f32 [tilespmem:s17], [sflag:$0x2], $0x20, s20, s22, $0xb8;
	[tilespmem:$0x1B490] =	vst v63  }
0x2cc: {  	s13 =	simm.s32 $0x5DC0  }
0x2cd: {  	[spmem:s3] =	stream.indirect.scatter.add.f32 [tilespmem:s13], [sflag:$0x2], $0x1, s20, s22, $0xb8;
	[tilespmem:$0x1B490] =	vst v63  }
0x2ce: {  	s7 =	simm.s32 $0x6F90;
	s15 =	simm.s32 $0x5640  }
0x2cf: {  	[spmem:s1] =	stream.indirect.scatter.add.f32 [tilespmem:s7], [sflag:$0x2], $0x20, s15, s22, $0xb8;
	[tilespmem:$0x1B490] =	vst v63  }
0x2d0: {  	s25 =	simm.s32 $0x5E10  }
0x2d1: {  	[spmem:s3] =	stream.indirect.scatter.add.f32 [tilespmem:s25], [sflag:$0x2], $0x1, s15, s22, $0xb8;
	[tilespmem:$0x1B490] =	vst v63  }
0x2d2: {  	s13 =	simm.s32 $0x5690;
	s15 =	simm.s32 $0x7990  }
0x2d3: {  	[spmem:s1] =	stream.indirect.scatter.add.f32 [tilespmem:s15], [sflag:$0x2], $0x20, s13, s22, $0xb8;
	[tilespmem:$0x1B490] =	vst v63  }
0x2d4: {  	s25 =	simm.s32 $0x5E60  }
0x2d5: {  	[spmem:s3] =	stream.indirect.scatter.add.f32 [tilespmem:s25], [sflag:$0x2], $0x1, s13, s22, $0xb8;
	[tilespmem:$0x1B490] =	vst v63  }
0x2d6: {  	s15 =	simm.s32 $0x8390;
	s13 =	simm.s32 $0x56E0  }
0x2d7: {  	[spmem:s1] =	stream.indirect.scatter.add.f32 [tilespmem:s15], [sflag:$0x2], $0x20, s13, s22, $0xb8;
	[tilespmem:$0x1B490] =	vst v63  }
0x2d8: {  	s25 =	simm.s32 $0x5EB0  }
0x2d9: {  	[spmem:s3] =	stream.indirect.scatter.add.f32 [tilespmem:s25], [sflag:$0x2], $0x1, s13, s22, $0xb8;
	[tilespmem:$0x1B490] =	vst v63  }
0x2da: {  	s15 =	simm.s32 $0x8D90;
	s13 =	simm.s32 $0x5730  }
0x2db: {  	[spmem:s1] =	stream.indirect.scatter.add.f32 [tilespmem:s15], [sflag:$0x2], $0x20, s13, s22, $0xb8;
	[tilespmem:$0x1B490] =	vst v63  }
0x2dc: {  	s25 =	simm.s32 $0x5F00  }
0x2dd: {  	[spmem:s3] =	stream.indirect.scatter.add.f32 [tilespmem:s25], [sflag:$0x2], $0x1, s13, s22, $0xb8;
	[tilespmem:$0x1B490] =	vst v63  }
0x2de: {  	s15 =	simm.s32 $0x9790;
	s13 =	simm.s32 $0x5780  }
0x2df: {  	[spmem:s1] =	stream.indirect.scatter.add.f32 [tilespmem:s15], [sflag:$0x2], $0x20, s13, s22, $0xb8;
	[tilespmem:$0x1B490] =	vst v63  }
0x2e0: {  	s25 =	simm.s32 $0x5F50  }
0x2e1: {  	[spmem:s3] =	stream.indirect.scatter.add.f32 [tilespmem:s25], [sflag:$0x2], $0x1, s13, s22, $0xb8;
	[tilespmem:$0x1B490] =	vst v63  }
0x2e2: {  	s15 =	simm.s32 $0xA190;
	s13 =	simm.s32 $0x57D0  }
0x2e3: {  	[spmem:s1] =	stream.indirect.scatter.add.f32 [tilespmem:s15], [sflag:$0x2], $0x20, s13, s22, $0xb8;
	[tilespmem:$0x1B490] =	vst v63  }
0x2e4: {  	s25 =	simm.s32 $0x5FA0  }
0x2e5: {  	[spmem:s3] =	stream.indirect.scatter.add.f32 [tilespmem:s25], [sflag:$0x2], $0x1, s13, s22, $0xb8;
	[tilespmem:$0x1B490] =	vst v63  }
0x2e6: {  	s15 =	simm.s32 $0xAB90;
	s13 =	simm.s32 $0x5820  }
0x2e7: {  	[spmem:s1] =	stream.indirect.scatter.add.f32 [tilespmem:s15], [sflag:$0x2], $0x20, s13, s22, $0xb8;
	[tilespmem:$0x1B490] =	vst v63  }
0x2e8: {  	s25 =	simm.s32 $0x5FF0  }
0x2e9: {  	[spmem:s3] =	stream.indirect.scatter.add.f32 [tilespmem:s25], [sflag:$0x2], $0x1, s13, s22, $0xb8;
	[tilespmem:$0x1B490] =	vst v63  }
0x2ea: {  	s15 =	simm.s32 $0xB590;
	s13 =	simm.s32 $0x5870  }
0x2eb: {  	[spmem:s1] =	stream.indirect.scatter.add.f32 [tilespmem:s15], [sflag:$0x2], $0x20, s13, s22, $0xb8;
	[tilespmem:$0x1B490] =	vst v63  }
0x2ec: {  	s25 =	simm.s32 $0x6040  }
0x2ed: {  	[spmem:s3] =	stream.indirect.scatter.add.f32 [tilespmem:s25], [sflag:$0x2], $0x1, s13, s22, $0xb8;
	[tilespmem:$0x1B490] =	vst v63  }
0x2ee: {  	s7 =	simm.s32 $0xBF90  }
0x2ef: {  	[spmem:s1] =	stream.indirect.scatter.add.f32 [tilespmem:s7], [sflag:$0x2], $0x20, s30, s22, $0xb8;
	[tilespmem:$0x1B490] =	vst v63  }
0x2f0: {  	s13 =	simm.s32 $0x6090  }
0x2f1: {  	[spmem:s3] =	stream.indirect.scatter.add.f32 [tilespmem:s13], [sflag:$0x2], $0x1, s30, s22, $0xb8;
	[tilespmem:$0x1B490] =	vst v63  }
0x2f2: {  	s15 =	simm.s32 $0xC990  }
0x2f3: {  	[spmem:s1] =	stream.indirect.scatter.add.f32 [tilespmem:s15], [sflag:$0x2], $0x20, s8, s22, $0xb8;
	[tilespmem:$0x1B490] =	vst v63  }
0x2f4: {  	s25 =	simm.s32 $0x60E0  }
0x2f5: {  	[spmem:s3] =	stream.indirect.scatter.add.f32 [tilespmem:s25], [sflag:$0x2], $0x1, s8, s22, $0xb8;
	[tilespmem:$0x1B490] =	vst v63  }
0x2f6: {  	s7 =	simm.s32 $0xD390  }
0x2f7: {  	[spmem:s1] =	stream.indirect.scatter.add.f32 [tilespmem:s7], [sflag:$0x2], $0x20, s18, s22, $0xb8;
	[tilespmem:$0x1B490] =	vst v63  }
0x2f8: {  	s13 =	simm.s32 $0x6130  }
0x2f9: {  	[spmem:s3] =	stream.indirect.scatter.add.f32 [tilespmem:s13], [sflag:$0x2], $0x1, s18, s22, $0xb8;
	[tilespmem:$0x1B490] =	vst v63  }
0x2fa: {  	s15 =	simm.s32 $0xDD90  }
0x2fb: {  	[spmem:s1] =	stream.indirect.scatter.add.f32 [tilespmem:s15], [sflag:$0x2], $0x20, s19, s22, $0xb8;
	[tilespmem:$0x1B490] =	vst v63  }
0x2fc: {  	s25 =	simm.s32 $0x6180  }
0x2fd: {  	[spmem:s3] =	stream.indirect.scatter.add.f32 [tilespmem:s25], [sflag:$0x2], $0x1, s19, s22, $0xb8;
	[tilespmem:$0x1B490] =	vst v63  }
0x2fe: {  	s7 =	simm.s32 $0xE790  }
0x2ff: {  	[spmem:s1] =	stream.indirect.scatter.add.f32 [tilespmem:s7], [sflag:$0x2], $0x20, s29, s22, $0xb8;
	[tilespmem:$0x1B490] =	vst v63  }
0x300: {  	s13 =	simm.s32 $0x61D0  }
0x301: {  	[spmem:s3] =	stream.indirect.scatter.add.f32 [tilespmem:s13], [sflag:$0x2], $0x1, s29, s22, $0xb8;
	[tilespmem:$0x1B490] =	vst v63  }
0x302: {  	s15 =	simm.s32 $0xF190  }
0x303: {  	[spmem:s1] =	stream.indirect.scatter.add.f32 [tilespmem:s15], [sflag:$0x2], $0x20, s12, s22, $0xb8;
	[tilespmem:$0x1B490] =	vst v63  }
0x304: {  	s25 =	simm.s32 $0x6220  }
0x305: {  	[spmem:s3] =	stream.indirect.scatter.add.f32 [tilespmem:s25], [sflag:$0x2], $0x1, s12, s22, $0xb8;
	[tilespmem:$0x1B490] =	vst v63  }
0x306: {  	s7 =	simm.s32 $0xFB90  }
0x307: {  	[spmem:s1] =	stream.indirect.scatter.add.f32 [tilespmem:s7], [sflag:$0x2], $0x20, s10, s22, $0xb8;
	[tilespmem:$0x1B490] =	vst v63  }
0x308: {  	s13 =	simm.s32 $0x6270  }
0x309: {  	[spmem:s3] =	stream.indirect.scatter.add.f32 [tilespmem:s13], [sflag:$0x2], $0x1, s10, s22, $0xb8;
	[tilespmem:$0x1B490] =	vst v63  }
0x30a: {  	s15 =	simm.s32 $0x10590  }
0x30b: {  	[spmem:s1] =	stream.indirect.scatter.add.f32 [tilespmem:s15], [sflag:$0x2], $0x20, s0, s22, $0xb8;
	[tilespmem:$0x1B490] =	vst v63  }
0x30c: {  	s25 =	simm.s32 $0x62C0  }
0x30d: {  	[spmem:s3] =	stream.indirect.scatter.add.f32 [tilespmem:s25], [sflag:$0x2], $0x1, s0, s22, $0xb8;
	[tilespmem:$0x1B490] =	vst v63  }
0x30e: {  	s7 =	simm.s32 $0x10F90  }
0x30f: {  	[spmem:s1] =	stream.indirect.scatter.add.f32 [tilespmem:s7], [sflag:$0x2], $0x20, s9, s22, $0xb8;
	[tilespmem:$0x1B490] =	vst v63  }
0x310: {  	s13 =	simm.s32 $0x6310  }
0x311: {  	[spmem:s3] =	stream.indirect.scatter.add.f32 [tilespmem:s13], [sflag:$0x2], $0x1, s9, s22, $0xb8;
	[tilespmem:$0x1B490] =	vst v63  }
0x312: {  	s15 =	simm.s32 $0x11990  }
0x313: {  	[spmem:s1] =	stream.indirect.scatter.add.f32 [tilespmem:s15], [sflag:$0x2], $0x20, s2, s22, $0xb8;
	[tilespmem:$0x1B490] =	vst v63  }
0x314: {  	s25 =	simm.s32 $0x6360  }
0x315: {  	[spmem:s3] =	stream.indirect.scatter.add.f32 [tilespmem:s25], [sflag:$0x2], $0x1, s2, s22, $0xb8;
	[tilespmem:$0x1B490] =	vst v63  }
0x316: {  	s7 =	simm.s32 $0x12390  }
0x317: {  	[spmem:s1] =	stream.indirect.scatter.add.f32 [tilespmem:s7], [sflag:$0x2], $0x20, s26, s22, $0xb8;
	[tilespmem:$0x1B490] =	vst v63  }
0x318: {  	s13 =	simm.s32 $0x63B0  }
0x319: {  	[spmem:s3] =	stream.indirect.scatter.add.f32 [tilespmem:s13], [sflag:$0x2], $0x1, s26, s22, $0xb8;
	[tilespmem:$0x1B490] =	vst v63  }
0x31a: {  	s15 =	simm.s32 $0x12D90  }
0x31b: {  	[spmem:s1] =	stream.indirect.scatter.add.f32 [tilespmem:s15], [sflag:$0x2], $0x20, s14, s22, $0xb8;
	[tilespmem:$0x1B490] =	vst v63  }
0x31c: {  	s25 =	simm.s32 $0x6400  }
0x31d: {  	[spmem:s3] =	stream.indirect.scatter.add.f32 [tilespmem:s25], [sflag:$0x2], $0x1, s14, s22, $0xb8;
	[tilespmem:$0x1B490] =	vst v63  }
0x31e: {  	s7 =	simm.s32 $0x13790  }
0x31f: {  	[spmem:s1] =	stream.indirect.scatter.add.f32 [tilespmem:s7], [sflag:$0x2], $0x20, s23, s22, $0xb8;
	[tilespmem:$0x1B490] =	vst v63  }
0x320: {  	s13 =	simm.s32 $0x6450  }
0x321: {  	[spmem:s3] =	stream.indirect.scatter.add.f32 [tilespmem:s13], [sflag:$0x2], $0x1, s23, s22, $0xb8;
	[tilespmem:$0x1B490] =	vst v63  }
0x322: {  	s15 =	simm.s32 $0x14190  }
0x323: {  	[spmem:s1] =	stream.indirect.scatter.add.f32 [tilespmem:s15], [sflag:$0x2], $0x20, s5, s22, $0xb8;
	[tilespmem:$0x1B490] =	vst v63  }
0x324: {  	s25 =	simm.s32 $0x64A0  }
0x325: {  	[spmem:s3] =	stream.indirect.scatter.add.f32 [tilespmem:s25], [sflag:$0x2], $0x1, s5, s22, $0xb8;
	[tilespmem:$0x1B490] =	vst v63  }
0x326: {  	s7 =	simm.s32 $0x14B90  }
0x327: {  	[spmem:s1] =	stream.indirect.scatter.add.f32 [tilespmem:s7], [sflag:$0x2], $0x20, s6, s22, $0xb8;
	[tilespmem:$0x1B490] =	vst v63  }
0x328: {  	s13 =	simm.s32 $0x64F0  }
0x329: {  	[spmem:s3] =	stream.indirect.scatter.add.f32 [tilespmem:s13], [sflag:$0x2], $0x1, s6, s22, $0xb8;
	[tilespmem:$0x1B490] =	vst v63  }
0x32a: {  	s15 =	simm.s32 $0x15590  }
0x32b: {  	[spmem:s1] =	stream.indirect.scatter.add.f32 [tilespmem:s15], [sflag:$0x2], $0x20, s11, s22, $0xb8;
	[tilespmem:$0x1B490] =	vst v63  }
0x32c: {  	s25 =	simm.s32 $0x6540  }
0x32d: {  	[spmem:s3] =	stream.indirect.scatter.add.f32 [tilespmem:s25], [sflag:$0x2], $0x1, s11, s22, $0xb8;
	[tilespmem:$0x1B490] =	vst v63  }
0x32e: {  	_ =	swait.ge [sflag:s24], $0xA00  }
0x32f: {  	[sflag:s24] =	ssyncset.done $0x0  }
0x330: {  	[sflag:s24] =	ssyncadd.s32 $0xFFFFF600  }
0x331: {  	_ =	swait.ge [sflag:s24], $0x50  }
0x332: {  	[sflag:s24] =	ssyncset.done $0x0  }
0x333: {  	[sflag:s24] =	ssyncadd.s32 $0xFFFFFFB0  }
0x334: {  	_ =	swait.ge [sflag:s24], $0xA00  }
0x335: {  	[sflag:s24] =	ssyncset.done $0x0  }
0x336: {  	[sflag:s24] =	ssyncadd.s32 $0xFFFFF600  }
0x337: {  	_ =	swait.ge [sflag:s24], $0x50  }
0x338: {  	[sflag:s24] =	ssyncset.done $0x0  }
0x339: {  	[sflag:s24] =	ssyncadd.s32 $0xFFFFFFB0  }
0x33a: {  	_ =	swait.ge [sflag:s24], $0xA00  }
0x33b: {  	[sflag:s24] =	ssyncset.done $0x0  }
0x33c: {  	[sflag:s24] =	ssyncadd.s32 $0xFFFFF600  }
0x33d: {  	_ =	swait.ge [sflag:s24], $0x50  }
0x33e: {  	[sflag:s24] =	ssyncset.done $0x0  }
0x33f: {  	[sflag:s24] =	ssyncadd.s32 $0xFFFFFFB0  }
0x340: {  	_ =	swait.ge [sflag:s24], $0xA00  }
0x341: {  	[sflag:s24] =	ssyncset.done $0x0  }
0x342: {  	[sflag:s24] =	ssyncadd.s32 $0xFFFFF600  }
0x343: {  	_ =	swait.ge [sflag:s24], $0x50  }
0x344: {  	[sflag:s24] =	ssyncset.done $0x0  }
0x345: {  	[sflag:s24] =	ssyncadd.s32 $0xFFFFFFB0  }
0x346: {  	_ =	swait.ge [sflag:s24], $0xA00  }
0x347: {  	[sflag:s24] =	ssyncset.done $0x0  }
0x348: {  	[sflag:s24] =	ssyncadd.s32 $0xFFFFF600  }
0x349: {  	_ =	swait.ge [sflag:s24], $0x50  }
0x34a: {  	[sflag:s24] =	ssyncset.done $0x0  }
0x34b: {  	[sflag:s24] =	ssyncadd.s32 $0xFFFFFFB0  }
0x34c: {  	_ =	swait.ge [sflag:s24], $0xA00  }
0x34d: {  	[sflag:s24] =	ssyncset.done $0x0  }
0x34e: {  	[sflag:s24] =	ssyncadd.s32 $0xFFFFF600  }
0x34f: {  	_ =	swait.ge [sflag:s24], $0x50  }
0x350: {  	[sflag:s24] =	ssyncset.done $0x0  }
0x351: {  	[sflag:s24] =	ssyncadd.s32 $0xFFFFFFB0  }
0x352: {  	_ =	swait.ge [sflag:s24], $0xA00  }
0x353: {  	[sflag:s24] =	ssyncset.done $0x0  }
0x354: {  	[sflag:s24] =	ssyncadd.s32 $0xFFFFF600  }
0x355: {  	_ =	swait.ge [sflag:s24], $0x50  }
0x356: {  	[sflag:s24] =	ssyncset.done $0x0  }
0x357: {  	[sflag:s24] =	ssyncadd.s32 $0xFFFFFFB0  }
0x358: {  	_ =	swait.ge [sflag:s24], $0xA00  }
0x359: {  	[sflag:s24] =	ssyncset.done $0x0  }
0x35a: {  	[sflag:s24] =	ssyncadd.s32 $0xFFFFF600  }
0x35b: {  	_ =	swait.ge [sflag:s24], $0x50  }
0x35c: {  	[sflag:s24] =	ssyncset.done $0x0  }
0x35d: {  	[sflag:s24] =	ssyncadd.s32 $0xFFFFFFB0  }
0x35e: {  	_ =	swait.ge [sflag:s24], $0xA00  }
0x35f: {  	[sflag:s24] =	ssyncset.done $0x0  }
0x360: {  	[sflag:s24] =	ssyncadd.s32 $0xFFFFF600  }
0x361: {  	_ =	swait.ge [sflag:s24], $0x50  }
0x362: {  	[sflag:s24] =	ssyncset.done $0x0  }
0x363: {  	[sflag:s24] =	ssyncadd.s32 $0xFFFFFFB0  }
0x364: {  	_ =	swait.ge [sflag:s24], $0xA00  }
0x365: {  	[sflag:s24] =	ssyncset.done $0x0  }
0x366: {  	[sflag:s24] =	ssyncadd.s32 $0xFFFFF600  }
0x367: {  	_ =	swait.ge [sflag:s24], $0x50  }
0x368: {  	[sflag:s24] =	ssyncset.done $0x0  }
0x369: {  	[sflag:s24] =	ssyncadd.s32 $0xFFFFFFB0  }
0x36a: {  	_ =	swait.ge [sflag:s24], $0xA00  }
0x36b: {  	[sflag:s24] =	ssyncset.done $0x0  }
0x36c: {  	[sflag:s24] =	ssyncadd.s32 $0xFFFFF600  }
0x36d: {  	_ =	swait.ge [sflag:s24], $0x50  }
0x36e: {  	[sflag:s24] =	ssyncset.done $0x0  }
0x36f: {  	[sflag:s24] =	ssyncadd.s32 $0xFFFFFFB0  }
0x370: {  	_ =	swait.ge [sflag:s24], $0xA00  }
0x371: {  	[sflag:s24] =	ssyncset.done $0x0  }
0x372: {  	[sflag:s24] =	ssyncadd.s32 $0xFFFFF600  }
0x373: {  	_ =	swait.ge [sflag:s24], $0x50  }
0x374: {  	[sflag:s24] =	ssyncset.done $0x0  }
0x375: {  	[sflag:s24] =	ssyncadd.s32 $0xFFFFFFB0  }
0x376: {  	_ =	swait.ge [sflag:s24], $0xA00  }
0x377: {  	[sflag:s24] =	ssyncset.done $0x0  }
0x378: {  	[sflag:s24] =	ssyncadd.s32 $0xFFFFF600  }
0x379: {  	_ =	swait.ge [sflag:s24], $0x50  }
0x37a: {  	[sflag:s24] =	ssyncset.done $0x0  }
0x37b: {  	[sflag:s24] =	ssyncadd.s32 $0xFFFFFFB0  }
0x37c: {  	_ =	swait.ge [sflag:s24], $0xA00  }
0x37d: {  	[sflag:s24] =	ssyncset.done $0x0  }
0x37e: {  	[sflag:s24] =	ssyncadd.s32 $0xFFFFF600  }
0x37f: {  	_ =	swait.ge [sflag:s24], $0x50  }
0x380: {  	[sflag:s24] =	ssyncset.done $0x0  }
0x381: {  	[sflag:s24] =	ssyncadd.s32 $0xFFFFFFB0  }
0x382: {  	_ =	swait.ge [sflag:s24], $0xA00  }
0x383: {  	[sflag:s24] =	ssyncset.done $0x0  }
0x384: {  	[sflag:s24] =	ssyncadd.s32 $0xFFFFF600  }
0x385: {  	_ =	swait.ge [sflag:s24], $0x50  }
0x386: {  	[sflag:s24] =	ssyncset.done $0x0  }
0x387: {  	[sflag:s24] =	ssyncadd.s32 $0xFFFFFFB0  }
0x388: {  	_ =	swait.ge [sflag:s24], $0xA00  }
0x389: {  	[sflag:s24] =	ssyncset.done $0x0  }
0x38a: {  	[sflag:s24] =	ssyncadd.s32 $0xFFFFF600  }
0x38b: {  	_ =	swait.ge [sflag:s24], $0x50  }
0x38c: {  	[sflag:s24] =	ssyncset.done $0x0  }
0x38d: {  	[sflag:s24] =	ssyncadd.s32 $0xFFFFFFB0  }
0x38e: {  	_ =	swait.ge [sflag:s24], $0xA00  }
0x38f: {  	[sflag:s24] =	ssyncset.done $0x0  }
0x390: {  	[sflag:s24] =	ssyncadd.s32 $0xFFFFF600  }
0x391: {  	_ =	swait.ge [sflag:s24], $0x50  }
0x392: {  	[sflag:s24] =	ssyncset.done $0x0  }
0x393: {  	[sflag:s24] =	ssyncadd.s32 $0xFFFFFFB0  }
0x394: {  	_ =	swait.ge [sflag:s24], $0xA00  }
0x395: {  	[sflag:s24] =	ssyncset.done $0x0  }
0x396: {  	[sflag:s24] =	ssyncadd.s32 $0xFFFFF600  }
0x397: {  	_ =	swait.ge [sflag:s24], $0x50  }
0x398: {  	[sflag:s24] =	ssyncset.done $0x0  }
0x399: {  	[sflag:s24] =	ssyncadd.s32 $0xFFFFFFB0  }
0x39a: {  	_ =	swait.ge [sflag:s24], $0xA00  }
0x39b: {  	[sflag:s24] =	ssyncset.done $0x0  }
0x39c: {  	[sflag:s24] =	ssyncadd.s32 $0xFFFFF600  }
0x39d: {  	_ =	swait.ge [sflag:s24], $0x50  }
0x39e: {  	[sflag:s24] =	ssyncset.done $0x0  }
0x39f: {  	[sflag:s24] =	ssyncadd.s32 $0xFFFFFFB0  }
0x3a0: {  	_ =	swait.ge [sflag:s24], $0xA00  }
0x3a1: {  	[sflag:s24] =	ssyncset.done $0x0  }
0x3a2: {  	[sflag:s24] =	ssyncadd.s32 $0xFFFFF600  }
0x3a3: {  	_ =	swait.ge [sflag:s24], $0x50  }
0x3a4: {  	[sflag:s24] =	ssyncset.done $0x0  }
0x3a5: {  	[sflag:s24] =	ssyncadd.s32 $0xFFFFFFB0  }
0x3a6: {  	_ =	swait.ge [sflag:s24], $0xA00  }
0x3a7: {  	[sflag:s24] =	ssyncset.done $0x0  }
0x3a8: {  	[sflag:s24] =	ssyncadd.s32 $0xFFFFF600  }
0x3a9: {  	_ =	swait.ge [sflag:s24], $0x50  }
0x3aa: {  	[sflag:s24] =	ssyncset.done $0x0  }
0x3ab: {  	[sflag:s24] =	ssyncadd.s32 $0xFFFFFFB0  }
0x3ac: {  	_ =	swait.ge [sflag:s24], $0xA00  }
0x3ad: {  	[sflag:s24] =	ssyncset.done $0x0  }
0x3ae: {  	[sflag:s24] =	ssyncadd.s32 $0xFFFFF600  }
0x3af: {  	_ =	swait.ge [sflag:s24], $0x50  }
0x3b0: {  	[sflag:s24] =	ssyncset.done $0x0  }
0x3b1: {  	[sflag:s24] =	ssyncadd.s32 $0xFFFFFFB0  }
0x3b2: {  	_ =	swait.ge [sflag:s24], $0xA00  }
0x3b3: {  	[sflag:s24] =	ssyncset.done $0x0  }
0x3b4: {  	[sflag:s24] =	ssyncadd.s32 $0xFFFFF600  }
0x3b5: {  	_ =	swait.ge [sflag:s24], $0x50  }
0x3b6: {  	[sflag:s24] =	ssyncset.done $0x0  }
0x3b7: {  	[sflag:s24] =	ssyncadd.s32 $0xFFFFFFB0  }
0x3b8: {  	_ =	swait.ge [sflag:s24], $0xA00  }
0x3b9: {  	[sflag:s24] =	ssyncset.done $0x0  }
0x3ba: {  	[sflag:s24] =	ssyncadd.s32 $0xFFFFF600  }
0x3bb: {  	_ =	swait.ge [sflag:s24], $0x50  }
0x3bc: {  	[sflag:s24] =	ssyncset.done $0x0  }
0x3bd: {  	s31 =	sadd.s32 $0x1, s31;
	[sflag:s24] =	ssyncadd.s32 $0xFFFFFFB0  }
0x3be: {  	p0 =	sne.s32 s31, $0x5;
	_ =	swait.ge [sflag:s24], $0xA00  }
.Ltmp7:
0x3bf: {  	[sflag:s24] =	ssyncset.done $0x0;
	(pc) =	sbr.rel @p0 .LBB2_4-.Ltmp7, $4  }
.Ltmp8:
0x3c0: {  	[sflag:s24] =	ssyncadd.s32 $0xFFFFF600;
	(pc) =	sbr.rel @!p0 .LBB2_11-.Ltmp8, $4  }
0x3c1: {  	_ =	swait.ge [sflag:s24], $0x50  }
0x3c2: {  	[sflag:s24] =	ssyncset.done $0x0  }
0x3c3: {  	[sflag:s24] =	ssyncadd.s32 $0xFFFFFFB0  }
0x3c4: {  	_ = 	snop  }
.LBB2_7:
.Ltmp9:
0x3c5: {  	(pc) =	sbr.rel .LBB2_10-.Ltmp9, $2  }
0x3c6: {  	_ =	sdelay $0x2  }
0x3c7: {  	_ = 	snop  }
.LBB2_12:
0x3c8: {  	_ =	sfence.sel $0x180000  }
0x3c9: {  	[bflag:$0x0] =	sbarrier.arrive $0xFFFF  }
0x3ca: {  	_ =	strace $0x90000047  }
0x3cb: {  	s0 =	stileid.u32;
	[bflag:$0x2] =	sbarrier.arrive $0xFFFF  }
0x3cc: {  	p0 =	sne.s32 s0, $0x0;
	s0 =	rddreg [dreg:$0x4]  }
0x3cd: {  	s0 =	sadd.s32 @!p0 $0x100000, s0  }
0x3ce: {  	[sflag:s0] =	ssyncadd.tile.s32 @!p0 $0x1;
	_ =	shalt  }
.Lfunc_end2:
_tile_overlayer_lowered:
.L_overlay_start_2:
0x3cf: {  	(tag) =	ssettag $0x2  }
0x3d0: {  	s0 =	rddreg [dreg:$0x0];
	s2 =	stileid.u32  }
0x3d1: {  	s1 =	rddreg [dreg:$0x1];
	p0 =	sne.s32 s2, $0x0  }
0x3d2: {  	s3 =	rddreg [dreg:$0x2];
	[bflag:$0x3] =	sbarrier.arrive $0xFFFF;
	s2 =	simm.s32 @!p0 $0x1C03  }
0x3d3: {  	[timem:s3], [sflag:s2] =	dma.local @!p0 [hbm:s0], s1  }
0x3d4: {  	s0 =	simm.s32 @!p0 $0x3  }
0x3d5: {  	_ =	swait.ge @!p0 [sflag:s0], s1  }
0x3d6: {  	s1 =	ssub.s32 @!p0 $0x0, s1;
	[sflag:s0] =	ssyncset.done @!p0 $0x0  }
0x3d7: {  	[sflag:s0] =	ssyncadd.s32 @!p0 s1  }
0x3d8: {  	[bflag:$0x3] =	sbarrier.arrive $0xFFFF  }
0x3d9: {  	_ =	shalt  }

</sc_bundles>
